<compile_context>
chip_gen: v7x
topology: tpu7x:2x2x1
jax: 0.10.2.dev20260603
libtpu: 0.0.44.dev20260713+nightly
codegen_flags: <defaults>
</compile_context>

<pallas_src>
import functools

import jax
import jax.numpy as jnp
from jax import lax
from jax.experimental import pallas as pl
from jax.experimental.pallas import tpu as pltpu
from jax.experimental.pallas import tpu_sc as plsc

N = 10000
E = 160000
D = 256
H = 64
G = 128

NC = 2
NS = 16
NW = NC * NS
CHUNK = 128
CPT = 40
E_PAD = NW * CPT * CHUNK
N_PAD = 10240
RPT = N_PAD // NS

H2 = 128
NBUF = 2
TOT_CHUNKS = E_PAD // CHUNK
C0 = 72
C1 = (TOT_CHUNKS // NS) - C0
PH0 = 40
A0 = 48
A1 = (TOT_CHUNKS // NS) - A0
AMAX = max(A0, A1)
CMAX = max(PH0, C0 - PH0, C1)
RB = 1024
RB1 = 1000


def _sc_mesh():
    return plsc.VectorSubcoreMesh(
        core_axis_name="c", subcore_axis_name="s",
        num_cores=NC, num_subcores=NS)


@functools.cache
def _build_deg_sc():
    return functools.partial(
        pl.kernel,
        out_type=jax.ShapeDtypeStruct((NC, N_PAD), jnp.float32),
        mesh=_sc_mesh(),
        scratch_types=[
            pltpu.VMEM((CPT, CHUNK), jnp.int32),
            pltpu.VMEM((CHUNK,), jnp.float32),
            pltpu.VMEM_SHARED((N_PAD,), jnp.float32),
        ],
    )(_deg_body)


def _deg_body(dst_hbm, ones_hbm, zeros_hbm, out_hbm, idx_v, ones_v, acc_sh):
    cid = lax.axis_index("c")
    sid = lax.axis_index("s")
    wid = sid * NC + cid
    pltpu.sync_copy(dst_hbm.at[wid], idx_v)
    pltpu.sync_copy(ones_hbm, ones_v)

    @pl.when(sid == 0)
    def _():
        pltpu.sync_copy(zeros_hbm.at[pl.ds(0, N_PAD)], acc_sh)

    plsc.subcore_barrier()

    def body(j, c):
        pltpu.sync_copy(ones_v, acc_sh.at[idx_v.at[j]], add=True)
        return c
    lax.fori_loop(0, CPT, body, 0)

    plsc.subcore_barrier()
    sl = pl.ds(sid * RPT, RPT)
    pltpu.sync_copy(acc_sh.at[sl], out_hbm.at[cid, sl])


@functools.cache
def _build_agg1_sc():
    return functools.partial(
        pl.kernel,
        out_type=jax.ShapeDtypeStruct((NC, N_PAD, H2), jnp.float32),
        mesh=_sc_mesh(),
        scratch_types=[
            pltpu.VMEM((CMAX, CHUNK), jnp.int32),
            pltpu.VMEM((CMAX, CHUNK), jnp.int32),
        ]
        + [pltpu.VMEM((CHUNK, H2), jnp.float32) for _ in range(NBUF)]
        + [pltpu.SemaphoreType.DMA for _ in range(NBUF)]
        + [pltpu.VMEM_SHARED((N_PAD, H2), jnp.float32)],
    )(_agg1_body)


def _agg1_body(src_hbm, dst_hbm, p_hbm, zeros_hbm, out_hbm,
               src_v, dst_v, *rest):
    gbuf = rest[:NBUF]
    gsem = rest[NBUF:2 * NBUF]
    acc_sh = rest[2 * NBUF]
    cid = lax.axis_index("c")
    sid = lax.axis_index("s")

    sl = pl.ds(sid * RPT, RPT)
    pltpu.sync_copy(zeros_hbm.at[sl], acc_sh.at[sl])
    plsc.subcore_barrier()

    def process(start, cnt):
        pltpu.sync_copy(src_hbm.at[pl.ds(start, cnt)], src_v.at[pl.ds(0, cnt)])
        pltpu.sync_copy(dst_hbm.at[pl.ds(start, cnt)], dst_v.at[pl.ds(0, cnt)])
        descs = [
            pltpu.async_copy(p_hbm.at[src_v.at[b]], gbuf[b], gsem[b])
            for b in range(NBUF)
        ]

        def grp(g, c):
            for b in range(NBUF):
                j = g * NBUF + b
                descs[b].wait()
                pltpu.sync_copy(gbuf[b], acc_sh.at[dst_v.at[j]], add=True)
                pltpu.async_copy(
                    p_hbm.at[src_v.at[j + NBUF]], gbuf[b], gsem[b])
            return c
        lax.fori_loop(0, cnt // NBUF - 1, grp, 0)

        g_last = cnt // NBUF - 1
        for b in range(NBUF):
            j = g_last * NBUF + b
            descs[b].wait()
            pltpu.sync_copy(gbuf[b], acc_sh.at[dst_v.at[j]], add=True)

    @pl.when(cid == 0)
    def _():
        process(sid * C0, PH0)
        process(sid * C0 + PH0, C0 - PH0)

    @pl.when(cid == 1)
    def _():
        process(NS * C0 + sid * C1, C1)

    plsc.subcore_barrier()
    pltpu.sync_copy(acc_sh.at[sl], out_hbm.at[cid, sl])


@functools.cache
def _build_agg2_sc():
    return functools.partial(
        pl.kernel,
        out_type=jax.ShapeDtypeStruct((NC, N_PAD), jnp.float32),
        mesh=_sc_mesh(),
        scratch_types=[
            pltpu.VMEM((AMAX, CHUNK), jnp.int32),
            pltpu.VMEM((AMAX, CHUNK), jnp.int32),
        ]
        + [pltpu.VMEM((CHUNK,), jnp.float32) for _ in range(4)]
        + [pltpu.SemaphoreType.DMA for _ in range(4)]
        + [pltpu.VMEM_SHARED((N_PAD,), jnp.float32)],
    )(_agg2_body)


def _agg2_body(src_hbm, dst_hbm, q_hbm, zeros_hbm, out_hbm,
               src_v, dst_v, *rest):
    nb = 4
    gbuf = rest[:nb]
    gsem = rest[nb:2 * nb]
    acc_sh = rest[2 * nb]
    cid = lax.axis_index("c")
    sid = lax.axis_index("s")

    @pl.when(sid == 0)
    def _():
        pltpu.sync_copy(zeros_hbm.at[pl.ds(0, N_PAD)], acc_sh)

    plsc.subcore_barrier()

    def process(start, cnt):
        pltpu.sync_copy(src_hbm.at[pl.ds(start, cnt)], src_v.at[pl.ds(0, cnt)])
        pltpu.sync_copy(dst_hbm.at[pl.ds(start, cnt)], dst_v.at[pl.ds(0, cnt)])
        descs = [
            pltpu.async_copy(q_hbm.at[src_v.at[b]], gbuf[b], gsem[b])
            for b in range(nb)
        ]

        def grp(g, c):
            for b in range(nb):
                j = g * nb + b
                descs[b].wait()
                pltpu.sync_copy(gbuf[b], acc_sh.at[dst_v.at[j]], add=True)
                pltpu.async_copy(q_hbm.at[src_v.at[j + nb]], gbuf[b], gsem[b])
            return c
        lax.fori_loop(0, cnt // nb - 1, grp, 0)

        g_last = cnt // nb - 1
        for b in range(nb):
            j = g_last * nb + b
            descs[b].wait()
            pltpu.sync_copy(gbuf[b], acc_sh.at[dst_v.at[j]], add=True)

    @pl.when(cid == 0)
    def _():
        process(sid * A0, A0)

    @pl.when(cid == 1)
    def _():
        process(NS * A0 + sid * A1, A1)

    plsc.subcore_barrier()
    sl = pl.ds(sid * RPT, RPT)
    pltpu.sync_copy(acc_sh.at[sl], out_hbm.at[cid, sl])


def _mm1_body(x_ref, w_ref, degp_ref, p_ref, dis_ref):
    h = jnp.dot(x_ref[...], w_ref[...], preferred_element_type=jnp.float32)
    deg = degp_ref[0] + degp_ref[1] + 2.0
    dis = lax.rsqrt(deg)
    ph = h * dis[:, None]
    p_ref[...] = jnp.concatenate(
        [ph, jnp.zeros((ph.shape[0], H2 - H), jnp.float32)], axis=1)
    dis_ref[...] = dis[:, None]


def _mm1(x_pad, W1, degp):
    return pl.pallas_call(
        _mm1_body,
        grid=(N_PAD // RB,),
        in_specs=[
            pl.BlockSpec((RB, D), lambda i: (i, 0)),
            pl.BlockSpec((D, H), lambda i: (0, 0)),
            pl.BlockSpec((NC, RB), lambda i: (0, i)),
        ],
        out_specs=[
            pl.BlockSpec((RB, H2), lambda i: (i, 0)),
            pl.BlockSpec((RB, 1), lambda i: (i, 0)),
        ],
        out_shape=[
            jax.ShapeDtypeStruct((N_PAD, H2), jnp.float32),
            jax.ShapeDtypeStruct((N_PAD, 1), jnp.float32),
        ],
    )(x_pad, W1, degp)


def _mid_body(s1_ref, p_ref, dis_ref, b1_ref, w2_ref, q_ref):
    s1 = s1_ref[0][:, :H] + s1_ref[1][:, :H]
    dis = dis_ref[...]
    r = jnp.maximum(dis * (s1 + 2.0 * p_ref[...][:, :H]) + b1_ref[...], 0.0)
    z = jnp.sum(r * w2_ref[...], axis=1, keepdims=True)
    q_ref[...] = dis * z


def _mid(s1p, p, dis, b1r, w2r):
    return pl.pallas_call(
        _mid_body,
        grid=(N_PAD // RB,),
        in_specs=[
            pl.BlockSpec((NC, RB, H2), lambda i: (0, i, 0)),
            pl.BlockSpec((RB, H2), lambda i: (i, 0)),
            pl.BlockSpec((RB, 1), lambda i: (i, 0)),
            pl.BlockSpec((1, H), lambda i: (0, 0)),
            pl.BlockSpec((1, H), lambda i: (0, 0)),
        ],
        out_specs=pl.BlockSpec((RB, 1), lambda i: (i, 0)),
        out_shape=jax.ShapeDtypeStruct((N_PAD, 1), jnp.float32),
    )(s1p, p, dis, b1r, w2r)


def _pool_body(s2_ref, q_ref, dis_ref, batch_ref, b2_ref, acc_ref, out_ref):
    i = pl.program_id(0)

    @pl.when(i == 0)
    def _():
        acc_ref[...] = jnp.zeros_like(acc_ref)

    s2 = s2_ref[0] + s2_ref[1]
    v = dis_ref[...][:, 0] * (s2 + 2.0 * q_ref[...][:, 0])
    gids = lax.broadcasted_iota(jnp.int32, (RB, G), 1)
    mask = batch_ref[...] == gids
    S = jnp.sum(jnp.where(mask, v[:, None], 0.0), axis=0)
    c = jnp.sum(mask.astype(jnp.float32), axis=0)
    acc_ref[...] += jnp.concatenate([S[None, :], c[None, :]], axis=0)

    @pl.when(i == pl.num_programs(0) - 1)
    def _():
        Sg = acc_ref[0, :]
        cg = acc_ref[1, :]
        pooled = (Sg + cg * b2_ref[0, 0]) / jnp.maximum(cg, 1.0)
        out_ref[...] = pooled[:, None]


def _pool(s2p, q, dis, batch_pad, b2r):
    _, out = pl.pallas_call(
        _pool_body,
        grid=(N_PAD // RB,),
        in_specs=[
            pl.BlockSpec((NC, RB), lambda i: (0, i)),
            pl.BlockSpec((RB, 1), lambda i: (i, 0)),
            pl.BlockSpec((RB, 1), lambda i: (i, 0)),
            pl.BlockSpec((RB, 1), lambda i: (i, 0)),
            pl.BlockSpec((1, 1), lambda i: (0, 0)),
        ],
        out_specs=[
            pl.BlockSpec((NC, G), lambda i: (0, 0)),
            pl.BlockSpec((G, 1), lambda i: (0, 0)),
        ],
        out_shape=[
            jax.ShapeDtypeStruct((NC, G), jnp.float32),
            jax.ShapeDtypeStruct((G, 1), jnp.float32),
        ],
    )(s2p, q, dis, batch_pad, b2r)
    return out


def kernel(x, edge_index, edge_attr, batch, W1, b1, W2, b2):
    del edge_attr
    src = edge_index[0]
    dst = edge_index[1]
    pad = E_PAD - E
    src3 = jnp.concatenate(
        [src, jnp.full((pad,), N, jnp.int32)]).reshape(NW, CPT, CHUNK)
    dst3 = jnp.concatenate(
        [dst, jnp.full((pad,), N, jnp.int32)]).reshape(NW, CPT, CHUNK)

    batch_pad = jnp.pad(batch, (0, N_PAD - N),
                        constant_values=G).reshape(N_PAD, 1)
    zeros_big = jnp.zeros((N_PAD, H2), jnp.float32)
    zeros_flat = zeros_big.reshape(N_PAD * H2)
    ones_chunk = jnp.ones((CHUNK,), jnp.float32)

    x_pad = jnp.pad(x, ((0, N_PAD - N), (0, 0)))
    degp = _build_deg_sc()(dst3, ones_chunk, zeros_flat)
    p, dis = _mm1(x_pad, W1, degp)
    s1p = _build_agg1_sc()(src3.reshape(TOT_CHUNKS, CHUNK),
                           dst3.reshape(TOT_CHUNKS, CHUNK), p, zeros_big)
    q = _mid(s1p, p, dis, b1.reshape(1, H), W2.reshape(1, H))
    s2p = _build_agg2_sc()(src3.reshape(TOT_CHUNKS, CHUNK),
                           dst3.reshape(TOT_CHUNKS, CHUNK),
                           q.reshape(N_PAD), zeros_flat)
    return _pool(s2p, q, dis, batch_pad, b2.reshape(1, 1))

# --- scband reference (transcript-rebuilt; emitter-appended) ---
"""Pipeline reference for scband-gnn-gcn-74285754351847 (READ-ONLY COPY).

The authoritative reference and input builder live on the scoring server;
editing this copy changes nothing except your own understanding.
"""

import jax, jax.numpy as jnp
import numpy as np

N_NODES = 10000
N_EDGES = 160000
D_FEAT = 256
HIDDEN = 64
OUT = 1
NUM_GRAPHS = 128
IMPROVED_FILL = 2.0  # gcn improved=True -> self-loop weight 2.0


def _gcn_conv(x, W, b, edge_index, fill_value):
    # GCNConv: h = x @ W; symmetric-normalized aggregation with self-loops; + bias
    N = x.shape[0]
    src = edge_index[0]
    dst = edge_index[1]
    loop = jnp.arange(N, dtype=src.dtype)
    src_full = jnp.concatenate([src, loop])
    dst_full = jnp.concatenate([dst, loop])
    w = jnp.concatenate([
        jnp.ones((src.shape[0],), dtype=x.dtype),
        jnp.full((N,), fill_value, dtype=x.dtype),
    ])
    deg = jnp.zeros((N,), dtype=x.dtype).at[dst_full].add(w)
    deg_inv_sqrt = jnp.where(deg > 0, jax.lax.rsqrt(jnp.maximum(deg, 1e-12)), 0.0)
    norm = deg_inv_sqrt[src_full] * w * deg_inv_sqrt[dst_full]
    h = x @ W
    msg = h[src_full] * norm[:, None]
    out = jnp.zeros((N, W.shape[1]), dtype=x.dtype).at[dst_full].add(msg)
    return out + b


def setup_inputs(seed: int = 0):
    key = jax.random.key(seed)
    ks = jax.random.split(key, 8)
    x = jax.random.normal(ks[0], (N_NODES, D_FEAT), dtype=jnp.float32)
    edge_index = jax.random.randint(ks[1], (2, N_EDGES), 0, N_NODES, dtype=jnp.int32)
    edge_attr = jax.random.normal(ks[2], (N_EDGES, 4), dtype=jnp.float32)
    batch = jnp.sort(jax.random.randint(ks[3], (N_NODES,), 0, NUM_GRAPHS, dtype=jnp.int32))
    W1 = jax.random.normal(ks[4], (D_FEAT, HIDDEN), dtype=jnp.float32) * (1.0 / np.sqrt(D_FEAT))
    b1 = jnp.zeros((HIDDEN,), dtype=jnp.float32)
    W2 = jax.random.normal(ks[5], (HIDDEN, OUT), dtype=jnp.float32) * (1.0 / np.sqrt(HIDDEN))
    b2 = jnp.zeros((OUT,), dtype=jnp.float32)
    return {"x": x, "edge_index": edge_index, "edge_attr": edge_attr, "batch": batch,
            "W1": W1, "b1": b1, "W2": W2, "b2": b2}


def reference(x, edge_index, edge_attr, batch, W1, b1, W2, b2):
    # PyG BasicGNN(GCN): conv1 -> relu -> (dropout, identity in eval) -> conv2 (last, no act)
    # Note: GCN model ignores edge_attr (supports_edge_attr=False), matching torch behavior.
    h = _gcn_conv(x, W1, b1, edge_index, IMPROVED_FILL)
    h = jax.nn.relu(h)
    h = _gcn_conv(h, W2, b2, edge_index, IMPROVED_FILL)
    # global_mean_pool
    sums = jax.ops.segment_sum(h, batch, num_segments=NUM_GRAPHS)
    counts = jax.ops.segment_sum(jnp.ones((h.shape[0], 1), dtype=h.dtype), batch, num_segments=NUM_GRAPHS)
    return sums / jnp.maximum(counts, 1.0)

if __name__ == "__main__":
    import jax
    _d = setup_inputs()
    print(jax.jit(kernel)(*tuple(_d.values())))

</pallas_src>

<mosaic_0001>
#map = affine_map<(d0, d1) -> (0, 0, 0)>
#map1 = affine_map<(d0, d1) -> (0)>
#map2 = affine_map<(d0, d1) -> (0, 0)>
module attributes {stable_mosaic.version = 14 : i64} {
  func.func @_deg_body(%arg0: i32, %arg1: i32, %arg2: memref<32x40x128xi32, #tpu.memory_space<hbm>>, %arg3: memref<128xf32, #tpu.memory_space<hbm>>, %arg4: memref<1310720xf32, #tpu.memory_space<hbm>>, %arg5: memref<2x10240xf32, #tpu.memory_space<hbm>>, %arg6: memref<40x128xi32, #tpu.memory_space<vmem>>, %arg7: memref<128xf32, #tpu.memory_space<vmem>>, %arg8: memref<10240xf32, #tpu.memory_space<vmem_shared>>) attributes {dimension_semantics = [#tpu.dimension_semantics<core_parallel>, #tpu.dimension_semantics<subcore_parallel>], iteration_bounds = array<i64: 2, 16>, scalar_prefetch = 0 : i64, scratch_operands = 3 : i64, tpu.core_type = #tpu.core_type<sc_vector_subcore>, window_params = [{transform_indices = #map}, {transform_indices = #map1}, {transform_indices = #map1}, {transform_indices = #map2}]} {
    %mul3A = arith.constant 2 : i32
    %mul3A_0 = arith.muli %arg1, %mul3A : i32
    %add3A = arith.addi %mul3A_0, %arg0 : i32
    "tpu.region"() ({
      %run_scoped3A = tpu.sem_alloc : memref<!tpu.dma_semaphore, #tpu.memory_space<semaphore_mem>>
      %dma_start3A = arith.constant 0 : i32
      %dma_start3A_11 = arith.constant 0 : i32
      %dma_start3A_12 = tpu.memref_slice %arg2[%add3A, %dma_start3A, %dma_start3A_11] : memref<32x40x128xi32, #tpu.memory_space<hbm>> -> memref<1x40x128xi32, #tpu.memory_space<hbm>>
      %dma_start3A_13 = tpu.memref_squeeze %dma_start3A_12 : memref<1x40x128xi32, #tpu.memory_space<hbm>> -> memref<40x128xi32, #tpu.memory_space<hbm>>
      %dma_start3A_14 = arith.constant 0 : i32
      %dma_start3A_15 = arith.constant 0 : i32
      %dma_start3A_16 = tpu.memref_slice %arg2[%add3A, %dma_start3A_14, %dma_start3A_15] : memref<32x40x128xi32, #tpu.memory_space<hbm>> -> memref<1x40x128xi32, #tpu.memory_space<hbm>>
      %dma_start3A_17 = tpu.memref_squeeze %dma_start3A_16 : memref<1x40x128xi32, #tpu.memory_space<hbm>> -> memref<40x128xi32, #tpu.memory_space<hbm>>
      tpu.enqueue_dma source(%dma_start3A_17 : memref<40x128xi32, #tpu.memory_space<hbm>>) target(%arg6 : memref<40x128xi32, #tpu.memory_space<vmem>>) target_semaphore(%run_scoped3A : memref<!tpu.dma_semaphore, #tpu.memory_space<semaphore_mem>>)
      %dma_wait3A = arith.constant 0 : i32
      %dma_wait3A_18 = arith.constant 0 : i32
      %dma_wait3A_19 = tpu.memref_slice %arg2[%add3A, %dma_wait3A, %dma_wait3A_18] : memref<32x40x128xi32, #tpu.memory_space<hbm>> -> memref<1x40x128xi32, #tpu.memory_space<hbm>>
      %dma_wait3A_20 = tpu.memref_squeeze %dma_wait3A_19 : memref<1x40x128xi32, #tpu.memory_space<hbm>> -> memref<40x128xi32, #tpu.memory_space<hbm>>
      %dma_wait3A_21 = arith.constant 0 : i32
      %dma_wait3A_22 = arith.constant 0 : i32
      %dma_wait3A_23 = tpu.memref_slice %arg2[%add3A, %dma_wait3A_21, %dma_wait3A_22] : memref<32x40x128xi32, #tpu.memory_space<hbm>> -> memref<1x40x128xi32, #tpu.memory_space<hbm>>
      %dma_wait3A_24 = tpu.memref_squeeze %dma_wait3A_23 : memref<1x40x128xi32, #tpu.memory_space<hbm>> -> memref<40x128xi32, #tpu.memory_space<hbm>>
      tpu.wait_dma2 semaphore(%run_scoped3A : memref<!tpu.dma_semaphore, #tpu.memory_space<semaphore_mem>>) src(%dma_wait3A_24 : memref<40x128xi32, #tpu.memory_space<hbm>>) dst(%arg6 : memref<40x128xi32, #tpu.memory_space<vmem>>)
      tpu.yield
    }) : () -> ()
    "tpu.region"() ({
      %run_scoped3A = tpu.sem_alloc : memref<!tpu.dma_semaphore, #tpu.memory_space<semaphore_mem>>
      tpu.enqueue_dma source(%arg3 : memref<128xf32, #tpu.memory_space<hbm>>) target(%arg7 : memref<128xf32, #tpu.memory_space<vmem>>) target_semaphore(%run_scoped3A : memref<!tpu.dma_semaphore, #tpu.memory_space<semaphore_mem>>)
      tpu.wait_dma2 semaphore(%run_scoped3A : memref<!tpu.dma_semaphore, #tpu.memory_space<semaphore_mem>>) src(%arg3 : memref<128xf32, #tpu.memory_space<hbm>>) dst(%arg7 : memref<128xf32, #tpu.memory_space<vmem>>)
      tpu.yield
    }) : () -> ()
    %eq3A = arith.constant 0 : i32
    %eq3A_1 = arith.cmpi eq, %arg1, %eq3A : i32
    %convert_element_type3A = arith.extui %eq3A_1 : i1 to i32
    %cond3A = arith.constant 0 : i32
    %cond3A_2 = arith.cmpi ne, %convert_element_type3A, %cond3A : i32
    scf.if %cond3A_2 {
      "tpu.region"() ({
        %run_scoped3A = tpu.sem_alloc : memref<!tpu.dma_semaphore, #tpu.memory_space<semaphore_mem>>
        %dma_start3A = arith.constant 0 : i32
        %dma_start3A_11 = tpu.memref_slice %arg4[%dma_start3A] : memref<1310720xf32, #tpu.memory_space<hbm>> -> memref<10240xf32, #tpu.memory_space<hbm>>
        tpu.enqueue_dma source(%dma_start3A_11 : memref<10240xf32, #tpu.memory_space<hbm>>) target(%arg8 : memref<10240xf32, #tpu.memory_space<vmem_shared>>) target_semaphore(%run_scoped3A : memref<!tpu.dma_semaphore, #tpu.memory_space<semaphore_mem>>)
        %dma_wait3A = arith.constant 0 : i32
        %dma_wait3A_12 = tpu.memref_slice %arg4[%dma_wait3A] : memref<1310720xf32, #tpu.memory_space<hbm>> -> memref<10240xf32, #tpu.memory_space<hbm>>
        tpu.wait_dma2 semaphore(%run_scoped3A : memref<!tpu.dma_semaphore, #tpu.memory_space<semaphore_mem>>) src(%dma_wait3A_12 : memref<10240xf32, #tpu.memory_space<hbm>>) dst(%arg8 : memref<10240xf32, #tpu.memory_space<vmem_shared>>)
        tpu.yield
      }) : () -> ()
    } else {
    }
    %barrier3A = arith.constant 0 : index
    tpu.barrier barrier_id(%barrier3A)
    %scan3A = arith.constant 0 : i32
    %scan3A_3 = arith.constant 0 : i32
    %scan3A_4 = arith.constant 40 : i32
    %scan3A_5 = arith.addi %scan3A_3, %scan3A_4 : i32
    %scan3A_6 = arith.constant 1 : i32
    scf.for %scan3A_11 = %scan3A_3 to %scan3A_5 step %scan3A_6  : i32 {
      "tpu.region"() ({
        %run_scoped3A = tpu.sem_alloc : memref<!tpu.dma_semaphore, #tpu.memory_space<semaphore_mem>>
        %dma_start3A = arith.constant 0 : i32
        %dma_start3A_12 = tpu.memref_slice %arg6[%scan3A_11, %dma_start3A] : memref<40x128xi32, #tpu.memory_space<vmem>> -> memref<1x128xi32, #tpu.memory_space<vmem>>
        %dma_start3A_13 = tpu.memref_squeeze %dma_start3A_12 : memref<1x128xi32, #tpu.memory_space<vmem>> -> memref<128xi32, #tpu.memory_space<vmem>>
        %dma_start3A_14 = arith.constant 0 : i32
        %dma_start3A_15 = tpu.memref_slice %arg8[%dma_start3A_14] : memref<10240xf32, #tpu.memory_space<vmem_shared>> -> memref<10240xf32, #tpu.memory_space<vmem_shared>>
        tpu.enqueue_indirect_dma source(%arg7 : memref<128xf32, #tpu.memory_space<vmem>>) target(%dma_start3A_15 : memref<10240xf32, #tpu.memory_space<vmem_shared>>) offsets(%dma_start3A_13 : memref<128xi32, #tpu.memory_space<vmem>>) semaphore(%run_scoped3A : memref<!tpu.dma_semaphore, #tpu.memory_space<semaphore_mem>>) {add = true}
        %dma_wait3A = arith.constant 0 : i32
        %dma_wait3A_16 = tpu.memref_slice %arg6[%scan3A_11, %dma_wait3A] : memref<40x128xi32, #tpu.memory_space<vmem>> -> memref<1x128xi32, #tpu.memory_space<vmem>>
        %dma_wait3A_17 = tpu.memref_squeeze %dma_wait3A_16 : memref<1x128xi32, #tpu.memory_space<vmem>> -> memref<128xi32, #tpu.memory_space<vmem>>
        %dma_wait3A_18 = arith.constant 0 : i32
        %dma_wait3A_19 = tpu.memref_slice %arg8[%dma_wait3A_18] : memref<10240xf32, #tpu.memory_space<vmem_shared>> -> memref<10240xf32, #tpu.memory_space<vmem_shared>>
        tpu.wait_indirect_dma semaphore(%run_scoped3A : memref<!tpu.dma_semaphore, #tpu.memory_space<semaphore_mem>>) src(%arg7 : memref<128xf32, #tpu.memory_space<vmem>>) dst(%dma_wait3A_19 : memref<10240xf32, #tpu.memory_space<vmem_shared>>)
        tpu.yield
      }) : () -> ()
    }
    %scan3A_7 = arith.constant 40 : i32
    %barrier3A_8 = arith.constant 0 : index
    tpu.barrier barrier_id(%barrier3A_8)
    %mul3A_9 = arith.constant 640 : i32
    %mul3A_10 = arith.muli %arg1, %mul3A_9 : i32
    "tpu.region"() ({
      %run_scoped3A = tpu.sem_alloc : memref<!tpu.dma_semaphore, #tpu.memory_space<semaphore_mem>>
      %dma_start3A = tpu.memref_slice %arg5[%arg0, %mul3A_10] : memref<2x10240xf32, #tpu.memory_space<hbm>> -> memref<1x640xf32, #tpu.memory_space<hbm>>
      %dma_start3A_11 = tpu.memref_squeeze %dma_start3A : memref<1x640xf32, #tpu.memory_space<hbm>> -> memref<640xf32, #tpu.memory_space<hbm>>
      %dma_start3A_12 = tpu.memref_slice %arg8[%mul3A_10] : memref<10240xf32, #tpu.memory_space<vmem_shared>> -> memref<640xf32, #tpu.memory_space<vmem_shared>>
      tpu.enqueue_dma source(%dma_start3A_12 : memref<640xf32, #tpu.memory_space<vmem_shared>>) target(%dma_start3A_11 : memref<640xf32, #tpu.memory_space<hbm>>) target_semaphore(%run_scoped3A : memref<!tpu.dma_semaphore, #tpu.memory_space<semaphore_mem>>)
      %dma_wait3A = tpu.memref_slice %arg5[%arg0, %mul3A_10] : memref<2x10240xf32, #tpu.memory_space<hbm>> -> memref<1x640xf32, #tpu.memory_space<hbm>>
      %dma_wait3A_13 = tpu.memref_squeeze %dma_wait3A : memref<1x640xf32, #tpu.memory_space<hbm>> -> memref<640xf32, #tpu.memory_space<hbm>>
      %dma_wait3A_14 = tpu.memref_slice %arg8[%mul3A_10] : memref<10240xf32, #tpu.memory_space<vmem_shared>> -> memref<640xf32, #tpu.memory_space<vmem_shared>>
      tpu.wait_dma2 semaphore(%run_scoped3A : memref<!tpu.dma_semaphore, #tpu.memory_space<semaphore_mem>>) src(%dma_wait3A_14 : memref<640xf32, #tpu.memory_space<vmem_shared>>) dst(%dma_wait3A_13 : memref<640xf32, #tpu.memory_space<hbm>>)
      tpu.yield
    }) : () -> ()
    return
  }
}

#map = affine_map<(d0, d1) -> (0, 0)>
#map1 = affine_map<(d0, d1) -> (0, 0, 0)>
module attributes {stable_mosaic.version = 14 : i64} {
  func.func @_agg1_body(%arg0: i32, %arg1: i32, %arg2: memref<1280x128xi32, #tpu.memory_space<hbm>>, %arg3: memref<1280x128xi32, #tpu.memory_space<hbm>>, %arg4: memref<10240x128xf32, #tpu.memory_space<hbm>>, %arg5: memref<10240x128xf32, #tpu.memory_space<hbm>>, %arg6: memref<2x10240x128xf32, #tpu.memory_space<hbm>>, %arg7: memref<40x128xi32, #tpu.memory_space<vmem>>, %arg8: memref<40x128xi32, #tpu.memory_space<vmem>>, %arg9: memref<128x128xf32, #tpu.memory_space<vmem>>, %arg10: memref<128x128xf32, #tpu.memory_space<vmem>>, %arg11: memref<!tpu.dma_semaphore, #tpu.memory_space<semaphore_mem>>, %arg12: memref<!tpu.dma_semaphore, #tpu.memory_space<semaphore_mem>>, %arg13: memref<10240x128xf32, #tpu.memory_space<vmem_shared>>) attributes {dimension_semantics = [#tpu.dimension_semantics<core_parallel>, #tpu.dimension_semantics<subcore_parallel>], iteration_bounds = array<i64: 2, 16>, scalar_prefetch = 0 : i64, scratch_operands = 7 : i64, tpu.core_type = #tpu.core_type<sc_vector_subcore>, window_params = [{transform_indices = #map}, {transform_indices = #map}, {transform_indices = #map}, {transform_indices = #map}, {transform_indices = #map1}]} {
    %mul3A = arith.constant 640 : i32
    %mul3A_0 = arith.muli %arg1, %mul3A : i32
    "tpu.region"() ({
      %run_scoped3A = tpu.sem_alloc : memref<!tpu.dma_semaphore, #tpu.memory_space<semaphore_mem>>
      %dma_start3A = arith.constant 0 : i32
      %dma_start3A_9 = tpu.memref_slice %arg13[%mul3A_0, %dma_start3A] : memref<10240x128xf32, #tpu.memory_space<vmem_shared>> -> memref<640x128xf32, #tpu.memory_space<vmem_shared>>
      %dma_start3A_10 = arith.constant 0 : i32
      %dma_start3A_11 = tpu.memref_slice %arg5[%mul3A_0, %dma_start3A_10] : memref<10240x128xf32, #tpu.memory_space<hbm>> -> memref<640x128xf32, #tpu.memory_space<hbm>>
      tpu.enqueue_dma source(%dma_start3A_11 : memref<640x128xf32, #tpu.memory_space<hbm>>) target(%dma_start3A_9 : memref<640x128xf32, #tpu.memory_space<vmem_shared>>) target_semaphore(%run_scoped3A : memref<!tpu.dma_semaphore, #tpu.memory_space<semaphore_mem>>)
      %dma_wait3A = arith.constant 0 : i32
      %dma_wait3A_12 = tpu.memref_slice %arg13[%mul3A_0, %dma_wait3A] : memref<10240x128xf32, #tpu.memory_space<vmem_shared>> -> memref<640x128xf32, #tpu.memory_space<vmem_shared>>
      %dma_wait3A_13 = arith.constant 0 : i32
      %dma_wait3A_14 = tpu.memref_slice %arg5[%mul3A_0, %dma_wait3A_13] : memref<10240x128xf32, #tpu.memory_space<hbm>> -> memref<640x128xf32, #tpu.memory_space<hbm>>
      tpu.wait_dma2 semaphore(%run_scoped3A : memref<!tpu.dma_semaphore, #tpu.memory_space<semaphore_mem>>) src(%dma_wait3A_14 : memref<640x128xf32, #tpu.memory_space<hbm>>) dst(%dma_wait3A_12 : memref<640x128xf32, #tpu.memory_space<vmem_shared>>)
      tpu.yield
    }) : () -> ()
    %barrier3A = arith.constant 0 : index
    tpu.barrier barrier_id(%barrier3A)
    %eq3A = arith.constant 0 : i32
    %eq3A_1 = arith.cmpi eq, %arg0, %eq3A : i32
    %convert_element_type3A = arith.extui %eq3A_1 : i1 to i32
    %cond3A = arith.constant 0 : i32
    %cond3A_2 = arith.cmpi ne, %convert_element_type3A, %cond3A : i32
    scf.if %cond3A_2 {
      %mul3A_9 = arith.constant 72 : i32
      %mul3A_10 = arith.muli %arg1, %mul3A_9 : i32
      "tpu.region"() ({
        %run_scoped3A_86 = tpu.sem_alloc : memref<!tpu.dma_semaphore, #tpu.memory_space<semaphore_mem>>
        %dma_start3A_87 = arith.constant 0 : i32
        %dma_start3A_88 = arith.constant 0 : i32
        %dma_start3A_89 = tpu.memref_slice %arg7[%dma_start3A_87, %dma_start3A_88] : memref<40x128xi32, #tpu.memory_space<vmem>> -> memref<40x128xi32, #tpu.memory_space<vmem>>
        %dma_start3A_90 = arith.constant 0 : i32
        %dma_start3A_91 = tpu.memref_slice %arg2[%mul3A_10, %dma_start3A_90] : memref<1280x128xi32, #tpu.memory_space<hbm>> -> memref<40x128xi32, #tpu.memory_space<hbm>>
        %dma_start3A_92 = arith.constant 0 : i32
        %dma_start3A_93 = arith.constant 0 : i32
        %dma_start3A_94 = tpu.memref_slice %arg7[%dma_start3A_92, %dma_start3A_93] : memref<40x128xi32, #tpu.memory_space<vmem>> -> memref<40x128xi32, #tpu.memory_space<vmem>>
        %dma_start3A_95 = arith.constant 0 : i32
        %dma_start3A_96 = tpu.memref_slice %arg2[%mul3A_10, %dma_start3A_95] : memref<1280x128xi32, #tpu.memory_space<hbm>> -> memref<40x128xi32, #tpu.memory_space<hbm>>
        tpu.enqueue_dma source(%dma_start3A_96 : memref<40x128xi32, #tpu.memory_space<hbm>>) target(%dma_start3A_94 : memref<40x128xi32, #tpu.memory_space<vmem>>) target_semaphore(%run_scoped3A_86 : memref<!tpu.dma_semaphore, #tpu.memory_space<semaphore_mem>>)
        %dma_wait3A_97 = arith.constant 0 : i32
        %dma_wait3A_98 = arith.constant 0 : i32
        %dma_wait3A_99 = tpu.memref_slice %arg7[%dma_wait3A_97, %dma_wait3A_98] : memref<40x128xi32, #tpu.memory_space<vmem>> -> memref<40x128xi32, #tpu.memory_space<vmem>>
        %dma_wait3A_100 = arith.constant 0 : i32
        %dma_wait3A_101 = tpu.memref_slice %arg2[%mul3A_10, %dma_wait3A_100] : memref<1280x128xi32, #tpu.memory_space<hbm>> -> memref<40x128xi32, #tpu.memory_space<hbm>>
        %dma_wait3A_102 = arith.constant 0 : i32
        %dma_wait3A_103 = arith.constant 0 : i32
        %dma_wait3A_104 = tpu.memref_slice %arg7[%dma_wait3A_102, %dma_wait3A_103] : memref<40x128xi32, #tpu.memory_space<vmem>> -> memref<40x128xi32, #tpu.memory_space<vmem>>
        %dma_wait3A_105 = arith.constant 0 : i32
        %dma_wait3A_106 = tpu.memref_slice %arg2[%mul3A_10, %dma_wait3A_105] : memref<1280x128xi32, #tpu.memory_space<hbm>> -> memref<40x128xi32, #tpu.memory_space<hbm>>
        tpu.wait_dma2 semaphore(%run_scoped3A_86 : memref<!tpu.dma_semaphore, #tpu.memory_space<semaphore_mem>>) src(%dma_wait3A_106 : memref<40x128xi32, #tpu.memory_space<hbm>>) dst(%dma_wait3A_104 : memref<40x128xi32, #tpu.memory_space<vmem>>)
        tpu.yield
      }) : () -> ()
      "tpu.region"() ({
        %run_scoped3A_86 = tpu.sem_alloc : memref<!tpu.dma_semaphore, #tpu.memory_space<semaphore_mem>>
        %dma_start3A_87 = arith.constant 0 : i32
        %dma_start3A_88 = arith.constant 0 : i32
        %dma_start3A_89 = tpu.memref_slice %arg8[%dma_start3A_87, %dma_start3A_88] : memref<40x128xi32, #tpu.memory_space<vmem>> -> memref<40x128xi32, #tpu.memory_space<vmem>>
        %dma_start3A_90 = arith.constant 0 : i32
        %dma_start3A_91 = tpu.memref_slice %arg3[%mul3A_10, %dma_start3A_90] : memref<1280x128xi32, #tpu.memory_space<hbm>> -> memref<40x128xi32, #tpu.memory_space<hbm>>
        %dma_start3A_92 = arith.constant 0 : i32
        %dma_start3A_93 = arith.constant 0 : i32
        %dma_start3A_94 = tpu.memref_slice %arg8[%dma_start3A_92, %dma_start3A_93] : memref<40x128xi32, #tpu.memory_space<vmem>> -> memref<40x128xi32, #tpu.memory_space<vmem>>
        %dma_start3A_95 = arith.constant 0 : i32
        %dma_start3A_96 = tpu.memref_slice %arg3[%mul3A_10, %dma_start3A_95] : memref<1280x128xi32, #tpu.memory_space<hbm>> -> memref<40x128xi32, #tpu.memory_space<hbm>>
        tpu.enqueue_dma source(%dma_start3A_96 : memref<40x128xi32, #tpu.memory_space<hbm>>) target(%dma_start3A_94 : memref<40x128xi32, #tpu.memory_space<vmem>>) target_semaphore(%run_scoped3A_86 : memref<!tpu.dma_semaphore, #tpu.memory_space<semaphore_mem>>)
        %dma_wait3A_97 = arith.constant 0 : i32
        %dma_wait3A_98 = arith.constant 0 : i32
        %dma_wait3A_99 = tpu.memref_slice %arg8[%dma_wait3A_97, %dma_wait3A_98] : memref<40x128xi32, #tpu.memory_space<vmem>> -> memref<40x128xi32, #tpu.memory_space<vmem>>
        %dma_wait3A_100 = arith.constant 0 : i32
        %dma_wait3A_101 = tpu.memref_slice %arg3[%mul3A_10, %dma_wait3A_100] : memref<1280x128xi32, #tpu.memory_space<hbm>> -> memref<40x128xi32, #tpu.memory_space<hbm>>
        %dma_wait3A_102 = arith.constant 0 : i32
        %dma_wait3A_103 = arith.constant 0 : i32
        %dma_wait3A_104 = tpu.memref_slice %arg8[%dma_wait3A_102, %dma_wait3A_103] : memref<40x128xi32, #tpu.memory_space<vmem>> -> memref<40x128xi32, #tpu.memory_space<vmem>>
        %dma_wait3A_105 = arith.constant 0 : i32
        %dma_wait3A_106 = tpu.memref_slice %arg3[%mul3A_10, %dma_wait3A_105] : memref<1280x128xi32, #tpu.memory_space<hbm>> -> memref<40x128xi32, #tpu.memory_space<hbm>>
        tpu.wait_dma2 semaphore(%run_scoped3A_86 : memref<!tpu.dma_semaphore, #tpu.memory_space<semaphore_mem>>) src(%dma_wait3A_106 : memref<40x128xi32, #tpu.memory_space<hbm>>) dst(%dma_wait3A_104 : memref<40x128xi32, #tpu.memory_space<vmem>>)
        tpu.yield
      }) : () -> ()
      %dma_start3A = arith.constant 0 : i32
      %dma_start3A_11 = arith.constant 0 : i32
      %dma_start3A_12 = tpu.memref_slice %arg7[%dma_start3A, %dma_start3A_11] : memref<40x128xi32, #tpu.memory_space<vmem>> -> memref<1x128xi32, #tpu.memory_space<vmem>>
      %dma_start3A_13 = tpu.memref_squeeze %dma_start3A_12 : memref<1x128xi32, #tpu.memory_space<vmem>> -> memref<128xi32, #tpu.memory_space<vmem>>
      %dma_start3A_14 = arith.constant 0 : i32
      %dma_start3A_15 = arith.constant 0 : i32
      %dma_start3A_16 = tpu.memref_slice %arg4[%dma_start3A_14, %dma_start3A_15] : memref<10240x128xf32, #tpu.memory_space<hbm>> -> memref<10240x128xf32, #tpu.memory_space<hbm>>
      tpu.enqueue_indirect_dma source(%dma_start3A_16 : memref<10240x128xf32, #tpu.memory_space<hbm>>) target(%arg9 : memref<128x128xf32, #tpu.memory_space<vmem>>) offsets(%dma_start3A_13 : memref<128xi32, #tpu.memory_space<vmem>>) semaphore(%arg11 : memref<!tpu.dma_semaphore, #tpu.memory_space<semaphore_mem>>)
      %dma_start3A_17 = arith.constant 1 : i32
      %dma_start3A_18 = arith.constant 0 : i32
      %dma_start3A_19 = tpu.memref_slice %arg7[%dma_start3A_17, %dma_start3A_18] : memref<40x128xi32, #tpu.memory_space<vmem>> -> memref<1x128xi32, #tpu.memory_space<vmem>>
      %dma_start3A_20 = tpu.memref_squeeze %dma_start3A_19 : memref<1x128xi32, #tpu.memory_space<vmem>> -> memref<128xi32, #tpu.memory_space<vmem>>
      %dma_start3A_21 = arith.constant 0 : i32
      %dma_start3A_22 = arith.constant 0 : i32
      %dma_start3A_23 = tpu.memref_slice %arg4[%dma_start3A_21, %dma_start3A_22] : memref<10240x128xf32, #tpu.memory_space<hbm>> -> memref<10240x128xf32, #tpu.memory_space<hbm>>
      tpu.enqueue_indirect_dma source(%dma_start3A_23 : memref<10240x128xf32, #tpu.memory_space<hbm>>) target(%arg10 : memref<128x128xf32, #tpu.memory_space<vmem>>) offsets(%dma_start3A_20 : memref<128xi32, #tpu.memory_space<vmem>>) semaphore(%arg12 : memref<!tpu.dma_semaphore, #tpu.memory_space<semaphore_mem>>)
      %scan3A = arith.constant 0 : i32
      %scan3A_24 = arith.constant 0 : i32
      %scan3A_25 = arith.constant 1 : i32
      %scan3A_26 = arith.constant 0 : i32
      %scan3A_27 = arith.constant 19 : i32
      %scan3A_28 = arith.addi %scan3A_26, %scan3A_27 : i32
      %scan3A_29 = arith.constant 1 : i32
      scf.for %scan3A_86 = %scan3A_26 to %scan3A_28 step %scan3A_29  : i32 {
        %mul3A_87 = arith.constant 2 : i32
        %mul3A_88 = arith.muli %scan3A_86, %mul3A_87 : i32
        %add3A_89 = arith.constant 0 : i32
        %add3A_90 = arith.addi %mul3A_88, %add3A_89 : i32
        %dma_wait3A_91 = arith.constant 0 : i32
        %dma_wait3A_92 = tpu.memref_slice %arg7[%scan3A_24, %dma_wait3A_91] : memref<40x128xi32, #tpu.memory_space<vmem>> -> memref<1x128xi32, #tpu.memory_space<vmem>>
        %dma_wait3A_93 = tpu.memref_squeeze %dma_wait3A_92 : memref<1x128xi32, #tpu.memory_space<vmem>> -> memref<128xi32, #tpu.memory_space<vmem>>
        %dma_wait3A_94 = arith.constant 0 : i32
        %dma_wait3A_95 = arith.constant 0 : i32
        %dma_wait3A_96 = tpu.memref_slice %arg4[%dma_wait3A_94, %dma_wait3A_95] : memref<10240x128xf32, #tpu.memory_space<hbm>> -> memref<10240x128xf32, #tpu.memory_space<hbm>>
        tpu.wait_indirect_dma semaphore(%arg11 : memref<!tpu.dma_semaphore, #tpu.memory_space<semaphore_mem>>) src(%dma_wait3A_96 : memref<10240x128xf32, #tpu.memory_space<hbm>>) dst(%arg9 : memref<128x128xf32, #tpu.memory_space<vmem>>)
        "tpu.region"() ({
          %run_scoped3A_123 = tpu.sem_alloc : memref<!tpu.dma_semaphore, #tpu.memory_space<semaphore_mem>>
          %dma_start3A_124 = arith.constant 0 : i32
          %dma_start3A_125 = tpu.memref_slice %arg8[%add3A_90, %dma_start3A_124] : memref<40x128xi32, #tpu.memory_space<vmem>> -> memref<1x128xi32, #tpu.memory_space<vmem>>
          %dma_start3A_126 = tpu.memref_squeeze %dma_start3A_125 : memref<1x128xi32, #tpu.memory_space<vmem>> -> memref<128xi32, #tpu.memory_space<vmem>>
          %dma_start3A_127 = arith.constant 0 : i32
          %dma_start3A_128 = arith.constant 0 : i32
          %dma_start3A_129 = tpu.memref_slice %arg13[%dma_start3A_127, %dma_start3A_128] : memref<10240x128xf32, #tpu.memory_space<vmem_shared>> -> memref<10240x128xf32, #tpu.memory_space<vmem_shared>>
          tpu.enqueue_indirect_dma source(%arg9 : memref<128x128xf32, #tpu.memory_space<vmem>>) target(%dma_start3A_129 : memref<10240x128xf32, #tpu.memory_space<vmem_shared>>) offsets(%dma_start3A_126 : memref<128xi32, #tpu.memory_space<vmem>>) semaphore(%run_scoped3A_123 : memref<!tpu.dma_semaphore, #tpu.memory_space<semaphore_mem>>) {add = true}
          %dma_wait3A_130 = arith.constant 0 : i32
          %dma_wait3A_131 = tpu.memref_slice %arg8[%add3A_90, %dma_wait3A_130] : memref<40x128xi32, #tpu.memory_space<vmem>> -> memref<1x128xi32, #tpu.memory_space<vmem>>
          %dma_wait3A_132 = tpu.memref_squeeze %dma_wait3A_131 : memref<1x128xi32, #tpu.memory_space<vmem>> -> memref<128xi32, #tpu.memory_space<vmem>>
          %dma_wait3A_133 = arith.constant 0 : i32
          %dma_wait3A_134 = arith.constant 0 : i32
          %dma_wait3A_135 = tpu.memref_slice %arg13[%dma_wait3A_133, %dma_wait3A_134] : memref<10240x128xf32, #tpu.memory_space<vmem_shared>> -> memref<10240x128xf32, #tpu.memory_space<vmem_shared>>
          tpu.wait_indirect_dma semaphore(%run_scoped3A_123 : memref<!tpu.dma_semaphore, #tpu.memory_space<semaphore_mem>>) src(%arg9 : memref<128x128xf32, #tpu.memory_space<vmem>>) dst(%dma_wait3A_135 : memref<10240x128xf32, #tpu.memory_space<vmem_shared>>)
          tpu.yield
        }) : () -> ()
        %add3A_97 = arith.constant 2 : i32
        %add3A_98 = arith.addi %add3A_90, %add3A_97 : i32
        %dma_start3A_99 = arith.constant 0 : i32
        %dma_start3A_100 = tpu.memref_slice %arg7[%add3A_98, %dma_start3A_99] : memref<40x128xi32, #tpu.memory_space<vmem>> -> memref<1x128xi32, #tpu.memory_space<vmem>>
        %dma_start3A_101 = tpu.memref_squeeze %dma_start3A_100 : memref<1x128xi32, #tpu.memory_space<vmem>> -> memref<128xi32, #tpu.memory_space<vmem>>
        %dma_start3A_102 = arith.constant 0 : i32
        %dma_start3A_103 = arith.constant 0 : i32
        %dma_start3A_104 = tpu.memref_slice %arg4[%dma_start3A_102, %dma_start3A_103] : memref<10240x128xf32, #tpu.memory_space<hbm>> -> memref<10240x128xf32, #tpu.memory_space<hbm>>
        tpu.enqueue_indirect_dma source(%dma_start3A_104 : memref<10240x128xf32, #tpu.memory_space<hbm>>) target(%arg9 : memref<128x128xf32, #tpu.memory_space<vmem>>) offsets(%dma_start3A_101 : memref<128xi32, #tpu.memory_space<vmem>>) semaphore(%arg11 : memref<!tpu.dma_semaphore, #tpu.memory_space<semaphore_mem>>)
        %mul3A_105 = arith.constant 2 : i32
        %mul3A_106 = arith.muli %scan3A_86, %mul3A_105 : i32
        %add3A_107 = arith.constant 1 : i32
        %add3A_108 = arith.addi %mul3A_106, %add3A_107 : i32
        %dma_wait3A_109 = arith.constant 0 : i32
        %dma_wait3A_110 = tpu.memref_slice %arg7[%scan3A_25, %dma_wait3A_109] : memref<40x128xi32, #tpu.memory_space<vmem>> -> memref<1x128xi32, #tpu.memory_space<vmem>>
        %dma_wait3A_111 = tpu.memref_squeeze %dma_wait3A_110 : memref<1x128xi32, #tpu.memory_space<vmem>> -> memref<128xi32, #tpu.memory_space<vmem>>
        %dma_wait3A_112 = arith.constant 0 : i32
        %dma_wait3A_113 = arith.constant 0 : i32
        %dma_wait3A_114 = tpu.memref_slice %arg4[%dma_wait3A_112, %dma_wait3A_113] : memref<10240x128xf32, #tpu.memory_space<hbm>> -> memref<10240x128xf32, #tpu.memory_space<hbm>>
        tpu.wait_indirect_dma semaphore(%arg12 : memref<!tpu.dma_semaphore, #tpu.memory_space<semaphore_mem>>) src(%dma_wait3A_114 : memref<10240x128xf32, #tpu.memory_space<hbm>>) dst(%arg10 : memref<128x128xf32, #tpu.memory_space<vmem>>)
        "tpu.region"() ({
          %run_scoped3A_123 = tpu.sem_alloc : memref<!tpu.dma_semaphore, #tpu.memory_space<semaphore_mem>>
          %dma_start3A_124 = arith.constant 0 : i32
          %dma_start3A_125 = tpu.memref_slice %arg8[%add3A_108, %dma_start3A_124] : memref<40x128xi32, #tpu.memory_space<vmem>> -> memref<1x128xi32, #tpu.memory_space<vmem>>
          %dma_start3A_126 = tpu.memref_squeeze %dma_start3A_125 : memref<1x128xi32, #tpu.memory_space<vmem>> -> memref<128xi32, #tpu.memory_space<vmem>>
          %dma_start3A_127 = arith.constant 0 : i32
          %dma_start3A_128 = arith.constant 0 : i32
          %dma_start3A_129 = tpu.memref_slice %arg13[%dma_start3A_127, %dma_start3A_128] : memref<10240x128xf32, #tpu.memory_space<vmem_shared>> -> memref<10240x128xf32, #tpu.memory_space<vmem_shared>>
          tpu.enqueue_indirect_dma source(%arg10 : memref<128x128xf32, #tpu.memory_space<vmem>>) target(%dma_start3A_129 : memref<10240x128xf32, #tpu.memory_space<vmem_shared>>) offsets(%dma_start3A_126 : memref<128xi32, #tpu.memory_space<vmem>>) semaphore(%run_scoped3A_123 : memref<!tpu.dma_semaphore, #tpu.memory_space<semaphore_mem>>) {add = true}
          %dma_wait3A_130 = arith.constant 0 : i32
          %dma_wait3A_131 = tpu.memref_slice %arg8[%add3A_108, %dma_wait3A_130] : memref<40x128xi32, #tpu.memory_space<vmem>> -> memref<1x128xi32, #tpu.memory_space<vmem>>
          %dma_wait3A_132 = tpu.memref_squeeze %dma_wait3A_131 : memref<1x128xi32, #tpu.memory_space<vmem>> -> memref<128xi32, #tpu.memory_space<vmem>>
          %dma_wait3A_133 = arith.constant 0 : i32
          %dma_wait3A_134 = arith.constant 0 : i32
          %dma_wait3A_135 = tpu.memref_slice %arg13[%dma_wait3A_133, %dma_wait3A_134] : memref<10240x128xf32, #tpu.memory_space<vmem_shared>> -> memref<10240x128xf32, #tpu.memory_space<vmem_shared>>
          tpu.wait_indirect_dma semaphore(%run_scoped3A_123 : memref<!tpu.dma_semaphore, #tpu.memory_space<semaphore_mem>>) src(%arg10 : memref<128x128xf32, #tpu.memory_space<vmem>>) dst(%dma_wait3A_135 : memref<10240x128xf32, #tpu.memory_space<vmem_shared>>)
          tpu.yield
        }) : () -> ()
        %add3A_115 = arith.constant 2 : i32
        %add3A_116 = arith.addi %add3A_108, %add3A_115 : i32
        %dma_start3A_117 = arith.constant 0 : i32
        %dma_start3A_118 = tpu.memref_slice %arg7[%add3A_116, %dma_start3A_117] : memref<40x128xi32, #tpu.memory_space<vmem>> -> memref<1x128xi32, #tpu.memory_space<vmem>>
        %dma_start3A_119 = tpu.memref_squeeze %dma_start3A_118 : memref<1x128xi32, #tpu.memory_space<vmem>> -> memref<128xi32, #tpu.memory_space<vmem>>
        %dma_start3A_120 = arith.constant 0 : i32
        %dma_start3A_121 = arith.constant 0 : i32
        %dma_start3A_122 = tpu.memref_slice %arg4[%dma_start3A_120, %dma_start3A_121] : memref<10240x128xf32, #tpu.memory_space<hbm>> -> memref<10240x128xf32, #tpu.memory_space<hbm>>
        tpu.enqueue_indirect_dma source(%dma_start3A_122 : memref<10240x128xf32, #tpu.memory_space<hbm>>) target(%arg10 : memref<128x128xf32, #tpu.memory_space<vmem>>) offsets(%dma_start3A_119 : memref<128xi32, #tpu.memory_space<vmem>>) semaphore(%arg12 : memref<!tpu.dma_semaphore, #tpu.memory_space<semaphore_mem>>)
      }
      %scan3A_30 = arith.constant 19 : i32
      %dma_wait3A = arith.constant 0 : i32
      %dma_wait3A_31 = arith.constant 0 : i32
      %dma_wait3A_32 = tpu.memref_slice %arg7[%dma_wait3A, %dma_wait3A_31] : memref<40x128xi32, #tpu.memory_space<vmem>> -> memref<1x128xi32, #tpu.memory_space<vmem>>
      %dma_wait3A_33 = tpu.memref_squeeze %dma_wait3A_32 : memref<1x128xi32, #tpu.memory_space<vmem>> -> memref<128xi32, #tpu.memory_space<vmem>>
      %dma_wait3A_34 = arith.constant 0 : i32
      %dma_wait3A_35 = arith.constant 0 : i32
      %dma_wait3A_36 = tpu.memref_slice %arg4[%dma_wait3A_34, %dma_wait3A_35] : memref<10240x128xf32, #tpu.memory_space<hbm>> -> memref<10240x128xf32, #tpu.memory_space<hbm>>
      tpu.wait_indirect_dma semaphore(%arg11 : memref<!tpu.dma_semaphore, #tpu.memory_space<semaphore_mem>>) src(%dma_wait3A_36 : memref<10240x128xf32, #tpu.memory_space<hbm>>) dst(%arg9 : memref<128x128xf32, #tpu.memory_space<vmem>>)
      %run_scoped3A = arith.constant 38 : i32
      "tpu.region"() ({
        %run_scoped3A_86 = tpu.sem_alloc : memref<!tpu.dma_semaphore, #tpu.memory_space<semaphore_mem>>
        %dma_start3A_87 = arith.constant 0 : i32
        %dma_start3A_88 = tpu.memref_slice %arg8[%run_scoped3A, %dma_start3A_87] : memref<40x128xi32, #tpu.memory_space<vmem>> -> memref<1x128xi32, #tpu.memory_space<vmem>>
        %dma_start3A_89 = tpu.memref_squeeze %dma_start3A_88 : memref<1x128xi32, #tpu.memory_space<vmem>> -> memref<128xi32, #tpu.memory_space<vmem>>
        %dma_start3A_90 = arith.constant 0 : i32
        %dma_start3A_91 = arith.constant 0 : i32
        %dma_start3A_92 = tpu.memref_slice %arg13[%dma_start3A_90, %dma_start3A_91] : memref<10240x128xf32, #tpu.memory_space<vmem_shared>> -> memref<10240x128xf32, #tpu.memory_space<vmem_shared>>
        tpu.enqueue_indirect_dma source(%arg9 : memref<128x128xf32, #tpu.memory_space<vmem>>) target(%dma_start3A_92 : memref<10240x128xf32, #tpu.memory_space<vmem_shared>>) offsets(%dma_start3A_89 : memref<128xi32, #tpu.memory_space<vmem>>) semaphore(%run_scoped3A_86 : memref<!tpu.dma_semaphore, #tpu.memory_space<semaphore_mem>>) {add = true}
        %dma_wait3A_93 = arith.constant 0 : i32
        %dma_wait3A_94 = tpu.memref_slice %arg8[%run_scoped3A, %dma_wait3A_93] : memref<40x128xi32, #tpu.memory_space<vmem>> -> memref<1x128xi32, #tpu.memory_space<vmem>>
        %dma_wait3A_95 = tpu.memref_squeeze %dma_wait3A_94 : memref<1x128xi32, #tpu.memory_space<vmem>> -> memref<128xi32, #tpu.memory_space<vmem>>
        %dma_wait3A_96 = arith.constant 0 : i32
        %dma_wait3A_97 = arith.constant 0 : i32
        %dma_wait3A_98 = tpu.memref_slice %arg13[%dma_wait3A_96, %dma_wait3A_97] : memref<10240x128xf32, #tpu.memory_space<vmem_shared>> -> memref<10240x128xf32, #tpu.memory_space<vmem_shared>>
        tpu.wait_indirect_dma semaphore(%run_scoped3A_86 : memref<!tpu.dma_semaphore, #tpu.memory_space<semaphore_mem>>) src(%arg9 : memref<128x128xf32, #tpu.memory_space<vmem>>) dst(%dma_wait3A_98 : memref<10240x128xf32, #tpu.memory_space<vmem_shared>>)
        tpu.yield
      }) : () -> ()
      %dma_wait3A_37 = arith.constant 1 : i32
      %dma_wait3A_38 = arith.constant 0 : i32
      %dma_wait3A_39 = tpu.memref_slice %arg7[%dma_wait3A_37, %dma_wait3A_38] : memref<40x128xi32, #tpu.memory_space<vmem>> -> memref<1x128xi32, #tpu.memory_space<vmem>>
      %dma_wait3A_40 = tpu.memref_squeeze %dma_wait3A_39 : memref<1x128xi32, #tpu.memory_space<vmem>> -> memref<128xi32, #tpu.memory_space<vmem>>
      %dma_wait3A_41 = arith.constant 0 : i32
      %dma_wait3A_42 = arith.constant 0 : i32
      %dma_wait3A_43 = tpu.memref_slice %arg4[%dma_wait3A_41, %dma_wait3A_42] : memref<10240x128xf32, #tpu.memory_space<hbm>> -> memref<10240x128xf32, #tpu.memory_space<hbm>>
      tpu.wait_indirect_dma semaphore(%arg12 : memref<!tpu.dma_semaphore, #tpu.memory_space<semaphore_mem>>) src(%dma_wait3A_43 : memref<10240x128xf32, #tpu.memory_space<hbm>>) dst(%arg10 : memref<128x128xf32, #tpu.memory_space<vmem>>)
      %run_scoped3A_44 = arith.constant 39 : i32
      "tpu.region"() ({
        %run_scoped3A_86 = tpu.sem_alloc : memref<!tpu.dma_semaphore, #tpu.memory_space<semaphore_mem>>
        %dma_start3A_87 = arith.constant 0 : i32
        %dma_start3A_88 = tpu.memref_slice %arg8[%run_scoped3A_44, %dma_start3A_87] : memref<40x128xi32, #tpu.memory_space<vmem>> -> memref<1x128xi32, #tpu.memory_space<vmem>>
        %dma_start3A_89 = tpu.memref_squeeze %dma_start3A_88 : memref<1x128xi32, #tpu.memory_space<vmem>> -> memref<128xi32, #tpu.memory_space<vmem>>
        %dma_start3A_90 = arith.constant 0 : i32
        %dma_start3A_91 = arith.constant 0 : i32
        %dma_start3A_92 = tpu.memref_slice %arg13[%dma_start3A_90, %dma_start3A_91] : memref<10240x128xf32, #tpu.memory_space<vmem_shared>> -> memref<10240x128xf32, #tpu.memory_space<vmem_shared>>
        tpu.enqueue_indirect_dma source(%arg10 : memref<128x128xf32, #tpu.memory_space<vmem>>) target(%dma_start3A_92 : memref<10240x128xf32, #tpu.memory_space<vmem_shared>>) offsets(%dma_start3A_89 : memref<128xi32, #tpu.memory_space<vmem>>) semaphore(%run_scoped3A_86 : memref<!tpu.dma_semaphore, #tpu.memory_space<semaphore_mem>>) {add = true}
        %dma_wait3A_93 = arith.constant 0 : i32
        %dma_wait3A_94 = tpu.memref_slice %arg8[%run_scoped3A_44, %dma_wait3A_93] : memref<40x128xi32, #tpu.memory_space<vmem>> -> memref<1x128xi32, #tpu.memory_space<vmem>>
        %dma_wait3A_95 = tpu.memref_squeeze %dma_wait3A_94 : memref<1x128xi32, #tpu.memory_space<vmem>> -> memref<128xi32, #tpu.memory_space<vmem>>
        %dma_wait3A_96 = arith.constant 0 : i32
        %dma_wait3A_97 = arith.constant 0 : i32
        %dma_wait3A_98 = tpu.memref_slice %arg13[%dma_wait3A_96, %dma_wait3A_97] : memref<10240x128xf32, #tpu.memory_space<vmem_shared>> -> memref<10240x128xf32, #tpu.memory_space<vmem_shared>>
        tpu.wait_indirect_dma semaphore(%run_scoped3A_86 : memref<!tpu.dma_semaphore, #tpu.memory_space<semaphore_mem>>) src(%arg10 : memref<128x128xf32, #tpu.memory_space<vmem>>) dst(%dma_wait3A_98 : memref<10240x128xf32, #tpu.memory_space<vmem_shared>>)
        tpu.yield
      }) : () -> ()
      %mul3A_45 = arith.constant 72 : i32
      %mul3A_46 = arith.muli %arg1, %mul3A_45 : i32
      %add3A = arith.constant 40 : i32
      %add3A_47 = arith.addi %mul3A_46, %add3A : i32
      "tpu.region"() ({
        %run_scoped3A_86 = tpu.sem_alloc : memref<!tpu.dma_semaphore, #tpu.memory_space<semaphore_mem>>
        %dma_start3A_87 = arith.constant 0 : i32
        %dma_start3A_88 = arith.constant 0 : i32
        %dma_start3A_89 = tpu.memref_slice %arg7[%dma_start3A_87, %dma_start3A_88] : memref<40x128xi32, #tpu.memory_space<vmem>> -> memref<32x128xi32, #tpu.memory_space<vmem>>
        %dma_start3A_90 = arith.constant 0 : i32
        %dma_start3A_91 = tpu.memref_slice %arg2[%add3A_47, %dma_start3A_90] : memref<1280x128xi32, #tpu.memory_space<hbm>> -> memref<32x128xi32, #tpu.memory_space<hbm>>
        %dma_start3A_92 = arith.constant 0 : i32
        %dma_start3A_93 = arith.constant 0 : i32
        %dma_start3A_94 = tpu.memref_slice %arg7[%dma_start3A_92, %dma_start3A_93] : memref<40x128xi32, #tpu.memory_space<vmem>> -> memref<32x128xi32, #tpu.memory_space<vmem>>
        %dma_start3A_95 = arith.constant 0 : i32
        %dma_start3A_96 = tpu.memref_slice %arg2[%add3A_47, %dma_start3A_95] : memref<1280x128xi32, #tpu.memory_space<hbm>> -> memref<32x128xi32, #tpu.memory_space<hbm>>
        tpu.enqueue_dma source(%dma_start3A_96 : memref<32x128xi32, #tpu.memory_space<hbm>>) target(%dma_start3A_94 : memref<32x128xi32, #tpu.memory_space<vmem>>) target_semaphore(%run_scoped3A_86 : memref<!tpu.dma_semaphore, #tpu.memory_space<semaphore_mem>>)
        %dma_wait3A_97 = arith.constant 0 : i32
        %dma_wait3A_98 = arith.constant 0 : i32
        %dma_wait3A_99 = tpu.memref_slice %arg7[%dma_wait3A_97, %dma_wait3A_98] : memref<40x128xi32, #tpu.memory_space<vmem>> -> memref<32x128xi32, #tpu.memory_space<vmem>>
        %dma_wait3A_100 = arith.constant 0 : i32
        %dma_wait3A_101 = tpu.memref_slice %arg2[%add3A_47, %dma_wait3A_100] : memref<1280x128xi32, #tpu.memory_space<hbm>> -> memref<32x128xi32, #tpu.memory_space<hbm>>
        %dma_wait3A_102 = arith.constant 0 : i32
        %dma_wait3A_103 = arith.constant 0 : i32
        %dma_wait3A_104 = tpu.memref_slice %arg7[%dma_wait3A_102, %dma_wait3A_103] : memref<40x128xi32, #tpu.memory_space<vmem>> -> memref<32x128xi32, #tpu.memory_space<vmem>>
        %dma_wait3A_105 = arith.constant 0 : i32
        %dma_wait3A_106 = tpu.memref_slice %arg2[%add3A_47, %dma_wait3A_105] : memref<1280x128xi32, #tpu.memory_space<hbm>> -> memref<32x128xi32, #tpu.memory_space<hbm>>
        tpu.wait_dma2 semaphore(%run_scoped3A_86 : memref<!tpu.dma_semaphore, #tpu.memory_space<semaphore_mem>>) src(%dma_wait3A_106 : memref<32x128xi32, #tpu.memory_space<hbm>>) dst(%dma_wait3A_104 : memref<32x128xi32, #tpu.memory_space<vmem>>)
        tpu.yield
      }) : () -> ()
      "tpu.region"() ({
        %run_scoped3A_86 = tpu.sem_alloc : memref<!tpu.dma_semaphore, #tpu.memory_space<semaphore_mem>>
        %dma_start3A_87 = arith.constant 0 : i32
        %dma_start3A_88 = arith.constant 0 : i32
        %dma_start3A_89 = tpu.memref_slice %arg8[%dma_start3A_87, %dma_start3A_88] : memref<40x128xi32, #tpu.memory_space<vmem>> -> memref<32x128xi32, #tpu.memory_space<vmem>>
        %dma_start3A_90 = arith.constant 0 : i32
        %dma_start3A_91 = tpu.memref_slice %arg3[%add3A_47, %dma_start3A_90] : memref<1280x128xi32, #tpu.memory_space<hbm>> -> memref<32x128xi32, #tpu.memory_space<hbm>>
        %dma_start3A_92 = arith.constant 0 : i32
        %dma_start3A_93 = arith.constant 0 : i32
        %dma_start3A_94 = tpu.memref_slice %arg8[%dma_start3A_92, %dma_start3A_93] : memref<40x128xi32, #tpu.memory_space<vmem>> -> memref<32x128xi32, #tpu.memory_space<vmem>>
        %dma_start3A_95 = arith.constant 0 : i32
        %dma_start3A_96 = tpu.memref_slice %arg3[%add3A_47, %dma_start3A_95] : memref<1280x128xi32, #tpu.memory_space<hbm>> -> memref<32x128xi32, #tpu.memory_space<hbm>>
        tpu.enqueue_dma source(%dma_start3A_96 : memref<32x128xi32, #tpu.memory_space<hbm>>) target(%dma_start3A_94 : memref<32x128xi32, #tpu.memory_space<vmem>>) target_semaphore(%run_scoped3A_86 : memref<!tpu.dma_semaphore, #tpu.memory_space<semaphore_mem>>)
        %dma_wait3A_97 = arith.constant 0 : i32
        %dma_wait3A_98 = arith.constant 0 : i32
        %dma_wait3A_99 = tpu.memref_slice %arg8[%dma_wait3A_97, %dma_wait3A_98] : memref<40x128xi32, #tpu.memory_space<vmem>> -> memref<32x128xi32, #tpu.memory_space<vmem>>
        %dma_wait3A_100 = arith.constant 0 : i32
        %dma_wait3A_101 = tpu.memref_slice %arg3[%add3A_47, %dma_wait3A_100] : memref<1280x128xi32, #tpu.memory_space<hbm>> -> memref<32x128xi32, #tpu.memory_space<hbm>>
        %dma_wait3A_102 = arith.constant 0 : i32
        %dma_wait3A_103 = arith.constant 0 : i32
        %dma_wait3A_104 = tpu.memref_slice %arg8[%dma_wait3A_102, %dma_wait3A_103] : memref<40x128xi32, #tpu.memory_space<vmem>> -> memref<32x128xi32, #tpu.memory_space<vmem>>
        %dma_wait3A_105 = arith.constant 0 : i32
        %dma_wait3A_106 = tpu.memref_slice %arg3[%add3A_47, %dma_wait3A_105] : memref<1280x128xi32, #tpu.memory_space<hbm>> -> memref<32x128xi32, #tpu.memory_space<hbm>>
        tpu.wait_dma2 semaphore(%run_scoped3A_86 : memref<!tpu.dma_semaphore, #tpu.memory_space<semaphore_mem>>) src(%dma_wait3A_106 : memref<32x128xi32, #tpu.memory_space<hbm>>) dst(%dma_wait3A_104 : memref<32x128xi32, #tpu.memory_space<vmem>>)
        tpu.yield
      }) : () -> ()
      %dma_start3A_48 = arith.constant 0 : i32
      %dma_start3A_49 = arith.constant 0 : i32
      %dma_start3A_50 = tpu.memref_slice %arg7[%dma_start3A_48, %dma_start3A_49] : memref<40x128xi32, #tpu.memory_space<vmem>> -> memref<1x128xi32, #tpu.memory_space<vmem>>
      %dma_start3A_51 = tpu.memref_squeeze %dma_start3A_50 : memref<1x128xi32, #tpu.memory_space<vmem>> -> memref<128xi32, #tpu.memory_space<vmem>>
      %dma_start3A_52 = arith.constant 0 : i32
      %dma_start3A_53 = arith.constant 0 : i32
      %dma_start3A_54 = tpu.memref_slice %arg4[%dma_start3A_52, %dma_start3A_53] : memref<10240x128xf32, #tpu.memory_space<hbm>> -> memref<10240x128xf32, #tpu.memory_space<hbm>>
      tpu.enqueue_indirect_dma source(%dma_start3A_54 : memref<10240x128xf32, #tpu.memory_space<hbm>>) target(%arg9 : memref<128x128xf32, #tpu.memory_space<vmem>>) offsets(%dma_start3A_51 : memref<128xi32, #tpu.memory_space<vmem>>) semaphore(%arg11 : memref<!tpu.dma_semaphore, #tpu.memory_space<semaphore_mem>>)
      %dma_start3A_55 = arith.constant 1 : i32
      %dma_start3A_56 = arith.constant 0 : i32
      %dma_start3A_57 = tpu.memref_slice %arg7[%dma_start3A_55, %dma_start3A_56] : memref<40x128xi32, #tpu.memory_space<vmem>> -> memref<1x128xi32, #tpu.memory_space<vmem>>
      %dma_start3A_58 = tpu.memref_squeeze %dma_start3A_57 : memref<1x128xi32, #tpu.memory_space<vmem>> -> memref<128xi32, #tpu.memory_space<vmem>>
      %dma_start3A_59 = arith.constant 0 : i32
      %dma_start3A_60 = arith.constant 0 : i32
      %dma_start3A_61 = tpu.memref_slice %arg4[%dma_start3A_59, %dma_start3A_60] : memref<10240x128xf32, #tpu.memory_space<hbm>> -> memref<10240x128xf32, #tpu.memory_space<hbm>>
      tpu.enqueue_indirect_dma source(%dma_start3A_61 : memref<10240x128xf32, #tpu.memory_space<hbm>>) target(%arg10 : memref<128x128xf32, #tpu.memory_space<vmem>>) offsets(%dma_start3A_58 : memref<128xi32, #tpu.memory_space<vmem>>) semaphore(%arg12 : memref<!tpu.dma_semaphore, #tpu.memory_space<semaphore_mem>>)
      %scan3A_62 = arith.constant 0 : i32
      %scan3A_63 = arith.constant 0 : i32
      %scan3A_64 = arith.constant 1 : i32
      %scan3A_65 = arith.constant 0 : i32
      %scan3A_66 = arith.constant 15 : i32
      %scan3A_67 = arith.addi %scan3A_65, %scan3A_66 : i32
      %scan3A_68 = arith.constant 1 : i32
      scf.for %scan3A_86 = %scan3A_65 to %scan3A_67 step %scan3A_68  : i32 {
        %mul3A_87 = arith.constant 2 : i32
        %mul3A_88 = arith.muli %scan3A_86, %mul3A_87 : i32
        %add3A_89 = arith.constant 0 : i32
        %add3A_90 = arith.addi %mul3A_88, %add3A_89 : i32
        %dma_wait3A_91 = arith.constant 0 : i32
        %dma_wait3A_92 = tpu.memref_slice %arg7[%scan3A_63, %dma_wait3A_91] : memref<40x128xi32, #tpu.memory_space<vmem>> -> memref<1x128xi32, #tpu.memory_space<vmem>>
        %dma_wait3A_93 = tpu.memref_squeeze %dma_wait3A_92 : memref<1x128xi32, #tpu.memory_space<vmem>> -> memref<128xi32, #tpu.memory_space<vmem>>
        %dma_wait3A_94 = arith.constant 0 : i32
        %dma_wait3A_95 = arith.constant 0 : i32
        %dma_wait3A_96 = tpu.memref_slice %arg4[%dma_wait3A_94, %dma_wait3A_95] : memref<10240x128xf32, #tpu.memory_space<hbm>> -> memref<10240x128xf32, #tpu.memory_space<hbm>>
        tpu.wait_indirect_dma semaphore(%arg11 : memref<!tpu.dma_semaphore, #tpu.memory_space<semaphore_mem>>) src(%dma_wait3A_96 : memref<10240x128xf32, #tpu.memory_space<hbm>>) dst(%arg9 : memref<128x128xf32, #tpu.memory_space<vmem>>)
        "tpu.region"() ({
          %run_scoped3A_123 = tpu.sem_alloc : memref<!tpu.dma_semaphore, #tpu.memory_space<semaphore_mem>>
          %dma_start3A_124 = arith.constant 0 : i32
          %dma_start3A_125 = tpu.memref_slice %arg8[%add3A_90, %dma_start3A_124] : memref<40x128xi32, #tpu.memory_space<vmem>> -> memref<1x128xi32, #tpu.memory_space<vmem>>
          %dma_start3A_126 = tpu.memref_squeeze %dma_start3A_125 : memref<1x128xi32, #tpu.memory_space<vmem>> -> memref<128xi32, #tpu.memory_space<vmem>>
          %dma_start3A_127 = arith.constant 0 : i32
          %dma_start3A_128 = arith.constant 0 : i32
          %dma_start3A_129 = tpu.memref_slice %arg13[%dma_start3A_127, %dma_start3A_128] : memref<10240x128xf32, #tpu.memory_space<vmem_shared>> -> memref<10240x128xf32, #tpu.memory_space<vmem_shared>>
          tpu.enqueue_indirect_dma source(%arg9 : memref<128x128xf32, #tpu.memory_space<vmem>>) target(%dma_start3A_129 : memref<10240x128xf32, #tpu.memory_space<vmem_shared>>) offsets(%dma_start3A_126 : memref<128xi32, #tpu.memory_space<vmem>>) semaphore(%run_scoped3A_123 : memref<!tpu.dma_semaphore, #tpu.memory_space<semaphore_mem>>) {add = true}
          %dma_wait3A_130 = arith.constant 0 : i32
          %dma_wait3A_131 = tpu.memref_slice %arg8[%add3A_90, %dma_wait3A_130] : memref<40x128xi32, #tpu.memory_space<vmem>> -> memref<1x128xi32, #tpu.memory_space<vmem>>
          %dma_wait3A_132 = tpu.memref_squeeze %dma_wait3A_131 : memref<1x128xi32, #tpu.memory_space<vmem>> -> memref<128xi32, #tpu.memory_space<vmem>>
          %dma_wait3A_133 = arith.constant 0 : i32
          %dma_wait3A_134 = arith.constant 0 : i32
          %dma_wait3A_135 = tpu.memref_slice %arg13[%dma_wait3A_133, %dma_wait3A_134] : memref<10240x128xf32, #tpu.memory_space<vmem_shared>> -> memref<10240x128xf32, #tpu.memory_space<vmem_shared>>
          tpu.wait_indirect_dma semaphore(%run_scoped3A_123 : memref<!tpu.dma_semaphore, #tpu.memory_space<semaphore_mem>>) src(%arg9 : memref<128x128xf32, #tpu.memory_space<vmem>>) dst(%dma_wait3A_135 : memref<10240x128xf32, #tpu.memory_space<vmem_shared>>)
          tpu.yield
        }) : () -> ()
        %add3A_97 = arith.constant 2 : i32
        %add3A_98 = arith.addi %add3A_90, %add3A_97 : i32
        %dma_start3A_99 = arith.constant 0 : i32
        %dma_start3A_100 = tpu.memref_slice %arg7[%add3A_98, %dma_start3A_99] : memref<40x128xi32, #tpu.memory_space<vmem>> -> memref<1x128xi32, #tpu.memory_space<vmem>>
        %dma_start3A_101 = tpu.memref_squeeze %dma_start3A_100 : memref<1x128xi32, #tpu.memory_space<vmem>> -> memref<128xi32, #tpu.memory_space<vmem>>
        %dma_start3A_102 = arith.constant 0 : i32
        %dma_start3A_103 = arith.constant 0 : i32
        %dma_start3A_104 = tpu.memref_slice %arg4[%dma_start3A_102, %dma_start3A_103] : memref<10240x128xf32, #tpu.memory_space<hbm>> -> memref<10240x128xf32, #tpu.memory_space<hbm>>
        tpu.enqueue_indirect_dma source(%dma_start3A_104 : memref<10240x128xf32, #tpu.memory_space<hbm>>) target(%arg9 : memref<128x128xf32, #tpu.memory_space<vmem>>) offsets(%dma_start3A_101 : memref<128xi32, #tpu.memory_space<vmem>>) semaphore(%arg11 : memref<!tpu.dma_semaphore, #tpu.memory_space<semaphore_mem>>)
        %mul3A_105 = arith.constant 2 : i32
        %mul3A_106 = arith.muli %scan3A_86, %mul3A_105 : i32
        %add3A_107 = arith.constant 1 : i32
        %add3A_108 = arith.addi %mul3A_106, %add3A_107 : i32
        %dma_wait3A_109 = arith.constant 0 : i32
        %dma_wait3A_110 = tpu.memref_slice %arg7[%scan3A_64, %dma_wait3A_109] : memref<40x128xi32, #tpu.memory_space<vmem>> -> memref<1x128xi32, #tpu.memory_space<vmem>>
        %dma_wait3A_111 = tpu.memref_squeeze %dma_wait3A_110 : memref<1x128xi32, #tpu.memory_space<vmem>> -> memref<128xi32, #tpu.memory_space<vmem>>
        %dma_wait3A_112 = arith.constant 0 : i32
        %dma_wait3A_113 = arith.constant 0 : i32
        %dma_wait3A_114 = tpu.memref_slice %arg4[%dma_wait3A_112, %dma_wait3A_113] : memref<10240x128xf32, #tpu.memory_space<hbm>> -> memref<10240x128xf32, #tpu.memory_space<hbm>>
        tpu.wait_indirect_dma semaphore(%arg12 : memref<!tpu.dma_semaphore, #tpu.memory_space<semaphore_mem>>) src(%dma_wait3A_114 : memref<10240x128xf32, #tpu.memory_space<hbm>>) dst(%arg10 : memref<128x128xf32, #tpu.memory_space<vmem>>)
        "tpu.region"() ({
          %run_scoped3A_123 = tpu.sem_alloc : memref<!tpu.dma_semaphore, #tpu.memory_space<semaphore_mem>>
          %dma_start3A_124 = arith.constant 0 : i32
          %dma_start3A_125 = tpu.memref_slice %arg8[%add3A_108, %dma_start3A_124] : memref<40x128xi32, #tpu.memory_space<vmem>> -> memref<1x128xi32, #tpu.memory_space<vmem>>
          %dma_start3A_126 = tpu.memref_squeeze %dma_start3A_125 : memref<1x128xi32, #tpu.memory_space<vmem>> -> memref<128xi32, #tpu.memory_space<vmem>>
          %dma_start3A_127 = arith.constant 0 : i32
          %dma_start3A_128 = arith.constant 0 : i32
          %dma_start3A_129 = tpu.memref_slice %arg13[%dma_start3A_127, %dma_start3A_128] : memref<10240x128xf32, #tpu.memory_space<vmem_shared>> -> memref<10240x128xf32, #tpu.memory_space<vmem_shared>>
          tpu.enqueue_indirect_dma source(%arg10 : memref<128x128xf32, #tpu.memory_space<vmem>>) target(%dma_start3A_129 : memref<10240x128xf32, #tpu.memory_space<vmem_shared>>) offsets(%dma_start3A_126 : memref<128xi32, #tpu.memory_space<vmem>>) semaphore(%run_scoped3A_123 : memref<!tpu.dma_semaphore, #tpu.memory_space<semaphore_mem>>) {add = true}
          %dma_wait3A_130 = arith.constant 0 : i32
          %dma_wait3A_131 = tpu.memref_slice %arg8[%add3A_108, %dma_wait3A_130] : memref<40x128xi32, #tpu.memory_space<vmem>> -> memref<1x128xi32, #tpu.memory_space<vmem>>
          %dma_wait3A_132 = tpu.memref_squeeze %dma_wait3A_131 : memref<1x128xi32, #tpu.memory_space<vmem>> -> memref<128xi32, #tpu.memory_space<vmem>>
          %dma_wait3A_133 = arith.constant 0 : i32
          %dma_wait3A_134 = arith.constant 0 : i32
          %dma_wait3A_135 = tpu.memref_slice %arg13[%dma_wait3A_133, %dma_wait3A_134] : memref<10240x128xf32, #tpu.memory_space<vmem_shared>> -> memref<10240x128xf32, #tpu.memory_space<vmem_shared>>
          tpu.wait_indirect_dma semaphore(%run_scoped3A_123 : memref<!tpu.dma_semaphore, #tpu.memory_space<semaphore_mem>>) src(%arg10 : memref<128x128xf32, #tpu.memory_space<vmem>>) dst(%dma_wait3A_135 : memref<10240x128xf32, #tpu.memory_space<vmem_shared>>)
          tpu.yield
        }) : () -> ()
        %add3A_115 = arith.constant 2 : i32
        %add3A_116 = arith.addi %add3A_108, %add3A_115 : i32
        %dma_start3A_117 = arith.constant 0 : i32
        %dma_start3A_118 = tpu.memref_slice %arg7[%add3A_116, %dma_start3A_117] : memref<40x128xi32, #tpu.memory_space<vmem>> -> memref<1x128xi32, #tpu.memory_space<vmem>>
        %dma_start3A_119 = tpu.memref_squeeze %dma_start3A_118 : memref<1x128xi32, #tpu.memory_space<vmem>> -> memref<128xi32, #tpu.memory_space<vmem>>
        %dma_start3A_120 = arith.constant 0 : i32
        %dma_start3A_121 = arith.constant 0 : i32
        %dma_start3A_122 = tpu.memref_slice %arg4[%dma_start3A_120, %dma_start3A_121] : memref<10240x128xf32, #tpu.memory_space<hbm>> -> memref<10240x128xf32, #tpu.memory_space<hbm>>
        tpu.enqueue_indirect_dma source(%dma_start3A_122 : memref<10240x128xf32, #tpu.memory_space<hbm>>) target(%arg10 : memref<128x128xf32, #tpu.memory_space<vmem>>) offsets(%dma_start3A_119 : memref<128xi32, #tpu.memory_space<vmem>>) semaphore(%arg12 : memref<!tpu.dma_semaphore, #tpu.memory_space<semaphore_mem>>)
      }
      %scan3A_69 = arith.constant 15 : i32
      %dma_wait3A_70 = arith.constant 0 : i32
      %dma_wait3A_71 = arith.constant 0 : i32
      %dma_wait3A_72 = tpu.memref_slice %arg7[%dma_wait3A_70, %dma_wait3A_71] : memref<40x128xi32, #tpu.memory_space<vmem>> -> memref<1x128xi32, #tpu.memory_space<vmem>>
      %dma_wait3A_73 = tpu.memref_squeeze %dma_wait3A_72 : memref<1x128xi32, #tpu.memory_space<vmem>> -> memref<128xi32, #tpu.memory_space<vmem>>
      %dma_wait3A_74 = arith.constant 0 : i32
      %dma_wait3A_75 = arith.constant 0 : i32
      %dma_wait3A_76 = tpu.memref_slice %arg4[%dma_wait3A_74, %dma_wait3A_75] : memref<10240x128xf32, #tpu.memory_space<hbm>> -> memref<10240x128xf32, #tpu.memory_space<hbm>>
      tpu.wait_indirect_dma semaphore(%arg11 : memref<!tpu.dma_semaphore, #tpu.memory_space<semaphore_mem>>) src(%dma_wait3A_76 : memref<10240x128xf32, #tpu.memory_space<hbm>>) dst(%arg9 : memref<128x128xf32, #tpu.memory_space<vmem>>)
      %run_scoped3A_77 = arith.constant 30 : i32
      "tpu.region"() ({
        %run_scoped3A_86 = tpu.sem_alloc : memref<!tpu.dma_semaphore, #tpu.memory_space<semaphore_mem>>
        %dma_start3A_87 = arith.constant 0 : i32
        %dma_start3A_88 = tpu.memref_slice %arg8[%run_scoped3A_77, %dma_start3A_87] : memref<40x128xi32, #tpu.memory_space<vmem>> -> memref<1x128xi32, #tpu.memory_space<vmem>>
        %dma_start3A_89 = tpu.memref_squeeze %dma_start3A_88 : memref<1x128xi32, #tpu.memory_space<vmem>> -> memref<128xi32, #tpu.memory_space<vmem>>
        %dma_start3A_90 = arith.constant 0 : i32
        %dma_start3A_91 = arith.constant 0 : i32
        %dma_start3A_92 = tpu.memref_slice %arg13[%dma_start3A_90, %dma_start3A_91] : memref<10240x128xf32, #tpu.memory_space<vmem_shared>> -> memref<10240x128xf32, #tpu.memory_space<vmem_shared>>
        tpu.enqueue_indirect_dma source(%arg9 : memref<128x128xf32, #tpu.memory_space<vmem>>) target(%dma_start3A_92 : memref<10240x128xf32, #tpu.memory_space<vmem_shared>>) offsets(%dma_start3A_89 : memref<128xi32, #tpu.memory_space<vmem>>) semaphore(%run_scoped3A_86 : memref<!tpu.dma_semaphore, #tpu.memory_space<semaphore_mem>>) {add = true}
        %dma_wait3A_93 = arith.constant 0 : i32
        %dma_wait3A_94 = tpu.memref_slice %arg8[%run_scoped3A_77, %dma_wait3A_93] : memref<40x128xi32, #tpu.memory_space<vmem>> -> memref<1x128xi32, #tpu.memory_space<vmem>>
        %dma_wait3A_95 = tpu.memref_squeeze %dma_wait3A_94 : memref<1x128xi32, #tpu.memory_space<vmem>> -> memref<128xi32, #tpu.memory_space<vmem>>
        %dma_wait3A_96 = arith.constant 0 : i32
        %dma_wait3A_97 = arith.constant 0 : i32
        %dma_wait3A_98 = tpu.memref_slice %arg13[%dma_wait3A_96, %dma_wait3A_97] : memref<10240x128xf32, #tpu.memory_space<vmem_shared>> -> memref<10240x128xf32, #tpu.memory_space<vmem_shared>>
        tpu.wait_indirect_dma semaphore(%run_scoped3A_86 : memref<!tpu.dma_semaphore, #tpu.memory_space<semaphore_mem>>) src(%arg9 : memref<128x128xf32, #tpu.memory_space<vmem>>) dst(%dma_wait3A_98 : memref<10240x128xf32, #tpu.memory_space<vmem_shared>>)
        tpu.yield
      }) : () -> ()
      %dma_wait3A_78 = arith.constant 1 : i32
      %dma_wait3A_79 = arith.constant 0 : i32
      %dma_wait3A_80 = tpu.memref_slice %arg7[%dma_wait3A_78, %dma_wait3A_79] : memref<40x128xi32, #tpu.memory_space<vmem>> -> memref<1x128xi32, #tpu.memory_space<vmem>>
      %dma_wait3A_81 = tpu.memref_squeeze %dma_wait3A_80 : memref<1x128xi32, #tpu.memory_space<vmem>> -> memref<128xi32, #tpu.memory_space<vmem>>
      %dma_wait3A_82 = arith.constant 0 : i32
      %dma_wait3A_83 = arith.constant 0 : i32
      %dma_wait3A_84 = tpu.memref_slice %arg4[%dma_wait3A_82, %dma_wait3A_83] : memref<10240x128xf32, #tpu.memory_space<hbm>> -> memref<10240x128xf32, #tpu.memory_space<hbm>>
      tpu.wait_indirect_dma semaphore(%arg12 : memref<!tpu.dma_semaphore, #tpu.memory_space<semaphore_mem>>) src(%dma_wait3A_84 : memref<10240x128xf32, #tpu.memory_space<hbm>>) dst(%arg10 : memref<128x128xf32, #tpu.memory_space<vmem>>)
      %run_scoped3A_85 = arith.constant 31 : i32
      "tpu.region"() ({
        %run_scoped3A_86 = tpu.sem_alloc : memref<!tpu.dma_semaphore, #tpu.memory_space<semaphore_mem>>
        %dma_start3A_87 = arith.constant 0 : i32
        %dma_start3A_88 = tpu.memref_slice %arg8[%run_scoped3A_85, %dma_start3A_87] : memref<40x128xi32, #tpu.memory_space<vmem>> -> memref<1x128xi32, #tpu.memory_space<vmem>>
        %dma_start3A_89 = tpu.memref_squeeze %dma_start3A_88 : memref<1x128xi32, #tpu.memory_space<vmem>> -> memref<128xi32, #tpu.memory_space<vmem>>
        %dma_start3A_90 = arith.constant 0 : i32
        %dma_start3A_91 = arith.constant 0 : i32
        %dma_start3A_92 = tpu.memref_slice %arg13[%dma_start3A_90, %dma_start3A_91] : memref<10240x128xf32, #tpu.memory_space<vmem_shared>> -> memref<10240x128xf32, #tpu.memory_space<vmem_shared>>
        tpu.enqueue_indirect_dma source(%arg10 : memref<128x128xf32, #tpu.memory_space<vmem>>) target(%dma_start3A_92 : memref<10240x128xf32, #tpu.memory_space<vmem_shared>>) offsets(%dma_start3A_89 : memref<128xi32, #tpu.memory_space<vmem>>) semaphore(%run_scoped3A_86 : memref<!tpu.dma_semaphore, #tpu.memory_space<semaphore_mem>>) {add = true}
        %dma_wait3A_93 = arith.constant 0 : i32
        %dma_wait3A_94 = tpu.memref_slice %arg8[%run_scoped3A_85, %dma_wait3A_93] : memref<40x128xi32, #tpu.memory_space<vmem>> -> memref<1x128xi32, #tpu.memory_space<vmem>>
        %dma_wait3A_95 = tpu.memref_squeeze %dma_wait3A_94 : memref<1x128xi32, #tpu.memory_space<vmem>> -> memref<128xi32, #tpu.memory_space<vmem>>
        %dma_wait3A_96 = arith.constant 0 : i32
        %dma_wait3A_97 = arith.constant 0 : i32
        %dma_wait3A_98 = tpu.memref_slice %arg13[%dma_wait3A_96, %dma_wait3A_97] : memref<10240x128xf32, #tpu.memory_space<vmem_shared>> -> memref<10240x128xf32, #tpu.memory_space<vmem_shared>>
        tpu.wait_indirect_dma semaphore(%run_scoped3A_86 : memref<!tpu.dma_semaphore, #tpu.memory_space<semaphore_mem>>) src(%arg10 : memref<128x128xf32, #tpu.memory_space<vmem>>) dst(%dma_wait3A_98 : memref<10240x128xf32, #tpu.memory_space<vmem_shared>>)
        tpu.yield
      }) : () -> ()
    } else {
    }
    %eq3A_3 = arith.constant 1 : i32
    %eq3A_4 = arith.cmpi eq, %arg0, %eq3A_3 : i32
    %convert_element_type3A_5 = arith.extui %eq3A_4 : i1 to i32
    %cond3A_6 = arith.constant 0 : i32
    %cond3A_7 = arith.cmpi ne, %convert_element_type3A_5, %cond3A_6 : i32
    scf.if %cond3A_7 {
      %mul3A_9 = arith.constant 8 : i32
      %mul3A_10 = arith.muli %arg1, %mul3A_9 : i32
      %add3A = arith.constant 1152 : i32
      %add3A_11 = arith.addi %add3A, %mul3A_10 : i32
      "tpu.region"() ({
        %run_scoped3A_46 = tpu.sem_alloc : memref<!tpu.dma_semaphore, #tpu.memory_space<semaphore_mem>>
        %dma_start3A_47 = arith.constant 0 : i32
        %dma_start3A_48 = arith.constant 0 : i32
        %dma_start3A_49 = tpu.memref_slice %arg7[%dma_start3A_47, %dma_start3A_48] : memref<40x128xi32, #tpu.memory_space<vmem>> -> memref<8x128xi32, #tpu.memory_space<vmem>>
        %dma_start3A_50 = arith.constant 0 : i32
        %dma_start3A_51 = tpu.memref_slice %arg2[%add3A_11, %dma_start3A_50] : memref<1280x128xi32, #tpu.memory_space<hbm>> -> memref<8x128xi32, #tpu.memory_space<hbm>>
        %dma_start3A_52 = arith.constant 0 : i32
        %dma_start3A_53 = arith.constant 0 : i32
        %dma_start3A_54 = tpu.memref_slice %arg7[%dma_start3A_52, %dma_start3A_53] : memref<40x128xi32, #tpu.memory_space<vmem>> -> memref<8x128xi32, #tpu.memory_space<vmem>>
        %dma_start3A_55 = arith.constant 0 : i32
        %dma_start3A_56 = tpu.memref_slice %arg2[%add3A_11, %dma_start3A_55] : memref<1280x128xi32, #tpu.memory_space<hbm>> -> memref<8x128xi32, #tpu.memory_space<hbm>>
        tpu.enqueue_dma source(%dma_start3A_56 : memref<8x128xi32, #tpu.memory_space<hbm>>) target(%dma_start3A_54 : memref<8x128xi32, #tpu.memory_space<vmem>>) target_semaphore(%run_scoped3A_46 : memref<!tpu.dma_semaphore, #tpu.memory_space<semaphore_mem>>)
        %dma_wait3A_57 = arith.constant 0 : i32
        %dma_wait3A_58 = arith.constant 0 : i32
        %dma_wait3A_59 = tpu.memref_slice %arg7[%dma_wait3A_57, %dma_wait3A_58] : memref<40x128xi32, #tpu.memory_space<vmem>> -> memref<8x128xi32, #tpu.memory_space<vmem>>
        %dma_wait3A_60 = arith.constant 0 : i32
        %dma_wait3A_61 = tpu.memref_slice %arg2[%add3A_11, %dma_wait3A_60] : memref<1280x128xi32, #tpu.memory_space<hbm>> -> memref<8x128xi32, #tpu.memory_space<hbm>>
        %dma_wait3A_62 = arith.constant 0 : i32
        %dma_wait3A_63 = arith.constant 0 : i32
        %dma_wait3A_64 = tpu.memref_slice %arg7[%dma_wait3A_62, %dma_wait3A_63] : memref<40x128xi32, #tpu.memory_space<vmem>> -> memref<8x128xi32, #tpu.memory_space<vmem>>
        %dma_wait3A_65 = arith.constant 0 : i32
        %dma_wait3A_66 = tpu.memref_slice %arg2[%add3A_11, %dma_wait3A_65] : memref<1280x128xi32, #tpu.memory_space<hbm>> -> memref<8x128xi32, #tpu.memory_space<hbm>>
        tpu.wait_dma2 semaphore(%run_scoped3A_46 : memref<!tpu.dma_semaphore, #tpu.memory_space<semaphore_mem>>) src(%dma_wait3A_66 : memref<8x128xi32, #tpu.memory_space<hbm>>) dst(%dma_wait3A_64 : memref<8x128xi32, #tpu.memory_space<vmem>>)
        tpu.yield
      }) : () -> ()
      "tpu.region"() ({
        %run_scoped3A_46 = tpu.sem_alloc : memref<!tpu.dma_semaphore, #tpu.memory_space<semaphore_mem>>
        %dma_start3A_47 = arith.constant 0 : i32
        %dma_start3A_48 = arith.constant 0 : i32
        %dma_start3A_49 = tpu.memref_slice %arg8[%dma_start3A_47, %dma_start3A_48] : memref<40x128xi32, #tpu.memory_space<vmem>> -> memref<8x128xi32, #tpu.memory_space<vmem>>
        %dma_start3A_50 = arith.constant 0 : i32
        %dma_start3A_51 = tpu.memref_slice %arg3[%add3A_11, %dma_start3A_50] : memref<1280x128xi32, #tpu.memory_space<hbm>> -> memref<8x128xi32, #tpu.memory_space<hbm>>
        %dma_start3A_52 = arith.constant 0 : i32
        %dma_start3A_53 = arith.constant 0 : i32
        %dma_start3A_54 = tpu.memref_slice %arg8[%dma_start3A_52, %dma_start3A_53] : memref<40x128xi32, #tpu.memory_space<vmem>> -> memref<8x128xi32, #tpu.memory_space<vmem>>
        %dma_start3A_55 = arith.constant 0 : i32
        %dma_start3A_56 = tpu.memref_slice %arg3[%add3A_11, %dma_start3A_55] : memref<1280x128xi32, #tpu.memory_space<hbm>> -> memref<8x128xi32, #tpu.memory_space<hbm>>
        tpu.enqueue_dma source(%dma_start3A_56 : memref<8x128xi32, #tpu.memory_space<hbm>>) target(%dma_start3A_54 : memref<8x128xi32, #tpu.memory_space<vmem>>) target_semaphore(%run_scoped3A_46 : memref<!tpu.dma_semaphore, #tpu.memory_space<semaphore_mem>>)
        %dma_wait3A_57 = arith.constant 0 : i32
        %dma_wait3A_58 = arith.constant 0 : i32
        %dma_wait3A_59 = tpu.memref_slice %arg8[%dma_wait3A_57, %dma_wait3A_58] : memref<40x128xi32, #tpu.memory_space<vmem>> -> memref<8x128xi32, #tpu.memory_space<vmem>>
        %dma_wait3A_60 = arith.constant 0 : i32
        %dma_wait3A_61 = tpu.memref_slice %arg3[%add3A_11, %dma_wait3A_60] : memref<1280x128xi32, #tpu.memory_space<hbm>> -> memref<8x128xi32, #tpu.memory_space<hbm>>
        %dma_wait3A_62 = arith.constant 0 : i32
        %dma_wait3A_63 = arith.constant 0 : i32
        %dma_wait3A_64 = tpu.memref_slice %arg8[%dma_wait3A_62, %dma_wait3A_63] : memref<40x128xi32, #tpu.memory_space<vmem>> -> memref<8x128xi32, #tpu.memory_space<vmem>>
        %dma_wait3A_65 = arith.constant 0 : i32
        %dma_wait3A_66 = tpu.memref_slice %arg3[%add3A_11, %dma_wait3A_65] : memref<1280x128xi32, #tpu.memory_space<hbm>> -> memref<8x128xi32, #tpu.memory_space<hbm>>
        tpu.wait_dma2 semaphore(%run_scoped3A_46 : memref<!tpu.dma_semaphore, #tpu.memory_space<semaphore_mem>>) src(%dma_wait3A_66 : memref<8x128xi32, #tpu.memory_space<hbm>>) dst(%dma_wait3A_64 : memref<8x128xi32, #tpu.memory_space<vmem>>)
        tpu.yield
      }) : () -> ()
      %dma_start3A = arith.constant 0 : i32
      %dma_start3A_12 = arith.constant 0 : i32
      %dma_start3A_13 = tpu.memref_slice %arg7[%dma_start3A, %dma_start3A_12] : memref<40x128xi32, #tpu.memory_space<vmem>> -> memref<1x128xi32, #tpu.memory_space<vmem>>
      %dma_start3A_14 = tpu.memref_squeeze %dma_start3A_13 : memref<1x128xi32, #tpu.memory_space<vmem>> -> memref<128xi32, #tpu.memory_space<vmem>>
      %dma_start3A_15 = arith.constant 0 : i32
      %dma_start3A_16 = arith.constant 0 : i32
      %dma_start3A_17 = tpu.memref_slice %arg4[%dma_start3A_15, %dma_start3A_16] : memref<10240x128xf32, #tpu.memory_space<hbm>> -> memref<10240x128xf32, #tpu.memory_space<hbm>>
      tpu.enqueue_indirect_dma source(%dma_start3A_17 : memref<10240x128xf32, #tpu.memory_space<hbm>>) target(%arg9 : memref<128x128xf32, #tpu.memory_space<vmem>>) offsets(%dma_start3A_14 : memref<128xi32, #tpu.memory_space<vmem>>) semaphore(%arg11 : memref<!tpu.dma_semaphore, #tpu.memory_space<semaphore_mem>>)
      %dma_start3A_18 = arith.constant 1 : i32
      %dma_start3A_19 = arith.constant 0 : i32
      %dma_start3A_20 = tpu.memref_slice %arg7[%dma_start3A_18, %dma_start3A_19] : memref<40x128xi32, #tpu.memory_space<vmem>> -> memref<1x128xi32, #tpu.memory_space<vmem>>
      %dma_start3A_21 = tpu.memref_squeeze %dma_start3A_20 : memref<1x128xi32, #tpu.memory_space<vmem>> -> memref<128xi32, #tpu.memory_space<vmem>>
      %dma_start3A_22 = arith.constant 0 : i32
      %dma_start3A_23 = arith.constant 0 : i32
      %dma_start3A_24 = tpu.memref_slice %arg4[%dma_start3A_22, %dma_start3A_23] : memref<10240x128xf32, #tpu.memory_space<hbm>> -> memref<10240x128xf32, #tpu.memory_space<hbm>>
      tpu.enqueue_indirect_dma source(%dma_start3A_24 : memref<10240x128xf32, #tpu.memory_space<hbm>>) target(%arg10 : memref<128x128xf32, #tpu.memory_space<vmem>>) offsets(%dma_start3A_21 : memref<128xi32, #tpu.memory_space<vmem>>) semaphore(%arg12 : memref<!tpu.dma_semaphore, #tpu.memory_space<semaphore_mem>>)
      %scan3A = arith.constant 0 : i32
      %scan3A_25 = arith.constant 0 : i32
      %scan3A_26 = arith.constant 1 : i32
      %scan3A_27 = arith.constant 0 : i32
      %scan3A_28 = arith.constant 3 : i32
      %scan3A_29 = arith.addi %scan3A_27, %scan3A_28 : i32
      %scan3A_30 = arith.constant 1 : i32
      scf.for %scan3A_46 = %scan3A_27 to %scan3A_29 step %scan3A_30  : i32 {
        %mul3A_47 = arith.constant 2 : i32
        %mul3A_48 = arith.muli %scan3A_46, %mul3A_47 : i32
        %add3A_49 = arith.constant 0 : i32
        %add3A_50 = arith.addi %mul3A_48, %add3A_49 : i32
        %dma_wait3A_51 = arith.constant 0 : i32
        %dma_wait3A_52 = tpu.memref_slice %arg7[%scan3A_25, %dma_wait3A_51] : memref<40x128xi32, #tpu.memory_space<vmem>> -> memref<1x128xi32, #tpu.memory_space<vmem>>
        %dma_wait3A_53 = tpu.memref_squeeze %dma_wait3A_52 : memref<1x128xi32, #tpu.memory_space<vmem>> -> memref<128xi32, #tpu.memory_space<vmem>>
        %dma_wait3A_54 = arith.constant 0 : i32
        %dma_wait3A_55 = arith.constant 0 : i32
        %dma_wait3A_56 = tpu.memref_slice %arg4[%dma_wait3A_54, %dma_wait3A_55] : memref<10240x128xf32, #tpu.memory_space<hbm>> -> memref<10240x128xf32, #tpu.memory_space<hbm>>
        tpu.wait_indirect_dma semaphore(%arg11 : memref<!tpu.dma_semaphore, #tpu.memory_space<semaphore_mem>>) src(%dma_wait3A_56 : memref<10240x128xf32, #tpu.memory_space<hbm>>) dst(%arg9 : memref<128x128xf32, #tpu.memory_space<vmem>>)
        "tpu.region"() ({
          %run_scoped3A_83 = tpu.sem_alloc : memref<!tpu.dma_semaphore, #tpu.memory_space<semaphore_mem>>
          %dma_start3A_84 = arith.constant 0 : i32
          %dma_start3A_85 = tpu.memref_slice %arg8[%add3A_50, %dma_start3A_84] : memref<40x128xi32, #tpu.memory_space<vmem>> -> memref<1x128xi32, #tpu.memory_space<vmem>>
          %dma_start3A_86 = tpu.memref_squeeze %dma_start3A_85 : memref<1x128xi32, #tpu.memory_space<vmem>> -> memref<128xi32, #tpu.memory_space<vmem>>
          %dma_start3A_87 = arith.constant 0 : i32
          %dma_start3A_88 = arith.constant 0 : i32
          %dma_start3A_89 = tpu.memref_slice %arg13[%dma_start3A_87, %dma_start3A_88] : memref<10240x128xf32, #tpu.memory_space<vmem_shared>> -> memref<10240x128xf32, #tpu.memory_space<vmem_shared>>
          tpu.enqueue_indirect_dma source(%arg9 : memref<128x128xf32, #tpu.memory_space<vmem>>) target(%dma_start3A_89 : memref<10240x128xf32, #tpu.memory_space<vmem_shared>>) offsets(%dma_start3A_86 : memref<128xi32, #tpu.memory_space<vmem>>) semaphore(%run_scoped3A_83 : memref<!tpu.dma_semaphore, #tpu.memory_space<semaphore_mem>>) {add = true}
          %dma_wait3A_90 = arith.constant 0 : i32
          %dma_wait3A_91 = tpu.memref_slice %arg8[%add3A_50, %dma_wait3A_90] : memref<40x128xi32, #tpu.memory_space<vmem>> -> memref<1x128xi32, #tpu.memory_space<vmem>>
          %dma_wait3A_92 = tpu.memref_squeeze %dma_wait3A_91 : memref<1x128xi32, #tpu.memory_space<vmem>> -> memref<128xi32, #tpu.memory_space<vmem>>
          %dma_wait3A_93 = arith.constant 0 : i32
          %dma_wait3A_94 = arith.constant 0 : i32
          %dma_wait3A_95 = tpu.memref_slice %arg13[%dma_wait3A_93, %dma_wait3A_94] : memref<10240x128xf32, #tpu.memory_space<vmem_shared>> -> memref<10240x128xf32, #tpu.memory_space<vmem_shared>>
          tpu.wait_indirect_dma semaphore(%run_scoped3A_83 : memref<!tpu.dma_semaphore, #tpu.memory_space<semaphore_mem>>) src(%arg9 : memref<128x128xf32, #tpu.memory_space<vmem>>) dst(%dma_wait3A_95 : memref<10240x128xf32, #tpu.memory_space<vmem_shared>>)
          tpu.yield
        }) : () -> ()
        %add3A_57 = arith.constant 2 : i32
        %add3A_58 = arith.addi %add3A_50, %add3A_57 : i32
        %dma_start3A_59 = arith.constant 0 : i32
        %dma_start3A_60 = tpu.memref_slice %arg7[%add3A_58, %dma_start3A_59] : memref<40x128xi32, #tpu.memory_space<vmem>> -> memref<1x128xi32, #tpu.memory_space<vmem>>
        %dma_start3A_61 = tpu.memref_squeeze %dma_start3A_60 : memref<1x128xi32, #tpu.memory_space<vmem>> -> memref<128xi32, #tpu.memory_space<vmem>>
        %dma_start3A_62 = arith.constant 0 : i32
        %dma_start3A_63 = arith.constant 0 : i32
        %dma_start3A_64 = tpu.memref_slice %arg4[%dma_start3A_62, %dma_start3A_63] : memref<10240x128xf32, #tpu.memory_space<hbm>> -> memref<10240x128xf32, #tpu.memory_space<hbm>>
        tpu.enqueue_indirect_dma source(%dma_start3A_64 : memref<10240x128xf32, #tpu.memory_space<hbm>>) target(%arg9 : memref<128x128xf32, #tpu.memory_space<vmem>>) offsets(%dma_start3A_61 : memref<128xi32, #tpu.memory_space<vmem>>) semaphore(%arg11 : memref<!tpu.dma_semaphore, #tpu.memory_space<semaphore_mem>>)
        %mul3A_65 = arith.constant 2 : i32
        %mul3A_66 = arith.muli %scan3A_46, %mul3A_65 : i32
        %add3A_67 = arith.constant 1 : i32
        %add3A_68 = arith.addi %mul3A_66, %add3A_67 : i32
        %dma_wait3A_69 = arith.constant 0 : i32
        %dma_wait3A_70 = tpu.memref_slice %arg7[%scan3A_26, %dma_wait3A_69] : memref<40x128xi32, #tpu.memory_space<vmem>> -> memref<1x128xi32, #tpu.memory_space<vmem>>
        %dma_wait3A_71 = tpu.memref_squeeze %dma_wait3A_70 : memref<1x128xi32, #tpu.memory_space<vmem>> -> memref<128xi32, #tpu.memory_space<vmem>>
        %dma_wait3A_72 = arith.constant 0 : i32
        %dma_wait3A_73 = arith.constant 0 : i32
        %dma_wait3A_74 = tpu.memref_slice %arg4[%dma_wait3A_72, %dma_wait3A_73] : memref<10240x128xf32, #tpu.memory_space<hbm>> -> memref<10240x128xf32, #tpu.memory_space<hbm>>
        tpu.wait_indirect_dma semaphore(%arg12 : memref<!tpu.dma_semaphore, #tpu.memory_space<semaphore_mem>>) src(%dma_wait3A_74 : memref<10240x128xf32, #tpu.memory_space<hbm>>) dst(%arg10 : memref<128x128xf32, #tpu.memory_space<vmem>>)
        "tpu.region"() ({
          %run_scoped3A_83 = tpu.sem_alloc : memref<!tpu.dma_semaphore, #tpu.memory_space<semaphore_mem>>
          %dma_start3A_84 = arith.constant 0 : i32
          %dma_start3A_85 = tpu.memref_slice %arg8[%add3A_68, %dma_start3A_84] : memref<40x128xi32, #tpu.memory_space<vmem>> -> memref<1x128xi32, #tpu.memory_space<vmem>>
          %dma_start3A_86 = tpu.memref_squeeze %dma_start3A_85 : memref<1x128xi32, #tpu.memory_space<vmem>> -> memref<128xi32, #tpu.memory_space<vmem>>
          %dma_start3A_87 = arith.constant 0 : i32
          %dma_start3A_88 = arith.constant 0 : i32
          %dma_start3A_89 = tpu.memref_slice %arg13[%dma_start3A_87, %dma_start3A_88] : memref<10240x128xf32, #tpu.memory_space<vmem_shared>> -> memref<10240x128xf32, #tpu.memory_space<vmem_shared>>
          tpu.enqueue_indirect_dma source(%arg10 : memref<128x128xf32, #tpu.memory_space<vmem>>) target(%dma_start3A_89 : memref<10240x128xf32, #tpu.memory_space<vmem_shared>>) offsets(%dma_start3A_86 : memref<128xi32, #tpu.memory_space<vmem>>) semaphore(%run_scoped3A_83 : memref<!tpu.dma_semaphore, #tpu.memory_space<semaphore_mem>>) {add = true}
          %dma_wait3A_90 = arith.constant 0 : i32
          %dma_wait3A_91 = tpu.memref_slice %arg8[%add3A_68, %dma_wait3A_90] : memref<40x128xi32, #tpu.memory_space<vmem>> -> memref<1x128xi32, #tpu.memory_space<vmem>>
          %dma_wait3A_92 = tpu.memref_squeeze %dma_wait3A_91 : memref<1x128xi32, #tpu.memory_space<vmem>> -> memref<128xi32, #tpu.memory_space<vmem>>
          %dma_wait3A_93 = arith.constant 0 : i32
          %dma_wait3A_94 = arith.constant 0 : i32
          %dma_wait3A_95 = tpu.memref_slice %arg13[%dma_wait3A_93, %dma_wait3A_94] : memref<10240x128xf32, #tpu.memory_space<vmem_shared>> -> memref<10240x128xf32, #tpu.memory_space<vmem_shared>>
          tpu.wait_indirect_dma semaphore(%run_scoped3A_83 : memref<!tpu.dma_semaphore, #tpu.memory_space<semaphore_mem>>) src(%arg10 : memref<128x128xf32, #tpu.memory_space<vmem>>) dst(%dma_wait3A_95 : memref<10240x128xf32, #tpu.memory_space<vmem_shared>>)
          tpu.yield
        }) : () -> ()
        %add3A_75 = arith.constant 2 : i32
        %add3A_76 = arith.addi %add3A_68, %add3A_75 : i32
        %dma_start3A_77 = arith.constant 0 : i32
        %dma_start3A_78 = tpu.memref_slice %arg7[%add3A_76, %dma_start3A_77] : memref<40x128xi32, #tpu.memory_space<vmem>> -> memref<1x128xi32, #tpu.memory_space<vmem>>
        %dma_start3A_79 = tpu.memref_squeeze %dma_start3A_78 : memref<1x128xi32, #tpu.memory_space<vmem>> -> memref<128xi32, #tpu.memory_space<vmem>>
        %dma_start3A_80 = arith.constant 0 : i32
        %dma_start3A_81 = arith.constant 0 : i32
        %dma_start3A_82 = tpu.memref_slice %arg4[%dma_start3A_80, %dma_start3A_81] : memref<10240x128xf32, #tpu.memory_space<hbm>> -> memref<10240x128xf32, #tpu.memory_space<hbm>>
        tpu.enqueue_indirect_dma source(%dma_start3A_82 : memref<10240x128xf32, #tpu.memory_space<hbm>>) target(%arg10 : memref<128x128xf32, #tpu.memory_space<vmem>>) offsets(%dma_start3A_79 : memref<128xi32, #tpu.memory_space<vmem>>) semaphore(%arg12 : memref<!tpu.dma_semaphore, #tpu.memory_space<semaphore_mem>>)
      }
      %scan3A_31 = arith.constant 3 : i32
      %dma_wait3A = arith.constant 0 : i32
      %dma_wait3A_32 = arith.constant 0 : i32
      %dma_wait3A_33 = tpu.memref_slice %arg7[%dma_wait3A, %dma_wait3A_32] : memref<40x128xi32, #tpu.memory_space<vmem>> -> memref<1x128xi32, #tpu.memory_space<vmem>>
      %dma_wait3A_34 = tpu.memref_squeeze %dma_wait3A_33 : memref<1x128xi32, #tpu.memory_space<vmem>> -> memref<128xi32, #tpu.memory_space<vmem>>
      %dma_wait3A_35 = arith.constant 0 : i32
      %dma_wait3A_36 = arith.constant 0 : i32
      %dma_wait3A_37 = tpu.memref_slice %arg4[%dma_wait3A_35, %dma_wait3A_36] : memref<10240x128xf32, #tpu.memory_space<hbm>> -> memref<10240x128xf32, #tpu.memory_space<hbm>>
      tpu.wait_indirect_dma semaphore(%arg11 : memref<!tpu.dma_semaphore, #tpu.memory_space<semaphore_mem>>) src(%dma_wait3A_37 : memref<10240x128xf32, #tpu.memory_space<hbm>>) dst(%arg9 : memref<128x128xf32, #tpu.memory_space<vmem>>)
      %run_scoped3A = arith.constant 6 : i32
      "tpu.region"() ({
        %run_scoped3A_46 = tpu.sem_alloc : memref<!tpu.dma_semaphore, #tpu.memory_space<semaphore_mem>>
        %dma_start3A_47 = arith.constant 0 : i32
        %dma_start3A_48 = tpu.memref_slice %arg8[%run_scoped3A, %dma_start3A_47] : memref<40x128xi32, #tpu.memory_space<vmem>> -> memref<1x128xi32, #tpu.memory_space<vmem>>
        %dma_start3A_49 = tpu.memref_squeeze %dma_start3A_48 : memref<1x128xi32, #tpu.memory_space<vmem>> -> memref<128xi32, #tpu.memory_space<vmem>>
        %dma_start3A_50 = arith.constant 0 : i32
        %dma_start3A_51 = arith.constant 0 : i32
        %dma_start3A_52 = tpu.memref_slice %arg13[%dma_start3A_50, %dma_start3A_51] : memref<10240x128xf32, #tpu.memory_space<vmem_shared>> -> memref<10240x128xf32, #tpu.memory_space<vmem_shared>>
        tpu.enqueue_indirect_dma source(%arg9 : memref<128x128xf32, #tpu.memory_space<vmem>>) target(%dma_start3A_52 : memref<10240x128xf32, #tpu.memory_space<vmem_shared>>) offsets(%dma_start3A_49 : memref<128xi32, #tpu.memory_space<vmem>>) semaphore(%run_scoped3A_46 : memref<!tpu.dma_semaphore, #tpu.memory_space<semaphore_mem>>) {add = true}
        %dma_wait3A_53 = arith.constant 0 : i32
        %dma_wait3A_54 = tpu.memref_slice %arg8[%run_scoped3A, %dma_wait3A_53] : memref<40x128xi32, #tpu.memory_space<vmem>> -> memref<1x128xi32, #tpu.memory_space<vmem>>
        %dma_wait3A_55 = tpu.memref_squeeze %dma_wait3A_54 : memref<1x128xi32, #tpu.memory_space<vmem>> -> memref<128xi32, #tpu.memory_space<vmem>>
        %dma_wait3A_56 = arith.constant 0 : i32
        %dma_wait3A_57 = arith.constant 0 : i32
        %dma_wait3A_58 = tpu.memref_slice %arg13[%dma_wait3A_56, %dma_wait3A_57] : memref<10240x128xf32, #tpu.memory_space<vmem_shared>> -> memref<10240x128xf32, #tpu.memory_space<vmem_shared>>
        tpu.wait_indirect_dma semaphore(%run_scoped3A_46 : memref<!tpu.dma_semaphore, #tpu.memory_space<semaphore_mem>>) src(%arg9 : memref<128x128xf32, #tpu.memory_space<vmem>>) dst(%dma_wait3A_58 : memref<10240x128xf32, #tpu.memory_space<vmem_shared>>)
        tpu.yield
      }) : () -> ()
      %dma_wait3A_38 = arith.constant 1 : i32
      %dma_wait3A_39 = arith.constant 0 : i32
      %dma_wait3A_40 = tpu.memref_slice %arg7[%dma_wait3A_38, %dma_wait3A_39] : memref<40x128xi32, #tpu.memory_space<vmem>> -> memref<1x128xi32, #tpu.memory_space<vmem>>
      %dma_wait3A_41 = tpu.memref_squeeze %dma_wait3A_40 : memref<1x128xi32, #tpu.memory_space<vmem>> -> memref<128xi32, #tpu.memory_space<vmem>>
      %dma_wait3A_42 = arith.constant 0 : i32
      %dma_wait3A_43 = arith.constant 0 : i32
      %dma_wait3A_44 = tpu.memref_slice %arg4[%dma_wait3A_42, %dma_wait3A_43] : memref<10240x128xf32, #tpu.memory_space<hbm>> -> memref<10240x128xf32, #tpu.memory_space<hbm>>
      tpu.wait_indirect_dma semaphore(%arg12 : memref<!tpu.dma_semaphore, #tpu.memory_space<semaphore_mem>>) src(%dma_wait3A_44 : memref<10240x128xf32, #tpu.memory_space<hbm>>) dst(%arg10 : memref<128x128xf32, #tpu.memory_space<vmem>>)
      %run_scoped3A_45 = arith.constant 7 : i32
      "tpu.region"() ({
        %run_scoped3A_46 = tpu.sem_alloc : memref<!tpu.dma_semaphore, #tpu.memory_space<semaphore_mem>>
        %dma_start3A_47 = arith.constant 0 : i32
        %dma_start3A_48 = tpu.memref_slice %arg8[%run_scoped3A_45, %dma_start3A_47] : memref<40x128xi32, #tpu.memory_space<vmem>> -> memref<1x128xi32, #tpu.memory_space<vmem>>
        %dma_start3A_49 = tpu.memref_squeeze %dma_start3A_48 : memref<1x128xi32, #tpu.memory_space<vmem>> -> memref<128xi32, #tpu.memory_space<vmem>>
        %dma_start3A_50 = arith.constant 0 : i32
        %dma_start3A_51 = arith.constant 0 : i32
        %dma_start3A_52 = tpu.memref_slice %arg13[%dma_start3A_50, %dma_start3A_51] : memref<10240x128xf32, #tpu.memory_space<vmem_shared>> -> memref<10240x128xf32, #tpu.memory_space<vmem_shared>>
        tpu.enqueue_indirect_dma source(%arg10 : memref<128x128xf32, #tpu.memory_space<vmem>>) target(%dma_start3A_52 : memref<10240x128xf32, #tpu.memory_space<vmem_shared>>) offsets(%dma_start3A_49 : memref<128xi32, #tpu.memory_space<vmem>>) semaphore(%run_scoped3A_46 : memref<!tpu.dma_semaphore, #tpu.memory_space<semaphore_mem>>) {add = true}
        %dma_wait3A_53 = arith.constant 0 : i32
        %dma_wait3A_54 = tpu.memref_slice %arg8[%run_scoped3A_45, %dma_wait3A_53] : memref<40x128xi32, #tpu.memory_space<vmem>> -> memref<1x128xi32, #tpu.memory_space<vmem>>
        %dma_wait3A_55 = tpu.memref_squeeze %dma_wait3A_54 : memref<1x128xi32, #tpu.memory_space<vmem>> -> memref<128xi32, #tpu.memory_space<vmem>>
        %dma_wait3A_56 = arith.constant 0 : i32
        %dma_wait3A_57 = arith.constant 0 : i32
        %dma_wait3A_58 = tpu.memref_slice %arg13[%dma_wait3A_56, %dma_wait3A_57] : memref<10240x128xf32, #tpu.memory_space<vmem_shared>> -> memref<10240x128xf32, #tpu.memory_space<vmem_shared>>
        tpu.wait_indirect_dma semaphore(%run_scoped3A_46 : memref<!tpu.dma_semaphore, #tpu.memory_space<semaphore_mem>>) src(%arg10 : memref<128x128xf32, #tpu.memory_space<vmem>>) dst(%dma_wait3A_58 : memref<10240x128xf32, #tpu.memory_space<vmem_shared>>)
        tpu.yield
      }) : () -> ()
    } else {
    }
    %barrier3A_8 = arith.constant 0 : index
    tpu.barrier barrier_id(%barrier3A_8)
    "tpu.region"() ({
      %run_scoped3A = tpu.sem_alloc : memref<!tpu.dma_semaphore, #tpu.memory_space<semaphore_mem>>
      %dma_start3A = arith.constant 0 : i32
      %dma_start3A_9 = tpu.memref_slice %arg6[%arg0, %mul3A_0, %dma_start3A] : memref<2x10240x128xf32, #tpu.memory_space<hbm>> -> memref<1x640x128xf32, #tpu.memory_space<hbm>>
      %dma_start3A_10 = tpu.memref_squeeze %dma_start3A_9 : memref<1x640x128xf32, #tpu.memory_space<hbm>> -> memref<640x128xf32, #tpu.memory_space<hbm>>
      %dma_start3A_11 = arith.constant 0 : i32
      %dma_start3A_12 = tpu.memref_slice %arg13[%mul3A_0, %dma_start3A_11] : memref<10240x128xf32, #tpu.memory_space<vmem_shared>> -> memref<640x128xf32, #tpu.memory_space<vmem_shared>>
      tpu.enqueue_dma source(%dma_start3A_12 : memref<640x128xf32, #tpu.memory_space<vmem_shared>>) target(%dma_start3A_10 : memref<640x128xf32, #tpu.memory_space<hbm>>) target_semaphore(%run_scoped3A : memref<!tpu.dma_semaphore, #tpu.memory_space<semaphore_mem>>)
      %dma_wait3A = arith.constant 0 : i32
      %dma_wait3A_13 = tpu.memref_slice %arg6[%arg0, %mul3A_0, %dma_wait3A] : memref<2x10240x128xf32, #tpu.memory_space<hbm>> -> memref<1x640x128xf32, #tpu.memory_space<hbm>>
      %dma_wait3A_14 = tpu.memref_squeeze %dma_wait3A_13 : memref<1x640x128xf32, #tpu.memory_space<hbm>> -> memref<640x128xf32, #tpu.memory_space<hbm>>
      %dma_wait3A_15 = arith.constant 0 : i32
      %dma_wait3A_16 = tpu.memref_slice %arg13[%mul3A_0, %dma_wait3A_15] : memref<10240x128xf32, #tpu.memory_space<vmem_shared>> -> memref<640x128xf32, #tpu.memory_space<vmem_shared>>
      tpu.wait_dma2 semaphore(%run_scoped3A : memref<!tpu.dma_semaphore, #tpu.memory_space<semaphore_mem>>) src(%dma_wait3A_16 : memref<640x128xf32, #tpu.memory_space<vmem_shared>>) dst(%dma_wait3A_14 : memref<640x128xf32, #tpu.memory_space<hbm>>)
      tpu.yield
    }) : () -> ()
    return
  }
}

#map = affine_map<(d0, d1) -> (0, 0)>
#map1 = affine_map<(d0, d1) -> (0)>
module attributes {stable_mosaic.version = 14 : i64} {
  func.func @_agg2_body(%arg0: i32, %arg1: i32, %arg2: memref<1280x128xi32, #tpu.memory_space<hbm>>, %arg3: memref<1280x128xi32, #tpu.memory_space<hbm>>, %arg4: memref<10240xf32, #tpu.memory_space<hbm>>, %arg5: memref<1310720xf32, #tpu.memory_space<hbm>>, %arg6: memref<2x10240xf32, #tpu.memory_space<hbm>>, %arg7: memref<48x128xi32, #tpu.memory_space<vmem>>, %arg8: memref<48x128xi32, #tpu.memory_space<vmem>>, %arg9: memref<128xf32, #tpu.memory_space<vmem>>, %arg10: memref<128xf32, #tpu.memory_space<vmem>>, %arg11: memref<128xf32, #tpu.memory_space<vmem>>, %arg12: memref<128xf32, #tpu.memory_space<vmem>>, %arg13: memref<!tpu.dma_semaphore, #tpu.memory_space<semaphore_mem>>, %arg14: memref<!tpu.dma_semaphore, #tpu.memory_space<semaphore_mem>>, %arg15: memref<!tpu.dma_semaphore, #tpu.memory_space<semaphore_mem>>, %arg16: memref<!tpu.dma_semaphore, #tpu.memory_space<semaphore_mem>>, %arg17: memref<10240xf32, #tpu.memory_space<vmem_shared>>) attributes {dimension_semantics = [#tpu.dimension_semantics<core_parallel>, #tpu.dimension_semantics<subcore_parallel>], iteration_bounds = array<i64: 2, 16>, scalar_prefetch = 0 : i64, scratch_operands = 11 : i64, tpu.core_type = #tpu.core_type<sc_vector_subcore>, window_params = [{transform_indices = #map}, {transform_indices = #map}, {transform_indices = #map1}, {transform_indices = #map1}, {transform_indices = #map}]} {
    %eq3A = arith.constant 0 : i32
    %eq3A_0 = arith.cmpi eq, %arg1, %eq3A : i32
    %convert_element_type3A = arith.extui %eq3A_0 : i1 to i32
    %cond3A = arith.constant 0 : i32
    %cond3A_1 = arith.cmpi ne, %convert_element_type3A, %cond3A : i32
    scf.if %cond3A_1 {
      "tpu.region"() ({
        %run_scoped3A = tpu.sem_alloc : memref<!tpu.dma_semaphore, #tpu.memory_space<semaphore_mem>>
        %dma_start3A = arith.constant 0 : i32
        %dma_start3A_14 = tpu.memref_slice %arg5[%dma_start3A] : memref<1310720xf32, #tpu.memory_space<hbm>> -> memref<10240xf32, #tpu.memory_space<hbm>>
        tpu.enqueue_dma source(%dma_start3A_14 : memref<10240xf32, #tpu.memory_space<hbm>>) target(%arg17 : memref<10240xf32, #tpu.memory_space<vmem_shared>>) target_semaphore(%run_scoped3A : memref<!tpu.dma_semaphore, #tpu.memory_space<semaphore_mem>>)
        %dma_wait3A = arith.constant 0 : i32
        %dma_wait3A_15 = tpu.memref_slice %arg5[%dma_wait3A] : memref<1310720xf32, #tpu.memory_space<hbm>> -> memref<10240xf32, #tpu.memory_space<hbm>>
        tpu.wait_dma2 semaphore(%run_scoped3A : memref<!tpu.dma_semaphore, #tpu.memory_space<semaphore_mem>>) src(%dma_wait3A_15 : memref<10240xf32, #tpu.memory_space<hbm>>) dst(%arg17 : memref<10240xf32, #tpu.memory_space<vmem_shared>>)
        tpu.yield
      }) : () -> ()
    } else {
    }
    %barrier3A = arith.constant 0 : index
    tpu.barrier barrier_id(%barrier3A)
    %eq3A_2 = arith.constant 0 : i32
    %eq3A_3 = arith.cmpi eq, %arg0, %eq3A_2 : i32
    %convert_element_type3A_4 = arith.extui %eq3A_3 : i1 to i32
    %cond3A_5 = arith.constant 0 : i32
    %cond3A_6 = arith.cmpi ne, %convert_element_type3A_4, %cond3A_5 : i32
    scf.if %cond3A_6 {
      %mul3A_14 = arith.constant 48 : i32
      %mul3A_15 = arith.muli %arg1, %mul3A_14 : i32
      "tpu.region"() ({
        %run_scoped3A_74 = tpu.sem_alloc : memref<!tpu.dma_semaphore, #tpu.memory_space<semaphore_mem>>
        %dma_start3A_75 = arith.constant 0 : i32
        %dma_start3A_76 = arith.constant 0 : i32
        %dma_start3A_77 = tpu.memref_slice %arg7[%dma_start3A_75, %dma_start3A_76] : memref<48x128xi32, #tpu.memory_space<vmem>> -> memref<48x128xi32, #tpu.memory_space<vmem>>
        %dma_start3A_78 = arith.constant 0 : i32
        %dma_start3A_79 = tpu.memref_slice %arg2[%mul3A_15, %dma_start3A_78] : memref<1280x128xi32, #tpu.memory_space<hbm>> -> memref<48x128xi32, #tpu.memory_space<hbm>>
        %dma_start3A_80 = arith.constant 0 : i32
        %dma_start3A_81 = arith.constant 0 : i32
        %dma_start3A_82 = tpu.memref_slice %arg7[%dma_start3A_80, %dma_start3A_81] : memref<48x128xi32, #tpu.memory_space<vmem>> -> memref<48x128xi32, #tpu.memory_space<vmem>>
        %dma_start3A_83 = arith.constant 0 : i32
        %dma_start3A_84 = tpu.memref_slice %arg2[%mul3A_15, %dma_start3A_83] : memref<1280x128xi32, #tpu.memory_space<hbm>> -> memref<48x128xi32, #tpu.memory_space<hbm>>
        tpu.enqueue_dma source(%dma_start3A_84 : memref<48x128xi32, #tpu.memory_space<hbm>>) target(%dma_start3A_82 : memref<48x128xi32, #tpu.memory_space<vmem>>) target_semaphore(%run_scoped3A_74 : memref<!tpu.dma_semaphore, #tpu.memory_space<semaphore_mem>>)
        %dma_wait3A_85 = arith.constant 0 : i32
        %dma_wait3A_86 = arith.constant 0 : i32
        %dma_wait3A_87 = tpu.memref_slice %arg7[%dma_wait3A_85, %dma_wait3A_86] : memref<48x128xi32, #tpu.memory_space<vmem>> -> memref<48x128xi32, #tpu.memory_space<vmem>>
        %dma_wait3A_88 = arith.constant 0 : i32
        %dma_wait3A_89 = tpu.memref_slice %arg2[%mul3A_15, %dma_wait3A_88] : memref<1280x128xi32, #tpu.memory_space<hbm>> -> memref<48x128xi32, #tpu.memory_space<hbm>>
        %dma_wait3A_90 = arith.constant 0 : i32
        %dma_wait3A_91 = arith.constant 0 : i32
        %dma_wait3A_92 = tpu.memref_slice %arg7[%dma_wait3A_90, %dma_wait3A_91] : memref<48x128xi32, #tpu.memory_space<vmem>> -> memref<48x128xi32, #tpu.memory_space<vmem>>
        %dma_wait3A_93 = arith.constant 0 : i32
        %dma_wait3A_94 = tpu.memref_slice %arg2[%mul3A_15, %dma_wait3A_93] : memref<1280x128xi32, #tpu.memory_space<hbm>> -> memref<48x128xi32, #tpu.memory_space<hbm>>
        tpu.wait_dma2 semaphore(%run_scoped3A_74 : memref<!tpu.dma_semaphore, #tpu.memory_space<semaphore_mem>>) src(%dma_wait3A_94 : memref<48x128xi32, #tpu.memory_space<hbm>>) dst(%dma_wait3A_92 : memref<48x128xi32, #tpu.memory_space<vmem>>)
        tpu.yield
      }) : () -> ()
      "tpu.region"() ({
        %run_scoped3A_74 = tpu.sem_alloc : memref<!tpu.dma_semaphore, #tpu.memory_space<semaphore_mem>>
        %dma_start3A_75 = arith.constant 0 : i32
        %dma_start3A_76 = arith.constant 0 : i32
        %dma_start3A_77 = tpu.memref_slice %arg8[%dma_start3A_75, %dma_start3A_76] : memref<48x128xi32, #tpu.memory_space<vmem>> -> memref<48x128xi32, #tpu.memory_space<vmem>>
        %dma_start3A_78 = arith.constant 0 : i32
        %dma_start3A_79 = tpu.memref_slice %arg3[%mul3A_15, %dma_start3A_78] : memref<1280x128xi32, #tpu.memory_space<hbm>> -> memref<48x128xi32, #tpu.memory_space<hbm>>
        %dma_start3A_80 = arith.constant 0 : i32
        %dma_start3A_81 = arith.constant 0 : i32
        %dma_start3A_82 = tpu.memref_slice %arg8[%dma_start3A_80, %dma_start3A_81] : memref<48x128xi32, #tpu.memory_space<vmem>> -> memref<48x128xi32, #tpu.memory_space<vmem>>
        %dma_start3A_83 = arith.constant 0 : i32
        %dma_start3A_84 = tpu.memref_slice %arg3[%mul3A_15, %dma_start3A_83] : memref<1280x128xi32, #tpu.memory_space<hbm>> -> memref<48x128xi32, #tpu.memory_space<hbm>>
        tpu.enqueue_dma source(%dma_start3A_84 : memref<48x128xi32, #tpu.memory_space<hbm>>) target(%dma_start3A_82 : memref<48x128xi32, #tpu.memory_space<vmem>>) target_semaphore(%run_scoped3A_74 : memref<!tpu.dma_semaphore, #tpu.memory_space<semaphore_mem>>)
        %dma_wait3A_85 = arith.constant 0 : i32
        %dma_wait3A_86 = arith.constant 0 : i32
        %dma_wait3A_87 = tpu.memref_slice %arg8[%dma_wait3A_85, %dma_wait3A_86] : memref<48x128xi32, #tpu.memory_space<vmem>> -> memref<48x128xi32, #tpu.memory_space<vmem>>
        %dma_wait3A_88 = arith.constant 0 : i32
        %dma_wait3A_89 = tpu.memref_slice %arg3[%mul3A_15, %dma_wait3A_88] : memref<1280x128xi32, #tpu.memory_space<hbm>> -> memref<48x128xi32, #tpu.memory_space<hbm>>
        %dma_wait3A_90 = arith.constant 0 : i32
        %dma_wait3A_91 = arith.constant 0 : i32
        %dma_wait3A_92 = tpu.memref_slice %arg8[%dma_wait3A_90, %dma_wait3A_91] : memref<48x128xi32, #tpu.memory_space<vmem>> -> memref<48x128xi32, #tpu.memory_space<vmem>>
        %dma_wait3A_93 = arith.constant 0 : i32
        %dma_wait3A_94 = tpu.memref_slice %arg3[%mul3A_15, %dma_wait3A_93] : memref<1280x128xi32, #tpu.memory_space<hbm>> -> memref<48x128xi32, #tpu.memory_space<hbm>>
        tpu.wait_dma2 semaphore(%run_scoped3A_74 : memref<!tpu.dma_semaphore, #tpu.memory_space<semaphore_mem>>) src(%dma_wait3A_94 : memref<48x128xi32, #tpu.memory_space<hbm>>) dst(%dma_wait3A_92 : memref<48x128xi32, #tpu.memory_space<vmem>>)
        tpu.yield
      }) : () -> ()
      %dma_start3A = arith.constant 0 : i32
      %dma_start3A_16 = arith.constant 0 : i32
      %dma_start3A_17 = tpu.memref_slice %arg7[%dma_start3A, %dma_start3A_16] : memref<48x128xi32, #tpu.memory_space<vmem>> -> memref<1x128xi32, #tpu.memory_space<vmem>>
      %dma_start3A_18 = tpu.memref_squeeze %dma_start3A_17 : memref<1x128xi32, #tpu.memory_space<vmem>> -> memref<128xi32, #tpu.memory_space<vmem>>
      %dma_start3A_19 = arith.constant 0 : i32
      %dma_start3A_20 = tpu.memref_slice %arg4[%dma_start3A_19] : memref<10240xf32, #tpu.memory_space<hbm>> -> memref<10240xf32, #tpu.memory_space<hbm>>
      tpu.enqueue_indirect_dma source(%dma_start3A_20 : memref<10240xf32, #tpu.memory_space<hbm>>) target(%arg9 : memref<128xf32, #tpu.memory_space<vmem>>) offsets(%dma_start3A_18 : memref<128xi32, #tpu.memory_space<vmem>>) semaphore(%arg13 : memref<!tpu.dma_semaphore, #tpu.memory_space<semaphore_mem>>)
      %dma_start3A_21 = arith.constant 1 : i32
      %dma_start3A_22 = arith.constant 0 : i32
      %dma_start3A_23 = tpu.memref_slice %arg7[%dma_start3A_21, %dma_start3A_22] : memref<48x128xi32, #tpu.memory_space<vmem>> -> memref<1x128xi32, #tpu.memory_space<vmem>>
      %dma_start3A_24 = tpu.memref_squeeze %dma_start3A_23 : memref<1x128xi32, #tpu.memory_space<vmem>> -> memref<128xi32, #tpu.memory_space<vmem>>
      %dma_start3A_25 = arith.constant 0 : i32
      %dma_start3A_26 = tpu.memref_slice %arg4[%dma_start3A_25] : memref<10240xf32, #tpu.memory_space<hbm>> -> memref<10240xf32, #tpu.memory_space<hbm>>
      tpu.enqueue_indirect_dma source(%dma_start3A_26 : memref<10240xf32, #tpu.memory_space<hbm>>) target(%arg10 : memref<128xf32, #tpu.memory_space<vmem>>) offsets(%dma_start3A_24 : memref<128xi32, #tpu.memory_space<vmem>>) semaphore(%arg14 : memref<!tpu.dma_semaphore, #tpu.memory_space<semaphore_mem>>)
      %dma_start3A_27 = arith.constant 2 : i32
      %dma_start3A_28 = arith.constant 0 : i32
      %dma_start3A_29 = tpu.memref_slice %arg7[%dma_start3A_27, %dma_start3A_28] : memref<48x128xi32, #tpu.memory_space<vmem>> -> memref<1x128xi32, #tpu.memory_space<vmem>>
      %dma_start3A_30 = tpu.memref_squeeze %dma_start3A_29 : memref<1x128xi32, #tpu.memory_space<vmem>> -> memref<128xi32, #tpu.memory_space<vmem>>
      %dma_start3A_31 = arith.constant 0 : i32
      %dma_start3A_32 = tpu.memref_slice %arg4[%dma_start3A_31] : memref<10240xf32, #tpu.memory_space<hbm>> -> memref<10240xf32, #tpu.memory_space<hbm>>
      tpu.enqueue_indirect_dma source(%dma_start3A_32 : memref<10240xf32, #tpu.memory_space<hbm>>) target(%arg11 : memref<128xf32, #tpu.memory_space<vmem>>) offsets(%dma_start3A_30 : memref<128xi32, #tpu.memory_space<vmem>>) semaphore(%arg15 : memref<!tpu.dma_semaphore, #tpu.memory_space<semaphore_mem>>)
      %dma_start3A_33 = arith.constant 3 : i32
      %dma_start3A_34 = arith.constant 0 : i32
      %dma_start3A_35 = tpu.memref_slice %arg7[%dma_start3A_33, %dma_start3A_34] : memref<48x128xi32, #tpu.memory_space<vmem>> -> memref<1x128xi32, #tpu.memory_space<vmem>>
      %dma_start3A_36 = tpu.memref_squeeze %dma_start3A_35 : memref<1x128xi32, #tpu.memory_space<vmem>> -> memref<128xi32, #tpu.memory_space<vmem>>
      %dma_start3A_37 = arith.constant 0 : i32
      %dma_start3A_38 = tpu.memref_slice %arg4[%dma_start3A_37] : memref<10240xf32, #tpu.memory_space<hbm>> -> memref<10240xf32, #tpu.memory_space<hbm>>
      tpu.enqueue_indirect_dma source(%dma_start3A_38 : memref<10240xf32, #tpu.memory_space<hbm>>) target(%arg12 : memref<128xf32, #tpu.memory_space<vmem>>) offsets(%dma_start3A_36 : memref<128xi32, #tpu.memory_space<vmem>>) semaphore(%arg16 : memref<!tpu.dma_semaphore, #tpu.memory_space<semaphore_mem>>)
      %scan3A = arith.constant 0 : i32
      %scan3A_39 = arith.constant 0 : i32
      %scan3A_40 = arith.constant 1 : i32
      %scan3A_41 = arith.constant 2 : i32
      %scan3A_42 = arith.constant 3 : i32
      %scan3A_43 = arith.constant 0 : i32
      %scan3A_44 = arith.constant 11 : i32
      %scan3A_45 = arith.addi %scan3A_43, %scan3A_44 : i32
      %scan3A_46 = arith.constant 1 : i32
      scf.for %scan3A_74 = %scan3A_43 to %scan3A_45 step %scan3A_46  : i32 {
        %mul3A_75 = arith.constant 4 : i32
        %mul3A_76 = arith.muli %scan3A_74, %mul3A_75 : i32
        %add3A = arith.constant 0 : i32
        %add3A_77 = arith.addi %mul3A_76, %add3A : i32
        %dma_wait3A_78 = arith.constant 0 : i32
        %dma_wait3A_79 = tpu.memref_slice %arg7[%scan3A_39, %dma_wait3A_78] : memref<48x128xi32, #tpu.memory_space<vmem>> -> memref<1x128xi32, #tpu.memory_space<vmem>>
        %dma_wait3A_80 = tpu.memref_squeeze %dma_wait3A_79 : memref<1x128xi32, #tpu.memory_space<vmem>> -> memref<128xi32, #tpu.memory_space<vmem>>
        %dma_wait3A_81 = arith.constant 0 : i32
        %dma_wait3A_82 = tpu.memref_slice %arg4[%dma_wait3A_81] : memref<10240xf32, #tpu.memory_space<hbm>> -> memref<10240xf32, #tpu.memory_space<hbm>>
        tpu.wait_indirect_dma semaphore(%arg13 : memref<!tpu.dma_semaphore, #tpu.memory_space<semaphore_mem>>) src(%dma_wait3A_82 : memref<10240xf32, #tpu.memory_space<hbm>>) dst(%arg9 : memref<128xf32, #tpu.memory_space<vmem>>)
        "tpu.region"() ({
          %run_scoped3A_138 = tpu.sem_alloc : memref<!tpu.dma_semaphore, #tpu.memory_space<semaphore_mem>>
          %dma_start3A_139 = arith.constant 0 : i32
          %dma_start3A_140 = tpu.memref_slice %arg8[%add3A_77, %dma_start3A_139] : memref<48x128xi32, #tpu.memory_space<vmem>> -> memref<1x128xi32, #tpu.memory_space<vmem>>
          %dma_start3A_141 = tpu.memref_squeeze %dma_start3A_140 : memref<1x128xi32, #tpu.memory_space<vmem>> -> memref<128xi32, #tpu.memory_space<vmem>>
          %dma_start3A_142 = arith.constant 0 : i32
          %dma_start3A_143 = tpu.memref_slice %arg17[%dma_start3A_142] : memref<10240xf32, #tpu.memory_space<vmem_shared>> -> memref<10240xf32, #tpu.memory_space<vmem_shared>>
          tpu.enqueue_indirect_dma source(%arg9 : memref<128xf32, #tpu.memory_space<vmem>>) target(%dma_start3A_143 : memref<10240xf32, #tpu.memory_space<vmem_shared>>) offsets(%dma_start3A_141 : memref<128xi32, #tpu.memory_space<vmem>>) semaphore(%run_scoped3A_138 : memref<!tpu.dma_semaphore, #tpu.memory_space<semaphore_mem>>) {add = true}
          %dma_wait3A_144 = arith.constant 0 : i32
          %dma_wait3A_145 = tpu.memref_slice %arg8[%add3A_77, %dma_wait3A_144] : memref<48x128xi32, #tpu.memory_space<vmem>> -> memref<1x128xi32, #tpu.memory_space<vmem>>
          %dma_wait3A_146 = tpu.memref_squeeze %dma_wait3A_145 : memref<1x128xi32, #tpu.memory_space<vmem>> -> memref<128xi32, #tpu.memory_space<vmem>>
          %dma_wait3A_147 = arith.constant 0 : i32
          %dma_wait3A_148 = tpu.memref_slice %arg17[%dma_wait3A_147] : memref<10240xf32, #tpu.memory_space<vmem_shared>> -> memref<10240xf32, #tpu.memory_space<vmem_shared>>
          tpu.wait_indirect_dma semaphore(%run_scoped3A_138 : memref<!tpu.dma_semaphore, #tpu.memory_space<semaphore_mem>>) src(%arg9 : memref<128xf32, #tpu.memory_space<vmem>>) dst(%dma_wait3A_148 : memref<10240xf32, #tpu.memory_space<vmem_shared>>)
          tpu.yield
        }) : () -> ()
        %add3A_83 = arith.constant 4 : i32
        %add3A_84 = arith.addi %add3A_77, %add3A_83 : i32
        %dma_start3A_85 = arith.constant 0 : i32
        %dma_start3A_86 = tpu.memref_slice %arg7[%add3A_84, %dma_start3A_85] : memref<48x128xi32, #tpu.memory_space<vmem>> -> memref<1x128xi32, #tpu.memory_space<vmem>>
        %dma_start3A_87 = tpu.memref_squeeze %dma_start3A_86 : memref<1x128xi32, #tpu.memory_space<vmem>> -> memref<128xi32, #tpu.memory_space<vmem>>
        %dma_start3A_88 = arith.constant 0 : i32
        %dma_start3A_89 = tpu.memref_slice %arg4[%dma_start3A_88] : memref<10240xf32, #tpu.memory_space<hbm>> -> memref<10240xf32, #tpu.memory_space<hbm>>
        tpu.enqueue_indirect_dma source(%dma_start3A_89 : memref<10240xf32, #tpu.memory_space<hbm>>) target(%arg9 : memref<128xf32, #tpu.memory_space<vmem>>) offsets(%dma_start3A_87 : memref<128xi32, #tpu.memory_space<vmem>>) semaphore(%arg13 : memref<!tpu.dma_semaphore, #tpu.memory_space<semaphore_mem>>)
        %mul3A_90 = arith.constant 4 : i32
        %mul3A_91 = arith.muli %scan3A_74, %mul3A_90 : i32
        %add3A_92 = arith.constant 1 : i32
        %add3A_93 = arith.addi %mul3A_91, %add3A_92 : i32
        %dma_wait3A_94 = arith.constant 0 : i32
        %dma_wait3A_95 = tpu.memref_slice %arg7[%scan3A_40, %dma_wait3A_94] : memref<48x128xi32, #tpu.memory_space<vmem>> -> memref<1x128xi32, #tpu.memory_space<vmem>>
        %dma_wait3A_96 = tpu.memref_squeeze %dma_wait3A_95 : memref<1x128xi32, #tpu.memory_space<vmem>> -> memref<128xi32, #tpu.memory_space<vmem>>
        %dma_wait3A_97 = arith.constant 0 : i32
        %dma_wait3A_98 = tpu.memref_slice %arg4[%dma_wait3A_97] : memref<10240xf32, #tpu.memory_space<hbm>> -> memref<10240xf32, #tpu.memory_space<hbm>>
        tpu.wait_indirect_dma semaphore(%arg14 : memref<!tpu.dma_semaphore, #tpu.memory_space<semaphore_mem>>) src(%dma_wait3A_98 : memref<10240xf32, #tpu.memory_space<hbm>>) dst(%arg10 : memref<128xf32, #tpu.memory_space<vmem>>)
        "tpu.region"() ({
          %run_scoped3A_138 = tpu.sem_alloc : memref<!tpu.dma_semaphore, #tpu.memory_space<semaphore_mem>>
          %dma_start3A_139 = arith.constant 0 : i32
          %dma_start3A_140 = tpu.memref_slice %arg8[%add3A_93, %dma_start3A_139] : memref<48x128xi32, #tpu.memory_space<vmem>> -> memref<1x128xi32, #tpu.memory_space<vmem>>
          %dma_start3A_141 = tpu.memref_squeeze %dma_start3A_140 : memref<1x128xi32, #tpu.memory_space<vmem>> -> memref<128xi32, #tpu.memory_space<vmem>>
          %dma_start3A_142 = arith.constant 0 : i32
          %dma_start3A_143 = tpu.memref_slice %arg17[%dma_start3A_142] : memref<10240xf32, #tpu.memory_space<vmem_shared>> -> memref<10240xf32, #tpu.memory_space<vmem_shared>>
          tpu.enqueue_indirect_dma source(%arg10 : memref<128xf32, #tpu.memory_space<vmem>>) target(%dma_start3A_143 : memref<10240xf32, #tpu.memory_space<vmem_shared>>) offsets(%dma_start3A_141 : memref<128xi32, #tpu.memory_space<vmem>>) semaphore(%run_scoped3A_138 : memref<!tpu.dma_semaphore, #tpu.memory_space<semaphore_mem>>) {add = true}
          %dma_wait3A_144 = arith.constant 0 : i32
          %dma_wait3A_145 = tpu.memref_slice %arg8[%add3A_93, %dma_wait3A_144] : memref<48x128xi32, #tpu.memory_space<vmem>> -> memref<1x128xi32, #tpu.memory_space<vmem>>
          %dma_wait3A_146 = tpu.memref_squeeze %dma_wait3A_145 : memref<1x128xi32, #tpu.memory_space<vmem>> -> memref<128xi32, #tpu.memory_space<vmem>>
          %dma_wait3A_147 = arith.constant 0 : i32
          %dma_wait3A_148 = tpu.memref_slice %arg17[%dma_wait3A_147] : memref<10240xf32, #tpu.memory_space<vmem_shared>> -> memref<10240xf32, #tpu.memory_space<vmem_shared>>
          tpu.wait_indirect_dma semaphore(%run_scoped3A_138 : memref<!tpu.dma_semaphore, #tpu.memory_space<semaphore_mem>>) src(%arg10 : memref<128xf32, #tpu.memory_space<vmem>>) dst(%dma_wait3A_148 : memref<10240xf32, #tpu.memory_space<vmem_shared>>)
          tpu.yield
        }) : () -> ()
        %add3A_99 = arith.constant 4 : i32
        %add3A_100 = arith.addi %add3A_93, %add3A_99 : i32
        %dma_start3A_101 = arith.constant 0 : i32
        %dma_start3A_102 = tpu.memref_slice %arg7[%add3A_100, %dma_start3A_101] : memref<48x128xi32, #tpu.memory_space<vmem>> -> memref<1x128xi32, #tpu.memory_space<vmem>>
        %dma_start3A_103 = tpu.memref_squeeze %dma_start3A_102 : memref<1x128xi32, #tpu.memory_space<vmem>> -> memref<128xi32, #tpu.memory_space<vmem>>
        %dma_start3A_104 = arith.constant 0 : i32
        %dma_start3A_105 = tpu.memref_slice %arg4[%dma_start3A_104] : memref<10240xf32, #tpu.memory_space<hbm>> -> memref<10240xf32, #tpu.memory_space<hbm>>
        tpu.enqueue_indirect_dma source(%dma_start3A_105 : memref<10240xf32, #tpu.memory_space<hbm>>) target(%arg10 : memref<128xf32, #tpu.memory_space<vmem>>) offsets(%dma_start3A_103 : memref<128xi32, #tpu.memory_space<vmem>>) semaphore(%arg14 : memref<!tpu.dma_semaphore, #tpu.memory_space<semaphore_mem>>)
        %mul3A_106 = arith.constant 4 : i32
        %mul3A_107 = arith.muli %scan3A_74, %mul3A_106 : i32
        %add3A_108 = arith.constant 2 : i32
        %add3A_109 = arith.addi %mul3A_107, %add3A_108 : i32
        %dma_wait3A_110 = arith.constant 0 : i32
        %dma_wait3A_111 = tpu.memref_slice %arg7[%scan3A_41, %dma_wait3A_110] : memref<48x128xi32, #tpu.memory_space<vmem>> -> memref<1x128xi32, #tpu.memory_space<vmem>>
        %dma_wait3A_112 = tpu.memref_squeeze %dma_wait3A_111 : memref<1x128xi32, #tpu.memory_space<vmem>> -> memref<128xi32, #tpu.memory_space<vmem>>
        %dma_wait3A_113 = arith.constant 0 : i32
        %dma_wait3A_114 = tpu.memref_slice %arg4[%dma_wait3A_113] : memref<10240xf32, #tpu.memory_space<hbm>> -> memref<10240xf32, #tpu.memory_space<hbm>>
        tpu.wait_indirect_dma semaphore(%arg15 : memref<!tpu.dma_semaphore, #tpu.memory_space<semaphore_mem>>) src(%dma_wait3A_114 : memref<10240xf32, #tpu.memory_space<hbm>>) dst(%arg11 : memref<128xf32, #tpu.memory_space<vmem>>)
        "tpu.region"() ({
          %run_scoped3A_138 = tpu.sem_alloc : memref<!tpu.dma_semaphore, #tpu.memory_space<semaphore_mem>>
          %dma_start3A_139 = arith.constant 0 : i32
          %dma_start3A_140 = tpu.memref_slice %arg8[%add3A_109, %dma_start3A_139] : memref<48x128xi32, #tpu.memory_space<vmem>> -> memref<1x128xi32, #tpu.memory_space<vmem>>
          %dma_start3A_141 = tpu.memref_squeeze %dma_start3A_140 : memref<1x128xi32, #tpu.memory_space<vmem>> -> memref<128xi32, #tpu.memory_space<vmem>>
          %dma_start3A_142 = arith.constant 0 : i32
          %dma_start3A_143 = tpu.memref_slice %arg17[%dma_start3A_142] : memref<10240xf32, #tpu.memory_space<vmem_shared>> -> memref<10240xf32, #tpu.memory_space<vmem_shared>>
          tpu.enqueue_indirect_dma source(%arg11 : memref<128xf32, #tpu.memory_space<vmem>>) target(%dma_start3A_143 : memref<10240xf32, #tpu.memory_space<vmem_shared>>) offsets(%dma_start3A_141 : memref<128xi32, #tpu.memory_space<vmem>>) semaphore(%run_scoped3A_138 : memref<!tpu.dma_semaphore, #tpu.memory_space<semaphore_mem>>) {add = true}
          %dma_wait3A_144 = arith.constant 0 : i32
          %dma_wait3A_145 = tpu.memref_slice %arg8[%add3A_109, %dma_wait3A_144] : memref<48x128xi32, #tpu.memory_space<vmem>> -> memref<1x128xi32, #tpu.memory_space<vmem>>
          %dma_wait3A_146 = tpu.memref_squeeze %dma_wait3A_145 : memref<1x128xi32, #tpu.memory_space<vmem>> -> memref<128xi32, #tpu.memory_space<vmem>>
          %dma_wait3A_147 = arith.constant 0 : i32
          %dma_wait3A_148 = tpu.memref_slice %arg17[%dma_wait3A_147] : memref<10240xf32, #tpu.memory_space<vmem_shared>> -> memref<10240xf32, #tpu.memory_space<vmem_shared>>
          tpu.wait_indirect_dma semaphore(%run_scoped3A_138 : memref<!tpu.dma_semaphore, #tpu.memory_space<semaphore_mem>>) src(%arg11 : memref<128xf32, #tpu.memory_space<vmem>>) dst(%dma_wait3A_148 : memref<10240xf32, #tpu.memory_space<vmem_shared>>)
          tpu.yield
        }) : () -> ()
        %add3A_115 = arith.constant 4 : i32
        %add3A_116 = arith.addi %add3A_109, %add3A_115 : i32
        %dma_start3A_117 = arith.constant 0 : i32
        %dma_start3A_118 = tpu.memref_slice %arg7[%add3A_116, %dma_start3A_117] : memref<48x128xi32, #tpu.memory_space<vmem>> -> memref<1x128xi32, #tpu.memory_space<vmem>>
        %dma_start3A_119 = tpu.memref_squeeze %dma_start3A_118 : memref<1x128xi32, #tpu.memory_space<vmem>> -> memref<128xi32, #tpu.memory_space<vmem>>
        %dma_start3A_120 = arith.constant 0 : i32
        %dma_start3A_121 = tpu.memref_slice %arg4[%dma_start3A_120] : memref<10240xf32, #tpu.memory_space<hbm>> -> memref<10240xf32, #tpu.memory_space<hbm>>
        tpu.enqueue_indirect_dma source(%dma_start3A_121 : memref<10240xf32, #tpu.memory_space<hbm>>) target(%arg11 : memref<128xf32, #tpu.memory_space<vmem>>) offsets(%dma_start3A_119 : memref<128xi32, #tpu.memory_space<vmem>>) semaphore(%arg15 : memref<!tpu.dma_semaphore, #tpu.memory_space<semaphore_mem>>)
        %mul3A_122 = arith.constant 4 : i32
        %mul3A_123 = arith.muli %scan3A_74, %mul3A_122 : i32
        %add3A_124 = arith.constant 3 : i32
        %add3A_125 = arith.addi %mul3A_123, %add3A_124 : i32
        %dma_wait3A_126 = arith.constant 0 : i32
        %dma_wait3A_127 = tpu.memref_slice %arg7[%scan3A_42, %dma_wait3A_126] : memref<48x128xi32, #tpu.memory_space<vmem>> -> memref<1x128xi32, #tpu.memory_space<vmem>>
        %dma_wait3A_128 = tpu.memref_squeeze %dma_wait3A_127 : memref<1x128xi32, #tpu.memory_space<vmem>> -> memref<128xi32, #tpu.memory_space<vmem>>
        %dma_wait3A_129 = arith.constant 0 : i32
        %dma_wait3A_130 = tpu.memref_slice %arg4[%dma_wait3A_129] : memref<10240xf32, #tpu.memory_space<hbm>> -> memref<10240xf32, #tpu.memory_space<hbm>>
        tpu.wait_indirect_dma semaphore(%arg16 : memref<!tpu.dma_semaphore, #tpu.memory_space<semaphore_mem>>) src(%dma_wait3A_130 : memref<10240xf32, #tpu.memory_space<hbm>>) dst(%arg12 : memref<128xf32, #tpu.memory_space<vmem>>)
        "tpu.region"() ({
          %run_scoped3A_138 = tpu.sem_alloc : memref<!tpu.dma_semaphore, #tpu.memory_space<semaphore_mem>>
          %dma_start3A_139 = arith.constant 0 : i32
          %dma_start3A_140 = tpu.memref_slice %arg8[%add3A_125, %dma_start3A_139] : memref<48x128xi32, #tpu.memory_space<vmem>> -> memref<1x128xi32, #tpu.memory_space<vmem>>
          %dma_start3A_141 = tpu.memref_squeeze %dma_start3A_140 : memref<1x128xi32, #tpu.memory_space<vmem>> -> memref<128xi32, #tpu.memory_space<vmem>>
          %dma_start3A_142 = arith.constant 0 : i32
          %dma_start3A_143 = tpu.memref_slice %arg17[%dma_start3A_142] : memref<10240xf32, #tpu.memory_space<vmem_shared>> -> memref<10240xf32, #tpu.memory_space<vmem_shared>>
          tpu.enqueue_indirect_dma source(%arg12 : memref<128xf32, #tpu.memory_space<vmem>>) target(%dma_start3A_143 : memref<10240xf32, #tpu.memory_space<vmem_shared>>) offsets(%dma_start3A_141 : memref<128xi32, #tpu.memory_space<vmem>>) semaphore(%run_scoped3A_138 : memref<!tpu.dma_semaphore, #tpu.memory_space<semaphore_mem>>) {add = true}
          %dma_wait3A_144 = arith.constant 0 : i32
          %dma_wait3A_145 = tpu.memref_slice %arg8[%add3A_125, %dma_wait3A_144] : memref<48x128xi32, #tpu.memory_space<vmem>> -> memref<1x128xi32, #tpu.memory_space<vmem>>
          %dma_wait3A_146 = tpu.memref_squeeze %dma_wait3A_145 : memref<1x128xi32, #tpu.memory_space<vmem>> -> memref<128xi32, #tpu.memory_space<vmem>>
          %dma_wait3A_147 = arith.constant 0 : i32
          %dma_wait3A_148 = tpu.memref_slice %arg17[%dma_wait3A_147] : memref<10240xf32, #tpu.memory_space<vmem_shared>> -> memref<10240xf32, #tpu.memory_space<vmem_shared>>
          tpu.wait_indirect_dma semaphore(%run_scoped3A_138 : memref<!tpu.dma_semaphore, #tpu.memory_space<semaphore_mem>>) src(%arg12 : memref<128xf32, #tpu.memory_space<vmem>>) dst(%dma_wait3A_148 : memref<10240xf32, #tpu.memory_space<vmem_shared>>)
          tpu.yield
        }) : () -> ()
        %add3A_131 = arith.constant 4 : i32
        %add3A_132 = arith.addi %add3A_125, %add3A_131 : i32
        %dma_start3A_133 = arith.constant 0 : i32
        %dma_start3A_134 = tpu.memref_slice %arg7[%add3A_132, %dma_start3A_133] : memref<48x128xi32, #tpu.memory_space<vmem>> -> memref<1x128xi32, #tpu.memory_space<vmem>>
        %dma_start3A_135 = tpu.memref_squeeze %dma_start3A_134 : memref<1x128xi32, #tpu.memory_space<vmem>> -> memref<128xi32, #tpu.memory_space<vmem>>
        %dma_start3A_136 = arith.constant 0 : i32
        %dma_start3A_137 = tpu.memref_slice %arg4[%dma_start3A_136] : memref<10240xf32, #tpu.memory_space<hbm>> -> memref<10240xf32, #tpu.memory_space<hbm>>
        tpu.enqueue_indirect_dma source(%dma_start3A_137 : memref<10240xf32, #tpu.memory_space<hbm>>) target(%arg12 : memref<128xf32, #tpu.memory_space<vmem>>) offsets(%dma_start3A_135 : memref<128xi32, #tpu.memory_space<vmem>>) semaphore(%arg16 : memref<!tpu.dma_semaphore, #tpu.memory_space<semaphore_mem>>)
      }
      %scan3A_47 = arith.constant 11 : i32
      %dma_wait3A = arith.constant 0 : i32
      %dma_wait3A_48 = arith.constant 0 : i32
      %dma_wait3A_49 = tpu.memref_slice %arg7[%dma_wait3A, %dma_wait3A_48] : memref<48x128xi32, #tpu.memory_space<vmem>> -> memref<1x128xi32, #tpu.memory_space<vmem>>
      %dma_wait3A_50 = tpu.memref_squeeze %dma_wait3A_49 : memref<1x128xi32, #tpu.memory_space<vmem>> -> memref<128xi32, #tpu.memory_space<vmem>>
      %dma_wait3A_51 = arith.constant 0 : i32
      %dma_wait3A_52 = tpu.memref_slice %arg4[%dma_wait3A_51] : memref<10240xf32, #tpu.memory_space<hbm>> -> memref<10240xf32, #tpu.memory_space<hbm>>
      tpu.wait_indirect_dma semaphore(%arg13 : memref<!tpu.dma_semaphore, #tpu.memory_space<semaphore_mem>>) src(%dma_wait3A_52 : memref<10240xf32, #tpu.memory_space<hbm>>) dst(%arg9 : memref<128xf32, #tpu.memory_space<vmem>>)
      %run_scoped3A = arith.constant 44 : i32
      "tpu.region"() ({
        %run_scoped3A_74 = tpu.sem_alloc : memref<!tpu.dma_semaphore, #tpu.memory_space<semaphore_mem>>
        %dma_start3A_75 = arith.constant 0 : i32
        %dma_start3A_76 = tpu.memref_slice %arg8[%run_scoped3A, %dma_start3A_75] : memref<48x128xi32, #tpu.memory_space<vmem>> -> memref<1x128xi32, #tpu.memory_space<vmem>>
        %dma_start3A_77 = tpu.memref_squeeze %dma_start3A_76 : memref<1x128xi32, #tpu.memory_space<vmem>> -> memref<128xi32, #tpu.memory_space<vmem>>
        %dma_start3A_78 = arith.constant 0 : i32
        %dma_start3A_79 = tpu.memref_slice %arg17[%dma_start3A_78] : memref<10240xf32, #tpu.memory_space<vmem_shared>> -> memref<10240xf32, #tpu.memory_space<vmem_shared>>
        tpu.enqueue_indirect_dma source(%arg9 : memref<128xf32, #tpu.memory_space<vmem>>) target(%dma_start3A_79 : memref<10240xf32, #tpu.memory_space<vmem_shared>>) offsets(%dma_start3A_77 : memref<128xi32, #tpu.memory_space<vmem>>) semaphore(%run_scoped3A_74 : memref<!tpu.dma_semaphore, #tpu.memory_space<semaphore_mem>>) {add = true}
        %dma_wait3A_80 = arith.constant 0 : i32
        %dma_wait3A_81 = tpu.memref_slice %arg8[%run_scoped3A, %dma_wait3A_80] : memref<48x128xi32, #tpu.memory_space<vmem>> -> memref<1x128xi32, #tpu.memory_space<vmem>>
        %dma_wait3A_82 = tpu.memref_squeeze %dma_wait3A_81 : memref<1x128xi32, #tpu.memory_space<vmem>> -> memref<128xi32, #tpu.memory_space<vmem>>
        %dma_wait3A_83 = arith.constant 0 : i32
        %dma_wait3A_84 = tpu.memref_slice %arg17[%dma_wait3A_83] : memref<10240xf32, #tpu.memory_space<vmem_shared>> -> memref<10240xf32, #tpu.memory_space<vmem_shared>>
        tpu.wait_indirect_dma semaphore(%run_scoped3A_74 : memref<!tpu.dma_semaphore, #tpu.memory_space<semaphore_mem>>) src(%arg9 : memref<128xf32, #tpu.memory_space<vmem>>) dst(%dma_wait3A_84 : memref<10240xf32, #tpu.memory_space<vmem_shared>>)
        tpu.yield
      }) : () -> ()
      %dma_wait3A_53 = arith.constant 1 : i32
      %dma_wait3A_54 = arith.constant 0 : i32
      %dma_wait3A_55 = tpu.memref_slice %arg7[%dma_wait3A_53, %dma_wait3A_54] : memref<48x128xi32, #tpu.memory_space<vmem>> -> memref<1x128xi32, #tpu.memory_space<vmem>>
      %dma_wait3A_56 = tpu.memref_squeeze %dma_wait3A_55 : memref<1x128xi32, #tpu.memory_space<vmem>> -> memref<128xi32, #tpu.memory_space<vmem>>
      %dma_wait3A_57 = arith.constant 0 : i32
      %dma_wait3A_58 = tpu.memref_slice %arg4[%dma_wait3A_57] : memref<10240xf32, #tpu.memory_space<hbm>> -> memref<10240xf32, #tpu.memory_space<hbm>>
      tpu.wait_indirect_dma semaphore(%arg14 : memref<!tpu.dma_semaphore, #tpu.memory_space<semaphore_mem>>) src(%dma_wait3A_58 : memref<10240xf32, #tpu.memory_space<hbm>>) dst(%arg10 : memref<128xf32, #tpu.memory_space<vmem>>)
      %run_scoped3A_59 = arith.constant 45 : i32
      "tpu.region"() ({
        %run_scoped3A_74 = tpu.sem_alloc : memref<!tpu.dma_semaphore, #tpu.memory_space<semaphore_mem>>
        %dma_start3A_75 = arith.constant 0 : i32
        %dma_start3A_76 = tpu.memref_slice %arg8[%run_scoped3A_59, %dma_start3A_75] : memref<48x128xi32, #tpu.memory_space<vmem>> -> memref<1x128xi32, #tpu.memory_space<vmem>>
        %dma_start3A_77 = tpu.memref_squeeze %dma_start3A_76 : memref<1x128xi32, #tpu.memory_space<vmem>> -> memref<128xi32, #tpu.memory_space<vmem>>
        %dma_start3A_78 = arith.constant 0 : i32
        %dma_start3A_79 = tpu.memref_slice %arg17[%dma_start3A_78] : memref<10240xf32, #tpu.memory_space<vmem_shared>> -> memref<10240xf32, #tpu.memory_space<vmem_shared>>
        tpu.enqueue_indirect_dma source(%arg10 : memref<128xf32, #tpu.memory_space<vmem>>) target(%dma_start3A_79 : memref<10240xf32, #tpu.memory_space<vmem_shared>>) offsets(%dma_start3A_77 : memref<128xi32, #tpu.memory_space<vmem>>) semaphore(%run_scoped3A_74 : memref<!tpu.dma_semaphore, #tpu.memory_space<semaphore_mem>>) {add = true}
        %dma_wait3A_80 = arith.constant 0 : i32
        %dma_wait3A_81 = tpu.memref_slice %arg8[%run_scoped3A_59, %dma_wait3A_80] : memref<48x128xi32, #tpu.memory_space<vmem>> -> memref<1x128xi32, #tpu.memory_space<vmem>>
        %dma_wait3A_82 = tpu.memref_squeeze %dma_wait3A_81 : memref<1x128xi32, #tpu.memory_space<vmem>> -> memref<128xi32, #tpu.memory_space<vmem>>
        %dma_wait3A_83 = arith.constant 0 : i32
        %dma_wait3A_84 = tpu.memref_slice %arg17[%dma_wait3A_83] : memref<10240xf32, #tpu.memory_space<vmem_shared>> -> memref<10240xf32, #tpu.memory_space<vmem_shared>>
        tpu.wait_indirect_dma semaphore(%run_scoped3A_74 : memref<!tpu.dma_semaphore, #tpu.memory_space<semaphore_mem>>) src(%arg10 : memref<128xf32, #tpu.memory_space<vmem>>) dst(%dma_wait3A_84 : memref<10240xf32, #tpu.memory_space<vmem_shared>>)
        tpu.yield
      }) : () -> ()
      %dma_wait3A_60 = arith.constant 2 : i32
      %dma_wait3A_61 = arith.constant 0 : i32
      %dma_wait3A_62 = tpu.memref_slice %arg7[%dma_wait3A_60, %dma_wait3A_61] : memref<48x128xi32, #tpu.memory_space<vmem>> -> memref<1x128xi32, #tpu.memory_space<vmem>>
      %dma_wait3A_63 = tpu.memref_squeeze %dma_wait3A_62 : memref<1x128xi32, #tpu.memory_space<vmem>> -> memref<128xi32, #tpu.memory_space<vmem>>
      %dma_wait3A_64 = arith.constant 0 : i32
      %dma_wait3A_65 = tpu.memref_slice %arg4[%dma_wait3A_64] : memref<10240xf32, #tpu.memory_space<hbm>> -> memref<10240xf32, #tpu.memory_space<hbm>>
      tpu.wait_indirect_dma semaphore(%arg15 : memref<!tpu.dma_semaphore, #tpu.memory_space<semaphore_mem>>) src(%dma_wait3A_65 : memref<10240xf32, #tpu.memory_space<hbm>>) dst(%arg11 : memref<128xf32, #tpu.memory_space<vmem>>)
      %run_scoped3A_66 = arith.constant 46 : i32
      "tpu.region"() ({
        %run_scoped3A_74 = tpu.sem_alloc : memref<!tpu.dma_semaphore, #tpu.memory_space<semaphore_mem>>
        %dma_start3A_75 = arith.constant 0 : i32
        %dma_start3A_76 = tpu.memref_slice %arg8[%run_scoped3A_66, %dma_start3A_75] : memref<48x128xi32, #tpu.memory_space<vmem>> -> memref<1x128xi32, #tpu.memory_space<vmem>>
        %dma_start3A_77 = tpu.memref_squeeze %dma_start3A_76 : memref<1x128xi32, #tpu.memory_space<vmem>> -> memref<128xi32, #tpu.memory_space<vmem>>
        %dma_start3A_78 = arith.constant 0 : i32
        %dma_start3A_79 = tpu.memref_slice %arg17[%dma_start3A_78] : memref<10240xf32, #tpu.memory_space<vmem_shared>> -> memref<10240xf32, #tpu.memory_space<vmem_shared>>
        tpu.enqueue_indirect_dma source(%arg11 : memref<128xf32, #tpu.memory_space<vmem>>) target(%dma_start3A_79 : memref<10240xf32, #tpu.memory_space<vmem_shared>>) offsets(%dma_start3A_77 : memref<128xi32, #tpu.memory_space<vmem>>) semaphore(%run_scoped3A_74 : memref<!tpu.dma_semaphore, #tpu.memory_space<semaphore_mem>>) {add = true}
        %dma_wait3A_80 = arith.constant 0 : i32
        %dma_wait3A_81 = tpu.memref_slice %arg8[%run_scoped3A_66, %dma_wait3A_80] : memref<48x128xi32, #tpu.memory_space<vmem>> -> memref<1x128xi32, #tpu.memory_space<vmem>>
        %dma_wait3A_82 = tpu.memref_squeeze %dma_wait3A_81 : memref<1x128xi32, #tpu.memory_space<vmem>> -> memref<128xi32, #tpu.memory_space<vmem>>
        %dma_wait3A_83 = arith.constant 0 : i32
        %dma_wait3A_84 = tpu.memref_slice %arg17[%dma_wait3A_83] : memref<10240xf32, #tpu.memory_space<vmem_shared>> -> memref<10240xf32, #tpu.memory_space<vmem_shared>>
        tpu.wait_indirect_dma semaphore(%run_scoped3A_74 : memref<!tpu.dma_semaphore, #tpu.memory_space<semaphore_mem>>) src(%arg11 : memref<128xf32, #tpu.memory_space<vmem>>) dst(%dma_wait3A_84 : memref<10240xf32, #tpu.memory_space<vmem_shared>>)
        tpu.yield
      }) : () -> ()
      %dma_wait3A_67 = arith.constant 3 : i32
      %dma_wait3A_68 = arith.constant 0 : i32
      %dma_wait3A_69 = tpu.memref_slice %arg7[%dma_wait3A_67, %dma_wait3A_68] : memref<48x128xi32, #tpu.memory_space<vmem>> -> memref<1x128xi32, #tpu.memory_space<vmem>>
      %dma_wait3A_70 = tpu.memref_squeeze %dma_wait3A_69 : memref<1x128xi32, #tpu.memory_space<vmem>> -> memref<128xi32, #tpu.memory_space<vmem>>
      %dma_wait3A_71 = arith.constant 0 : i32
      %dma_wait3A_72 = tpu.memref_slice %arg4[%dma_wait3A_71] : memref<10240xf32, #tpu.memory_space<hbm>> -> memref<10240xf32, #tpu.memory_space<hbm>>
      tpu.wait_indirect_dma semaphore(%arg16 : memref<!tpu.dma_semaphore, #tpu.memory_space<semaphore_mem>>) src(%dma_wait3A_72 : memref<10240xf32, #tpu.memory_space<hbm>>) dst(%arg12 : memref<128xf32, #tpu.memory_space<vmem>>)
      %run_scoped3A_73 = arith.constant 47 : i32
      "tpu.region"() ({
        %run_scoped3A_74 = tpu.sem_alloc : memref<!tpu.dma_semaphore, #tpu.memory_space<semaphore_mem>>
        %dma_start3A_75 = arith.constant 0 : i32
        %dma_start3A_76 = tpu.memref_slice %arg8[%run_scoped3A_73, %dma_start3A_75] : memref<48x128xi32, #tpu.memory_space<vmem>> -> memref<1x128xi32, #tpu.memory_space<vmem>>
        %dma_start3A_77 = tpu.memref_squeeze %dma_start3A_76 : memref<1x128xi32, #tpu.memory_space<vmem>> -> memref<128xi32, #tpu.memory_space<vmem>>
        %dma_start3A_78 = arith.constant 0 : i32
        %dma_start3A_79 = tpu.memref_slice %arg17[%dma_start3A_78] : memref<10240xf32, #tpu.memory_space<vmem_shared>> -> memref<10240xf32, #tpu.memory_space<vmem_shared>>
        tpu.enqueue_indirect_dma source(%arg12 : memref<128xf32, #tpu.memory_space<vmem>>) target(%dma_start3A_79 : memref<10240xf32, #tpu.memory_space<vmem_shared>>) offsets(%dma_start3A_77 : memref<128xi32, #tpu.memory_space<vmem>>) semaphore(%run_scoped3A_74 : memref<!tpu.dma_semaphore, #tpu.memory_space<semaphore_mem>>) {add = true}
        %dma_wait3A_80 = arith.constant 0 : i32
        %dma_wait3A_81 = tpu.memref_slice %arg8[%run_scoped3A_73, %dma_wait3A_80] : memref<48x128xi32, #tpu.memory_space<vmem>> -> memref<1x128xi32, #tpu.memory_space<vmem>>
        %dma_wait3A_82 = tpu.memref_squeeze %dma_wait3A_81 : memref<1x128xi32, #tpu.memory_space<vmem>> -> memref<128xi32, #tpu.memory_space<vmem>>
        %dma_wait3A_83 = arith.constant 0 : i32
        %dma_wait3A_84 = tpu.memref_slice %arg17[%dma_wait3A_83] : memref<10240xf32, #tpu.memory_space<vmem_shared>> -> memref<10240xf32, #tpu.memory_space<vmem_shared>>
        tpu.wait_indirect_dma semaphore(%run_scoped3A_74 : memref<!tpu.dma_semaphore, #tpu.memory_space<semaphore_mem>>) src(%arg12 : memref<128xf32, #tpu.memory_space<vmem>>) dst(%dma_wait3A_84 : memref<10240xf32, #tpu.memory_space<vmem_shared>>)
        tpu.yield
      }) : () -> ()
    } else {
    }
    %eq3A_7 = arith.constant 1 : i32
    %eq3A_8 = arith.cmpi eq, %arg0, %eq3A_7 : i32
    %convert_element_type3A_9 = arith.extui %eq3A_8 : i1 to i32
    %cond3A_10 = arith.constant 0 : i32
    %cond3A_11 = arith.cmpi ne, %convert_element_type3A_9, %cond3A_10 : i32
    scf.if %cond3A_11 {
      %mul3A_14 = arith.constant 32 : i32
      %mul3A_15 = arith.muli %arg1, %mul3A_14 : i32
      %add3A = arith.constant 768 : i32
      %add3A_16 = arith.addi %add3A, %mul3A_15 : i32
      "tpu.region"() ({
        %run_scoped3A_75 = tpu.sem_alloc : memref<!tpu.dma_semaphore, #tpu.memory_space<semaphore_mem>>
        %dma_start3A_76 = arith.constant 0 : i32
        %dma_start3A_77 = arith.constant 0 : i32
        %dma_start3A_78 = tpu.memref_slice %arg7[%dma_start3A_76, %dma_start3A_77] : memref<48x128xi32, #tpu.memory_space<vmem>> -> memref<32x128xi32, #tpu.memory_space<vmem>>
        %dma_start3A_79 = arith.constant 0 : i32
        %dma_start3A_80 = tpu.memref_slice %arg2[%add3A_16, %dma_start3A_79] : memref<1280x128xi32, #tpu.memory_space<hbm>> -> memref<32x128xi32, #tpu.memory_space<hbm>>
        %dma_start3A_81 = arith.constant 0 : i32
        %dma_start3A_82 = arith.constant 0 : i32
        %dma_start3A_83 = tpu.memref_slice %arg7[%dma_start3A_81, %dma_start3A_82] : memref<48x128xi32, #tpu.memory_space<vmem>> -> memref<32x128xi32, #tpu.memory_space<vmem>>
        %dma_start3A_84 = arith.constant 0 : i32
        %dma_start3A_85 = tpu.memref_slice %arg2[%add3A_16, %dma_start3A_84] : memref<1280x128xi32, #tpu.memory_space<hbm>> -> memref<32x128xi32, #tpu.memory_space<hbm>>
        tpu.enqueue_dma source(%dma_start3A_85 : memref<32x128xi32, #tpu.memory_space<hbm>>) target(%dma_start3A_83 : memref<32x128xi32, #tpu.memory_space<vmem>>) target_semaphore(%run_scoped3A_75 : memref<!tpu.dma_semaphore, #tpu.memory_space<semaphore_mem>>)
        %dma_wait3A_86 = arith.constant 0 : i32
        %dma_wait3A_87 = arith.constant 0 : i32
        %dma_wait3A_88 = tpu.memref_slice %arg7[%dma_wait3A_86, %dma_wait3A_87] : memref<48x128xi32, #tpu.memory_space<vmem>> -> memref<32x128xi32, #tpu.memory_space<vmem>>
        %dma_wait3A_89 = arith.constant 0 : i32
        %dma_wait3A_90 = tpu.memref_slice %arg2[%add3A_16, %dma_wait3A_89] : memref<1280x128xi32, #tpu.memory_space<hbm>> -> memref<32x128xi32, #tpu.memory_space<hbm>>
        %dma_wait3A_91 = arith.constant 0 : i32
        %dma_wait3A_92 = arith.constant 0 : i32
        %dma_wait3A_93 = tpu.memref_slice %arg7[%dma_wait3A_91, %dma_wait3A_92] : memref<48x128xi32, #tpu.memory_space<vmem>> -> memref<32x128xi32, #tpu.memory_space<vmem>>
        %dma_wait3A_94 = arith.constant 0 : i32
        %dma_wait3A_95 = tpu.memref_slice %arg2[%add3A_16, %dma_wait3A_94] : memref<1280x128xi32, #tpu.memory_space<hbm>> -> memref<32x128xi32, #tpu.memory_space<hbm>>
        tpu.wait_dma2 semaphore(%run_scoped3A_75 : memref<!tpu.dma_semaphore, #tpu.memory_space<semaphore_mem>>) src(%dma_wait3A_95 : memref<32x128xi32, #tpu.memory_space<hbm>>) dst(%dma_wait3A_93 : memref<32x128xi32, #tpu.memory_space<vmem>>)
        tpu.yield
      }) : () -> ()
      "tpu.region"() ({
        %run_scoped3A_75 = tpu.sem_alloc : memref<!tpu.dma_semaphore, #tpu.memory_space<semaphore_mem>>
        %dma_start3A_76 = arith.constant 0 : i32
        %dma_start3A_77 = arith.constant 0 : i32
        %dma_start3A_78 = tpu.memref_slice %arg8[%dma_start3A_76, %dma_start3A_77] : memref<48x128xi32, #tpu.memory_space<vmem>> -> memref<32x128xi32, #tpu.memory_space<vmem>>
        %dma_start3A_79 = arith.constant 0 : i32
        %dma_start3A_80 = tpu.memref_slice %arg3[%add3A_16, %dma_start3A_79] : memref<1280x128xi32, #tpu.memory_space<hbm>> -> memref<32x128xi32, #tpu.memory_space<hbm>>
        %dma_start3A_81 = arith.constant 0 : i32
        %dma_start3A_82 = arith.constant 0 : i32
        %dma_start3A_83 = tpu.memref_slice %arg8[%dma_start3A_81, %dma_start3A_82] : memref<48x128xi32, #tpu.memory_space<vmem>> -> memref<32x128xi32, #tpu.memory_space<vmem>>
        %dma_start3A_84 = arith.constant 0 : i32
        %dma_start3A_85 = tpu.memref_slice %arg3[%add3A_16, %dma_start3A_84] : memref<1280x128xi32, #tpu.memory_space<hbm>> -> memref<32x128xi32, #tpu.memory_space<hbm>>
        tpu.enqueue_dma source(%dma_start3A_85 : memref<32x128xi32, #tpu.memory_space<hbm>>) target(%dma_start3A_83 : memref<32x128xi32, #tpu.memory_space<vmem>>) target_semaphore(%run_scoped3A_75 : memref<!tpu.dma_semaphore, #tpu.memory_space<semaphore_mem>>)
        %dma_wait3A_86 = arith.constant 0 : i32
        %dma_wait3A_87 = arith.constant 0 : i32
        %dma_wait3A_88 = tpu.memref_slice %arg8[%dma_wait3A_86, %dma_wait3A_87] : memref<48x128xi32, #tpu.memory_space<vmem>> -> memref<32x128xi32, #tpu.memory_space<vmem>>
        %dma_wait3A_89 = arith.constant 0 : i32
        %dma_wait3A_90 = tpu.memref_slice %arg3[%add3A_16, %dma_wait3A_89] : memref<1280x128xi32, #tpu.memory_space<hbm>> -> memref<32x128xi32, #tpu.memory_space<hbm>>
        %dma_wait3A_91 = arith.constant 0 : i32
        %dma_wait3A_92 = arith.constant 0 : i32
        %dma_wait3A_93 = tpu.memref_slice %arg8[%dma_wait3A_91, %dma_wait3A_92] : memref<48x128xi32, #tpu.memory_space<vmem>> -> memref<32x128xi32, #tpu.memory_space<vmem>>
        %dma_wait3A_94 = arith.constant 0 : i32
        %dma_wait3A_95 = tpu.memref_slice %arg3[%add3A_16, %dma_wait3A_94] : memref<1280x128xi32, #tpu.memory_space<hbm>> -> memref<32x128xi32, #tpu.memory_space<hbm>>
        tpu.wait_dma2 semaphore(%run_scoped3A_75 : memref<!tpu.dma_semaphore, #tpu.memory_space<semaphore_mem>>) src(%dma_wait3A_95 : memref<32x128xi32, #tpu.memory_space<hbm>>) dst(%dma_wait3A_93 : memref<32x128xi32, #tpu.memory_space<vmem>>)
        tpu.yield
      }) : () -> ()
      %dma_start3A = arith.constant 0 : i32
      %dma_start3A_17 = arith.constant 0 : i32
      %dma_start3A_18 = tpu.memref_slice %arg7[%dma_start3A, %dma_start3A_17] : memref<48x128xi32, #tpu.memory_space<vmem>> -> memref<1x128xi32, #tpu.memory_space<vmem>>
      %dma_start3A_19 = tpu.memref_squeeze %dma_start3A_18 : memref<1x128xi32, #tpu.memory_space<vmem>> -> memref<128xi32, #tpu.memory_space<vmem>>
      %dma_start3A_20 = arith.constant 0 : i32
      %dma_start3A_21 = tpu.memref_slice %arg4[%dma_start3A_20] : memref<10240xf32, #tpu.memory_space<hbm>> -> memref<10240xf32, #tpu.memory_space<hbm>>
      tpu.enqueue_indirect_dma source(%dma_start3A_21 : memref<10240xf32, #tpu.memory_space<hbm>>) target(%arg9 : memref<128xf32, #tpu.memory_space<vmem>>) offsets(%dma_start3A_19 : memref<128xi32, #tpu.memory_space<vmem>>) semaphore(%arg13 : memref<!tpu.dma_semaphore, #tpu.memory_space<semaphore_mem>>)
      %dma_start3A_22 = arith.constant 1 : i32
      %dma_start3A_23 = arith.constant 0 : i32
      %dma_start3A_24 = tpu.memref_slice %arg7[%dma_start3A_22, %dma_start3A_23] : memref<48x128xi32, #tpu.memory_space<vmem>> -> memref<1x128xi32, #tpu.memory_space<vmem>>
      %dma_start3A_25 = tpu.memref_squeeze %dma_start3A_24 : memref<1x128xi32, #tpu.memory_space<vmem>> -> memref<128xi32, #tpu.memory_space<vmem>>
      %dma_start3A_26 = arith.constant 0 : i32
      %dma_start3A_27 = tpu.memref_slice %arg4[%dma_start3A_26] : memref<10240xf32, #tpu.memory_space<hbm>> -> memref<10240xf32, #tpu.memory_space<hbm>>
      tpu.enqueue_indirect_dma source(%dma_start3A_27 : memref<10240xf32, #tpu.memory_space<hbm>>) target(%arg10 : memref<128xf32, #tpu.memory_space<vmem>>) offsets(%dma_start3A_25 : memref<128xi32, #tpu.memory_space<vmem>>) semaphore(%arg14 : memref<!tpu.dma_semaphore, #tpu.memory_space<semaphore_mem>>)
      %dma_start3A_28 = arith.constant 2 : i32
      %dma_start3A_29 = arith.constant 0 : i32
      %dma_start3A_30 = tpu.memref_slice %arg7[%dma_start3A_28, %dma_start3A_29] : memref<48x128xi32, #tpu.memory_space<vmem>> -> memref<1x128xi32, #tpu.memory_space<vmem>>
      %dma_start3A_31 = tpu.memref_squeeze %dma_start3A_30 : memref<1x128xi32, #tpu.memory_space<vmem>> -> memref<128xi32, #tpu.memory_space<vmem>>
      %dma_start3A_32 = arith.constant 0 : i32
      %dma_start3A_33 = tpu.memref_slice %arg4[%dma_start3A_32] : memref<10240xf32, #tpu.memory_space<hbm>> -> memref<10240xf32, #tpu.memory_space<hbm>>
      tpu.enqueue_indirect_dma source(%dma_start3A_33 : memref<10240xf32, #tpu.memory_space<hbm>>) target(%arg11 : memref<128xf32, #tpu.memory_space<vmem>>) offsets(%dma_start3A_31 : memref<128xi32, #tpu.memory_space<vmem>>) semaphore(%arg15 : memref<!tpu.dma_semaphore, #tpu.memory_space<semaphore_mem>>)
      %dma_start3A_34 = arith.constant 3 : i32
      %dma_start3A_35 = arith.constant 0 : i32
      %dma_start3A_36 = tpu.memref_slice %arg7[%dma_start3A_34, %dma_start3A_35] : memref<48x128xi32, #tpu.memory_space<vmem>> -> memref<1x128xi32, #tpu.memory_space<vmem>>
      %dma_start3A_37 = tpu.memref_squeeze %dma_start3A_36 : memref<1x128xi32, #tpu.memory_space<vmem>> -> memref<128xi32, #tpu.memory_space<vmem>>
      %dma_start3A_38 = arith.constant 0 : i32
      %dma_start3A_39 = tpu.memref_slice %arg4[%dma_start3A_38] : memref<10240xf32, #tpu.memory_space<hbm>> -> memref<10240xf32, #tpu.memory_space<hbm>>
      tpu.enqueue_indirect_dma source(%dma_start3A_39 : memref<10240xf32, #tpu.memory_space<hbm>>) target(%arg12 : memref<128xf32, #tpu.memory_space<vmem>>) offsets(%dma_start3A_37 : memref<128xi32, #tpu.memory_space<vmem>>) semaphore(%arg16 : memref<!tpu.dma_semaphore, #tpu.memory_space<semaphore_mem>>)
      %scan3A = arith.constant 0 : i32
      %scan3A_40 = arith.constant 0 : i32
      %scan3A_41 = arith.constant 1 : i32
      %scan3A_42 = arith.constant 2 : i32
      %scan3A_43 = arith.constant 3 : i32
      %scan3A_44 = arith.constant 0 : i32
      %scan3A_45 = arith.constant 7 : i32
      %scan3A_46 = arith.addi %scan3A_44, %scan3A_45 : i32
      %scan3A_47 = arith.constant 1 : i32
      scf.for %scan3A_75 = %scan3A_44 to %scan3A_46 step %scan3A_47  : i32 {
        %mul3A_76 = arith.constant 4 : i32
        %mul3A_77 = arith.muli %scan3A_75, %mul3A_76 : i32
        %add3A_78 = arith.constant 0 : i32
        %add3A_79 = arith.addi %mul3A_77, %add3A_78 : i32
        %dma_wait3A_80 = arith.constant 0 : i32
        %dma_wait3A_81 = tpu.memref_slice %arg7[%scan3A_40, %dma_wait3A_80] : memref<48x128xi32, #tpu.memory_space<vmem>> -> memref<1x128xi32, #tpu.memory_space<vmem>>
        %dma_wait3A_82 = tpu.memref_squeeze %dma_wait3A_81 : memref<1x128xi32, #tpu.memory_space<vmem>> -> memref<128xi32, #tpu.memory_space<vmem>>
        %dma_wait3A_83 = arith.constant 0 : i32
        %dma_wait3A_84 = tpu.memref_slice %arg4[%dma_wait3A_83] : memref<10240xf32, #tpu.memory_space<hbm>> -> memref<10240xf32, #tpu.memory_space<hbm>>
        tpu.wait_indirect_dma semaphore(%arg13 : memref<!tpu.dma_semaphore, #tpu.memory_space<semaphore_mem>>) src(%dma_wait3A_84 : memref<10240xf32, #tpu.memory_space<hbm>>) dst(%arg9 : memref<128xf32, #tpu.memory_space<vmem>>)
        "tpu.region"() ({
          %run_scoped3A_140 = tpu.sem_alloc : memref<!tpu.dma_semaphore, #tpu.memory_space<semaphore_mem>>
          %dma_start3A_141 = arith.constant 0 : i32
          %dma_start3A_142 = tpu.memref_slice %arg8[%add3A_79, %dma_start3A_141] : memref<48x128xi32, #tpu.memory_space<vmem>> -> memref<1x128xi32, #tpu.memory_space<vmem>>
          %dma_start3A_143 = tpu.memref_squeeze %dma_start3A_142 : memref<1x128xi32, #tpu.memory_space<vmem>> -> memref<128xi32, #tpu.memory_space<vmem>>
          %dma_start3A_144 = arith.constant 0 : i32
          %dma_start3A_145 = tpu.memref_slice %arg17[%dma_start3A_144] : memref<10240xf32, #tpu.memory_space<vmem_shared>> -> memref<10240xf32, #tpu.memory_space<vmem_shared>>
          tpu.enqueue_indirect_dma source(%arg9 : memref<128xf32, #tpu.memory_space<vmem>>) target(%dma_start3A_145 : memref<10240xf32, #tpu.memory_space<vmem_shared>>) offsets(%dma_start3A_143 : memref<128xi32, #tpu.memory_space<vmem>>) semaphore(%run_scoped3A_140 : memref<!tpu.dma_semaphore, #tpu.memory_space<semaphore_mem>>) {add = true}
          %dma_wait3A_146 = arith.constant 0 : i32
          %dma_wait3A_147 = tpu.memref_slice %arg8[%add3A_79, %dma_wait3A_146] : memref<48x128xi32, #tpu.memory_space<vmem>> -> memref<1x128xi32, #tpu.memory_space<vmem>>
          %dma_wait3A_148 = tpu.memref_squeeze %dma_wait3A_147 : memref<1x128xi32, #tpu.memory_space<vmem>> -> memref<128xi32, #tpu.memory_space<vmem>>
          %dma_wait3A_149 = arith.constant 0 : i32
          %dma_wait3A_150 = tpu.memref_slice %arg17[%dma_wait3A_149] : memref<10240xf32, #tpu.memory_space<vmem_shared>> -> memref<10240xf32, #tpu.memory_space<vmem_shared>>
          tpu.wait_indirect_dma semaphore(%run_scoped3A_140 : memref<!tpu.dma_semaphore, #tpu.memory_space<semaphore_mem>>) src(%arg9 : memref<128xf32, #tpu.memory_space<vmem>>) dst(%dma_wait3A_150 : memref<10240xf32, #tpu.memory_space<vmem_shared>>)
          tpu.yield
        }) : () -> ()
        %add3A_85 = arith.constant 4 : i32
        %add3A_86 = arith.addi %add3A_79, %add3A_85 : i32
        %dma_start3A_87 = arith.constant 0 : i32
        %dma_start3A_88 = tpu.memref_slice %arg7[%add3A_86, %dma_start3A_87] : memref<48x128xi32, #tpu.memory_space<vmem>> -> memref<1x128xi32, #tpu.memory_space<vmem>>
        %dma_start3A_89 = tpu.memref_squeeze %dma_start3A_88 : memref<1x128xi32, #tpu.memory_space<vmem>> -> memref<128xi32, #tpu.memory_space<vmem>>
        %dma_start3A_90 = arith.constant 0 : i32
        %dma_start3A_91 = tpu.memref_slice %arg4[%dma_start3A_90] : memref<10240xf32, #tpu.memory_space<hbm>> -> memref<10240xf32, #tpu.memory_space<hbm>>
        tpu.enqueue_indirect_dma source(%dma_start3A_91 : memref<10240xf32, #tpu.memory_space<hbm>>) target(%arg9 : memref<128xf32, #tpu.memory_space<vmem>>) offsets(%dma_start3A_89 : memref<128xi32, #tpu.memory_space<vmem>>) semaphore(%arg13 : memref<!tpu.dma_semaphore, #tpu.memory_space<semaphore_mem>>)
        %mul3A_92 = arith.constant 4 : i32
        %mul3A_93 = arith.muli %scan3A_75, %mul3A_92 : i32
        %add3A_94 = arith.constant 1 : i32
        %add3A_95 = arith.addi %mul3A_93, %add3A_94 : i32
        %dma_wait3A_96 = arith.constant 0 : i32
        %dma_wait3A_97 = tpu.memref_slice %arg7[%scan3A_41, %dma_wait3A_96] : memref<48x128xi32, #tpu.memory_space<vmem>> -> memref<1x128xi32, #tpu.memory_space<vmem>>
        %dma_wait3A_98 = tpu.memref_squeeze %dma_wait3A_97 : memref<1x128xi32, #tpu.memory_space<vmem>> -> memref<128xi32, #tpu.memory_space<vmem>>
        %dma_wait3A_99 = arith.constant 0 : i32
        %dma_wait3A_100 = tpu.memref_slice %arg4[%dma_wait3A_99] : memref<10240xf32, #tpu.memory_space<hbm>> -> memref<10240xf32, #tpu.memory_space<hbm>>
        tpu.wait_indirect_dma semaphore(%arg14 : memref<!tpu.dma_semaphore, #tpu.memory_space<semaphore_mem>>) src(%dma_wait3A_100 : memref<10240xf32, #tpu.memory_space<hbm>>) dst(%arg10 : memref<128xf32, #tpu.memory_space<vmem>>)
        "tpu.region"() ({
          %run_scoped3A_140 = tpu.sem_alloc : memref<!tpu.dma_semaphore, #tpu.memory_space<semaphore_mem>>
          %dma_start3A_141 = arith.constant 0 : i32
          %dma_start3A_142 = tpu.memref_slice %arg8[%add3A_95, %dma_start3A_141] : memref<48x128xi32, #tpu.memory_space<vmem>> -> memref<1x128xi32, #tpu.memory_space<vmem>>
          %dma_start3A_143 = tpu.memref_squeeze %dma_start3A_142 : memref<1x128xi32, #tpu.memory_space<vmem>> -> memref<128xi32, #tpu.memory_space<vmem>>
          %dma_start3A_144 = arith.constant 0 : i32
          %dma_start3A_145 = tpu.memref_slice %arg17[%dma_start3A_144] : memref<10240xf32, #tpu.memory_space<vmem_shared>> -> memref<10240xf32, #tpu.memory_space<vmem_shared>>
          tpu.enqueue_indirect_dma source(%arg10 : memref<128xf32, #tpu.memory_space<vmem>>) target(%dma_start3A_145 : memref<10240xf32, #tpu.memory_space<vmem_shared>>) offsets(%dma_start3A_143 : memref<128xi32, #tpu.memory_space<vmem>>) semaphore(%run_scoped3A_140 : memref<!tpu.dma_semaphore, #tpu.memory_space<semaphore_mem>>) {add = true}
          %dma_wait3A_146 = arith.constant 0 : i32
          %dma_wait3A_147 = tpu.memref_slice %arg8[%add3A_95, %dma_wait3A_146] : memref<48x128xi32, #tpu.memory_space<vmem>> -> memref<1x128xi32, #tpu.memory_space<vmem>>
          %dma_wait3A_148 = tpu.memref_squeeze %dma_wait3A_147 : memref<1x128xi32, #tpu.memory_space<vmem>> -> memref<128xi32, #tpu.memory_space<vmem>>
          %dma_wait3A_149 = arith.constant 0 : i32
          %dma_wait3A_150 = tpu.memref_slice %arg17[%dma_wait3A_149] : memref<10240xf32, #tpu.memory_space<vmem_shared>> -> memref<10240xf32, #tpu.memory_space<vmem_shared>>
          tpu.wait_indirect_dma semaphore(%run_scoped3A_140 : memref<!tpu.dma_semaphore, #tpu.memory_space<semaphore_mem>>) src(%arg10 : memref<128xf32, #tpu.memory_space<vmem>>) dst(%dma_wait3A_150 : memref<10240xf32, #tpu.memory_space<vmem_shared>>)
          tpu.yield
        }) : () -> ()
        %add3A_101 = arith.constant 4 : i32
        %add3A_102 = arith.addi %add3A_95, %add3A_101 : i32
        %dma_start3A_103 = arith.constant 0 : i32
        %dma_start3A_104 = tpu.memref_slice %arg7[%add3A_102, %dma_start3A_103] : memref<48x128xi32, #tpu.memory_space<vmem>> -> memref<1x128xi32, #tpu.memory_space<vmem>>
        %dma_start3A_105 = tpu.memref_squeeze %dma_start3A_104 : memref<1x128xi32, #tpu.memory_space<vmem>> -> memref<128xi32, #tpu.memory_space<vmem>>
        %dma_start3A_106 = arith.constant 0 : i32
        %dma_start3A_107 = tpu.memref_slice %arg4[%dma_start3A_106] : memref<10240xf32, #tpu.memory_space<hbm>> -> memref<10240xf32, #tpu.memory_space<hbm>>
        tpu.enqueue_indirect_dma source(%dma_start3A_107 : memref<10240xf32, #tpu.memory_space<hbm>>) target(%arg10 : memref<128xf32, #tpu.memory_space<vmem>>) offsets(%dma_start3A_105 : memref<128xi32, #tpu.memory_space<vmem>>) semaphore(%arg14 : memref<!tpu.dma_semaphore, #tpu.memory_space<semaphore_mem>>)
        %mul3A_108 = arith.constant 4 : i32
        %mul3A_109 = arith.muli %scan3A_75, %mul3A_108 : i32
        %add3A_110 = arith.constant 2 : i32
        %add3A_111 = arith.addi %mul3A_109, %add3A_110 : i32
        %dma_wait3A_112 = arith.constant 0 : i32
        %dma_wait3A_113 = tpu.memref_slice %arg7[%scan3A_42, %dma_wait3A_112] : memref<48x128xi32, #tpu.memory_space<vmem>> -> memref<1x128xi32, #tpu.memory_space<vmem>>
        %dma_wait3A_114 = tpu.memref_squeeze %dma_wait3A_113 : memref<1x128xi32, #tpu.memory_space<vmem>> -> memref<128xi32, #tpu.memory_space<vmem>>
        %dma_wait3A_115 = arith.constant 0 : i32
        %dma_wait3A_116 = tpu.memref_slice %arg4[%dma_wait3A_115] : memref<10240xf32, #tpu.memory_space<hbm>> -> memref<10240xf32, #tpu.memory_space<hbm>>
        tpu.wait_indirect_dma semaphore(%arg15 : memref<!tpu.dma_semaphore, #tpu.memory_space<semaphore_mem>>) src(%dma_wait3A_116 : memref<10240xf32, #tpu.memory_space<hbm>>) dst(%arg11 : memref<128xf32, #tpu.memory_space<vmem>>)
        "tpu.region"() ({
          %run_scoped3A_140 = tpu.sem_alloc : memref<!tpu.dma_semaphore, #tpu.memory_space<semaphore_mem>>
          %dma_start3A_141 = arith.constant 0 : i32
          %dma_start3A_142 = tpu.memref_slice %arg8[%add3A_111, %dma_start3A_141] : memref<48x128xi32, #tpu.memory_space<vmem>> -> memref<1x128xi32, #tpu.memory_space<vmem>>
          %dma_start3A_143 = tpu.memref_squeeze %dma_start3A_142 : memref<1x128xi32, #tpu.memory_space<vmem>> -> memref<128xi32, #tpu.memory_space<vmem>>
          %dma_start3A_144 = arith.constant 0 : i32
          %dma_start3A_145 = tpu.memref_slice %arg17[%dma_start3A_144] : memref<10240xf32, #tpu.memory_space<vmem_shared>> -> memref<10240xf32, #tpu.memory_space<vmem_shared>>
          tpu.enqueue_indirect_dma source(%arg11 : memref<128xf32, #tpu.memory_space<vmem>>) target(%dma_start3A_145 : memref<10240xf32, #tpu.memory_space<vmem_shared>>) offsets(%dma_start3A_143 : memref<128xi32, #tpu.memory_space<vmem>>) semaphore(%run_scoped3A_140 : memref<!tpu.dma_semaphore, #tpu.memory_space<semaphore_mem>>) {add = true}
          %dma_wait3A_146 = arith.constant 0 : i32
          %dma_wait3A_147 = tpu.memref_slice %arg8[%add3A_111, %dma_wait3A_146] : memref<48x128xi32, #tpu.memory_space<vmem>> -> memref<1x128xi32, #tpu.memory_space<vmem>>
          %dma_wait3A_148 = tpu.memref_squeeze %dma_wait3A_147 : memref<1x128xi32, #tpu.memory_space<vmem>> -> memref<128xi32, #tpu.memory_space<vmem>>
          %dma_wait3A_149 = arith.constant 0 : i32
          %dma_wait3A_150 = tpu.memref_slice %arg17[%dma_wait3A_149] : memref<10240xf32, #tpu.memory_space<vmem_shared>> -> memref<10240xf32, #tpu.memory_space<vmem_shared>>
          tpu.wait_indirect_dma semaphore(%run_scoped3A_140 : memref<!tpu.dma_semaphore, #tpu.memory_space<semaphore_mem>>) src(%arg11 : memref<128xf32, #tpu.memory_space<vmem>>) dst(%dma_wait3A_150 : memref<10240xf32, #tpu.memory_space<vmem_shared>>)
          tpu.yield
        }) : () -> ()
        %add3A_117 = arith.constant 4 : i32
        %add3A_118 = arith.addi %add3A_111, %add3A_117 : i32
        %dma_start3A_119 = arith.constant 0 : i32
        %dma_start3A_120 = tpu.memref_slice %arg7[%add3A_118, %dma_start3A_119] : memref<48x128xi32, #tpu.memory_space<vmem>> -> memref<1x128xi32, #tpu.memory_space<vmem>>
        %dma_start3A_121 = tpu.memref_squeeze %dma_start3A_120 : memref<1x128xi32, #tpu.memory_space<vmem>> -> memref<128xi32, #tpu.memory_space<vmem>>
        %dma_start3A_122 = arith.constant 0 : i32
        %dma_start3A_123 = tpu.memref_slice %arg4[%dma_start3A_122] : memref<10240xf32, #tpu.memory_space<hbm>> -> memref<10240xf32, #tpu.memory_space<hbm>>
        tpu.enqueue_indirect_dma source(%dma_start3A_123 : memref<10240xf32, #tpu.memory_space<hbm>>) target(%arg11 : memref<128xf32, #tpu.memory_space<vmem>>) offsets(%dma_start3A_121 : memref<128xi32, #tpu.memory_space<vmem>>) semaphore(%arg15 : memref<!tpu.dma_semaphore, #tpu.memory_space<semaphore_mem>>)
        %mul3A_124 = arith.constant 4 : i32
        %mul3A_125 = arith.muli %scan3A_75, %mul3A_124 : i32
        %add3A_126 = arith.constant 3 : i32
        %add3A_127 = arith.addi %mul3A_125, %add3A_126 : i32
        %dma_wait3A_128 = arith.constant 0 : i32
        %dma_wait3A_129 = tpu.memref_slice %arg7[%scan3A_43, %dma_wait3A_128] : memref<48x128xi32, #tpu.memory_space<vmem>> -> memref<1x128xi32, #tpu.memory_space<vmem>>
        %dma_wait3A_130 = tpu.memref_squeeze %dma_wait3A_129 : memref<1x128xi32, #tpu.memory_space<vmem>> -> memref<128xi32, #tpu.memory_space<vmem>>
        %dma_wait3A_131 = arith.constant 0 : i32
        %dma_wait3A_132 = tpu.memref_slice %arg4[%dma_wait3A_131] : memref<10240xf32, #tpu.memory_space<hbm>> -> memref<10240xf32, #tpu.memory_space<hbm>>
        tpu.wait_indirect_dma semaphore(%arg16 : memref<!tpu.dma_semaphore, #tpu.memory_space<semaphore_mem>>) src(%dma_wait3A_132 : memref<10240xf32, #tpu.memory_space<hbm>>) dst(%arg12 : memref<128xf32, #tpu.memory_space<vmem>>)
        "tpu.region"() ({
          %run_scoped3A_140 = tpu.sem_alloc : memref<!tpu.dma_semaphore, #tpu.memory_space<semaphore_mem>>
          %dma_start3A_141 = arith.constant 0 : i32
          %dma_start3A_142 = tpu.memref_slice %arg8[%add3A_127, %dma_start3A_141] : memref<48x128xi32, #tpu.memory_space<vmem>> -> memref<1x128xi32, #tpu.memory_space<vmem>>
          %dma_start3A_143 = tpu.memref_squeeze %dma_start3A_142 : memref<1x128xi32, #tpu.memory_space<vmem>> -> memref<128xi32, #tpu.memory_space<vmem>>
          %dma_start3A_144 = arith.constant 0 : i32
          %dma_start3A_145 = tpu.memref_slice %arg17[%dma_start3A_144] : memref<10240xf32, #tpu.memory_space<vmem_shared>> -> memref<10240xf32, #tpu.memory_space<vmem_shared>>
          tpu.enqueue_indirect_dma source(%arg12 : memref<128xf32, #tpu.memory_space<vmem>>) target(%dma_start3A_145 : memref<10240xf32, #tpu.memory_space<vmem_shared>>) offsets(%dma_start3A_143 : memref<128xi32, #tpu.memory_space<vmem>>) semaphore(%run_scoped3A_140 : memref<!tpu.dma_semaphore, #tpu.memory_space<semaphore_mem>>) {add = true}
          %dma_wait3A_146 = arith.constant 0 : i32
          %dma_wait3A_147 = tpu.memref_slice %arg8[%add3A_127, %dma_wait3A_146] : memref<48x128xi32, #tpu.memory_space<vmem>> -> memref<1x128xi32, #tpu.memory_space<vmem>>
          %dma_wait3A_148 = tpu.memref_squeeze %dma_wait3A_147 : memref<1x128xi32, #tpu.memory_space<vmem>> -> memref<128xi32, #tpu.memory_space<vmem>>
          %dma_wait3A_149 = arith.constant 0 : i32
          %dma_wait3A_150 = tpu.memref_slice %arg17[%dma_wait3A_149] : memref<10240xf32, #tpu.memory_space<vmem_shared>> -> memref<10240xf32, #tpu.memory_space<vmem_shared>>
          tpu.wait_indirect_dma semaphore(%run_scoped3A_140 : memref<!tpu.dma_semaphore, #tpu.memory_space<semaphore_mem>>) src(%arg12 : memref<128xf32, #tpu.memory_space<vmem>>) dst(%dma_wait3A_150 : memref<10240xf32, #tpu.memory_space<vmem_shared>>)
          tpu.yield
        }) : () -> ()
        %add3A_133 = arith.constant 4 : i32
        %add3A_134 = arith.addi %add3A_127, %add3A_133 : i32
        %dma_start3A_135 = arith.constant 0 : i32
        %dma_start3A_136 = tpu.memref_slice %arg7[%add3A_134, %dma_start3A_135] : memref<48x128xi32, #tpu.memory_space<vmem>> -> memref<1x128xi32, #tpu.memory_space<vmem>>
        %dma_start3A_137 = tpu.memref_squeeze %dma_start3A_136 : memref<1x128xi32, #tpu.memory_space<vmem>> -> memref<128xi32, #tpu.memory_space<vmem>>
        %dma_start3A_138 = arith.constant 0 : i32
        %dma_start3A_139 = tpu.memref_slice %arg4[%dma_start3A_138] : memref<10240xf32, #tpu.memory_space<hbm>> -> memref<10240xf32, #tpu.memory_space<hbm>>
        tpu.enqueue_indirect_dma source(%dma_start3A_139 : memref<10240xf32, #tpu.memory_space<hbm>>) target(%arg12 : memref<128xf32, #tpu.memory_space<vmem>>) offsets(%dma_start3A_137 : memref<128xi32, #tpu.memory_space<vmem>>) semaphore(%arg16 : memref<!tpu.dma_semaphore, #tpu.memory_space<semaphore_mem>>)
      }
      %scan3A_48 = arith.constant 7 : i32
      %dma_wait3A = arith.constant 0 : i32
      %dma_wait3A_49 = arith.constant 0 : i32
      %dma_wait3A_50 = tpu.memref_slice %arg7[%dma_wait3A, %dma_wait3A_49] : memref<48x128xi32, #tpu.memory_space<vmem>> -> memref<1x128xi32, #tpu.memory_space<vmem>>
      %dma_wait3A_51 = tpu.memref_squeeze %dma_wait3A_50 : memref<1x128xi32, #tpu.memory_space<vmem>> -> memref<128xi32, #tpu.memory_space<vmem>>
      %dma_wait3A_52 = arith.constant 0 : i32
      %dma_wait3A_53 = tpu.memref_slice %arg4[%dma_wait3A_52] : memref<10240xf32, #tpu.memory_space<hbm>> -> memref<10240xf32, #tpu.memory_space<hbm>>
      tpu.wait_indirect_dma semaphore(%arg13 : memref<!tpu.dma_semaphore, #tpu.memory_space<semaphore_mem>>) src(%dma_wait3A_53 : memref<10240xf32, #tpu.memory_space<hbm>>) dst(%arg9 : memref<128xf32, #tpu.memory_space<vmem>>)
      %run_scoped3A = arith.constant 28 : i32
      "tpu.region"() ({
        %run_scoped3A_75 = tpu.sem_alloc : memref<!tpu.dma_semaphore, #tpu.memory_space<semaphore_mem>>
        %dma_start3A_76 = arith.constant 0 : i32
        %dma_start3A_77 = tpu.memref_slice %arg8[%run_scoped3A, %dma_start3A_76] : memref<48x128xi32, #tpu.memory_space<vmem>> -> memref<1x128xi32, #tpu.memory_space<vmem>>
        %dma_start3A_78 = tpu.memref_squeeze %dma_start3A_77 : memref<1x128xi32, #tpu.memory_space<vmem>> -> memref<128xi32, #tpu.memory_space<vmem>>
        %dma_start3A_79 = arith.constant 0 : i32
        %dma_start3A_80 = tpu.memref_slice %arg17[%dma_start3A_79] : memref<10240xf32, #tpu.memory_space<vmem_shared>> -> memref<10240xf32, #tpu.memory_space<vmem_shared>>
        tpu.enqueue_indirect_dma source(%arg9 : memref<128xf32, #tpu.memory_space<vmem>>) target(%dma_start3A_80 : memref<10240xf32, #tpu.memory_space<vmem_shared>>) offsets(%dma_start3A_78 : memref<128xi32, #tpu.memory_space<vmem>>) semaphore(%run_scoped3A_75 : memref<!tpu.dma_semaphore, #tpu.memory_space<semaphore_mem>>) {add = true}
        %dma_wait3A_81 = arith.constant 0 : i32
        %dma_wait3A_82 = tpu.memref_slice %arg8[%run_scoped3A, %dma_wait3A_81] : memref<48x128xi32, #tpu.memory_space<vmem>> -> memref<1x128xi32, #tpu.memory_space<vmem>>
        %dma_wait3A_83 = tpu.memref_squeeze %dma_wait3A_82 : memref<1x128xi32, #tpu.memory_space<vmem>> -> memref<128xi32, #tpu.memory_space<vmem>>
        %dma_wait3A_84 = arith.constant 0 : i32
        %dma_wait3A_85 = tpu.memref_slice %arg17[%dma_wait3A_84] : memref<10240xf32, #tpu.memory_space<vmem_shared>> -> memref<10240xf32, #tpu.memory_space<vmem_shared>>
        tpu.wait_indirect_dma semaphore(%run_scoped3A_75 : memref<!tpu.dma_semaphore, #tpu.memory_space<semaphore_mem>>) src(%arg9 : memref<128xf32, #tpu.memory_space<vmem>>) dst(%dma_wait3A_85 : memref<10240xf32, #tpu.memory_space<vmem_shared>>)
        tpu.yield
      }) : () -> ()
      %dma_wait3A_54 = arith.constant 1 : i32
      %dma_wait3A_55 = arith.constant 0 : i32
      %dma_wait3A_56 = tpu.memref_slice %arg7[%dma_wait3A_54, %dma_wait3A_55] : memref<48x128xi32, #tpu.memory_space<vmem>> -> memref<1x128xi32, #tpu.memory_space<vmem>>
      %dma_wait3A_57 = tpu.memref_squeeze %dma_wait3A_56 : memref<1x128xi32, #tpu.memory_space<vmem>> -> memref<128xi32, #tpu.memory_space<vmem>>
      %dma_wait3A_58 = arith.constant 0 : i32
      %dma_wait3A_59 = tpu.memref_slice %arg4[%dma_wait3A_58] : memref<10240xf32, #tpu.memory_space<hbm>> -> memref<10240xf32, #tpu.memory_space<hbm>>
      tpu.wait_indirect_dma semaphore(%arg14 : memref<!tpu.dma_semaphore, #tpu.memory_space<semaphore_mem>>) src(%dma_wait3A_59 : memref<10240xf32, #tpu.memory_space<hbm>>) dst(%arg10 : memref<128xf32, #tpu.memory_space<vmem>>)
      %run_scoped3A_60 = arith.constant 29 : i32
      "tpu.region"() ({
        %run_scoped3A_75 = tpu.sem_alloc : memref<!tpu.dma_semaphore, #tpu.memory_space<semaphore_mem>>
        %dma_start3A_76 = arith.constant 0 : i32
        %dma_start3A_77 = tpu.memref_slice %arg8[%run_scoped3A_60, %dma_start3A_76] : memref<48x128xi32, #tpu.memory_space<vmem>> -> memref<1x128xi32, #tpu.memory_space<vmem>>
        %dma_start3A_78 = tpu.memref_squeeze %dma_start3A_77 : memref<1x128xi32, #tpu.memory_space<vmem>> -> memref<128xi32, #tpu.memory_space<vmem>>
        %dma_start3A_79 = arith.constant 0 : i32
        %dma_start3A_80 = tpu.memref_slice %arg17[%dma_start3A_79] : memref<10240xf32, #tpu.memory_space<vmem_shared>> -> memref<10240xf32, #tpu.memory_space<vmem_shared>>
        tpu.enqueue_indirect_dma source(%arg10 : memref<128xf32, #tpu.memory_space<vmem>>) target(%dma_start3A_80 : memref<10240xf32, #tpu.memory_space<vmem_shared>>) offsets(%dma_start3A_78 : memref<128xi32, #tpu.memory_space<vmem>>) semaphore(%run_scoped3A_75 : memref<!tpu.dma_semaphore, #tpu.memory_space<semaphore_mem>>) {add = true}
        %dma_wait3A_81 = arith.constant 0 : i32
        %dma_wait3A_82 = tpu.memref_slice %arg8[%run_scoped3A_60, %dma_wait3A_81] : memref<48x128xi32, #tpu.memory_space<vmem>> -> memref<1x128xi32, #tpu.memory_space<vmem>>
        %dma_wait3A_83 = tpu.memref_squeeze %dma_wait3A_82 : memref<1x128xi32, #tpu.memory_space<vmem>> -> memref<128xi32, #tpu.memory_space<vmem>>
        %dma_wait3A_84 = arith.constant 0 : i32
        %dma_wait3A_85 = tpu.memref_slice %arg17[%dma_wait3A_84] : memref<10240xf32, #tpu.memory_space<vmem_shared>> -> memref<10240xf32, #tpu.memory_space<vmem_shared>>
        tpu.wait_indirect_dma semaphore(%run_scoped3A_75 : memref<!tpu.dma_semaphore, #tpu.memory_space<semaphore_mem>>) src(%arg10 : memref<128xf32, #tpu.memory_space<vmem>>) dst(%dma_wait3A_85 : memref<10240xf32, #tpu.memory_space<vmem_shared>>)
        tpu.yield
      }) : () -> ()
      %dma_wait3A_61 = arith.constant 2 : i32
      %dma_wait3A_62 = arith.constant 0 : i32
      %dma_wait3A_63 = tpu.memref_slice %arg7[%dma_wait3A_61, %dma_wait3A_62] : memref<48x128xi32, #tpu.memory_space<vmem>> -> memref<1x128xi32, #tpu.memory_space<vmem>>
      %dma_wait3A_64 = tpu.memref_squeeze %dma_wait3A_63 : memref<1x128xi32, #tpu.memory_space<vmem>> -> memref<128xi32, #tpu.memory_space<vmem>>
      %dma_wait3A_65 = arith.constant 0 : i32
      %dma_wait3A_66 = tpu.memref_slice %arg4[%dma_wait3A_65] : memref<10240xf32, #tpu.memory_space<hbm>> -> memref<10240xf32, #tpu.memory_space<hbm>>
      tpu.wait_indirect_dma semaphore(%arg15 : memref<!tpu.dma_semaphore, #tpu.memory_space<semaphore_mem>>) src(%dma_wait3A_66 : memref<10240xf32, #tpu.memory_space<hbm>>) dst(%arg11 : memref<128xf32, #tpu.memory_space<vmem>>)
      %run_scoped3A_67 = arith.constant 30 : i32
      "tpu.region"() ({
        %run_scoped3A_75 = tpu.sem_alloc : memref<!tpu.dma_semaphore, #tpu.memory_space<semaphore_mem>>
        %dma_start3A_76 = arith.constant 0 : i32
        %dma_start3A_77 = tpu.memref_slice %arg8[%run_scoped3A_67, %dma_start3A_76] : memref<48x128xi32, #tpu.memory_space<vmem>> -> memref<1x128xi32, #tpu.memory_space<vmem>>
        %dma_start3A_78 = tpu.memref_squeeze %dma_start3A_77 : memref<1x128xi32, #tpu.memory_space<vmem>> -> memref<128xi32, #tpu.memory_space<vmem>>
        %dma_start3A_79 = arith.constant 0 : i32
        %dma_start3A_80 = tpu.memref_slice %arg17[%dma_start3A_79] : memref<10240xf32, #tpu.memory_space<vmem_shared>> -> memref<10240xf32, #tpu.memory_space<vmem_shared>>
        tpu.enqueue_indirect_dma source(%arg11 : memref<128xf32, #tpu.memory_space<vmem>>) target(%dma_start3A_80 : memref<10240xf32, #tpu.memory_space<vmem_shared>>) offsets(%dma_start3A_78 : memref<128xi32, #tpu.memory_space<vmem>>) semaphore(%run_scoped3A_75 : memref<!tpu.dma_semaphore, #tpu.memory_space<semaphore_mem>>) {add = true}
        %dma_wait3A_81 = arith.constant 0 : i32
        %dma_wait3A_82 = tpu.memref_slice %arg8[%run_scoped3A_67, %dma_wait3A_81] : memref<48x128xi32, #tpu.memory_space<vmem>> -> memref<1x128xi32, #tpu.memory_space<vmem>>
        %dma_wait3A_83 = tpu.memref_squeeze %dma_wait3A_82 : memref<1x128xi32, #tpu.memory_space<vmem>> -> memref<128xi32, #tpu.memory_space<vmem>>
        %dma_wait3A_84 = arith.constant 0 : i32
        %dma_wait3A_85 = tpu.memref_slice %arg17[%dma_wait3A_84] : memref<10240xf32, #tpu.memory_space<vmem_shared>> -> memref<10240xf32, #tpu.memory_space<vmem_shared>>
        tpu.wait_indirect_dma semaphore(%run_scoped3A_75 : memref<!tpu.dma_semaphore, #tpu.memory_space<semaphore_mem>>) src(%arg11 : memref<128xf32, #tpu.memory_space<vmem>>) dst(%dma_wait3A_85 : memref<10240xf32, #tpu.memory_space<vmem_shared>>)
        tpu.yield
      }) : () -> ()
      %dma_wait3A_68 = arith.constant 3 : i32
      %dma_wait3A_69 = arith.constant 0 : i32
      %dma_wait3A_70 = tpu.memref_slice %arg7[%dma_wait3A_68, %dma_wait3A_69] : memref<48x128xi32, #tpu.memory_space<vmem>> -> memref<1x128xi32, #tpu.memory_space<vmem>>
      %dma_wait3A_71 = tpu.memref_squeeze %dma_wait3A_70 : memref<1x128xi32, #tpu.memory_space<vmem>> -> memref<128xi32, #tpu.memory_space<vmem>>
      %dma_wait3A_72 = arith.constant 0 : i32
      %dma_wait3A_73 = tpu.memref_slice %arg4[%dma_wait3A_72] : memref<10240xf32, #tpu.memory_space<hbm>> -> memref<10240xf32, #tpu.memory_space<hbm>>
      tpu.wait_indirect_dma semaphore(%arg16 : memref<!tpu.dma_semaphore, #tpu.memory_space<semaphore_mem>>) src(%dma_wait3A_73 : memref<10240xf32, #tpu.memory_space<hbm>>) dst(%arg12 : memref<128xf32, #tpu.memory_space<vmem>>)
      %run_scoped3A_74 = arith.constant 31 : i32
      "tpu.region"() ({
        %run_scoped3A_75 = tpu.sem_alloc : memref<!tpu.dma_semaphore, #tpu.memory_space<semaphore_mem>>
        %dma_start3A_76 = arith.constant 0 : i32
        %dma_start3A_77 = tpu.memref_slice %arg8[%run_scoped3A_74, %dma_start3A_76] : memref<48x128xi32, #tpu.memory_space<vmem>> -> memref<1x128xi32, #tpu.memory_space<vmem>>
        %dma_start3A_78 = tpu.memref_squeeze %dma_start3A_77 : memref<1x128xi32, #tpu.memory_space<vmem>> -> memref<128xi32, #tpu.memory_space<vmem>>
        %dma_start3A_79 = arith.constant 0 : i32
        %dma_start3A_80 = tpu.memref_slice %arg17[%dma_start3A_79] : memref<10240xf32, #tpu.memory_space<vmem_shared>> -> memref<10240xf32, #tpu.memory_space<vmem_shared>>
        tpu.enqueue_indirect_dma source(%arg12 : memref<128xf32, #tpu.memory_space<vmem>>) target(%dma_start3A_80 : memref<10240xf32, #tpu.memory_space<vmem_shared>>) offsets(%dma_start3A_78 : memref<128xi32, #tpu.memory_space<vmem>>) semaphore(%run_scoped3A_75 : memref<!tpu.dma_semaphore, #tpu.memory_space<semaphore_mem>>) {add = true}
        %dma_wait3A_81 = arith.constant 0 : i32
        %dma_wait3A_82 = tpu.memref_slice %arg8[%run_scoped3A_74, %dma_wait3A_81] : memref<48x128xi32, #tpu.memory_space<vmem>> -> memref<1x128xi32, #tpu.memory_space<vmem>>
        %dma_wait3A_83 = tpu.memref_squeeze %dma_wait3A_82 : memref<1x128xi32, #tpu.memory_space<vmem>> -> memref<128xi32, #tpu.memory_space<vmem>>
        %dma_wait3A_84 = arith.constant 0 : i32
        %dma_wait3A_85 = tpu.memref_slice %arg17[%dma_wait3A_84] : memref<10240xf32, #tpu.memory_space<vmem_shared>> -> memref<10240xf32, #tpu.memory_space<vmem_shared>>
        tpu.wait_indirect_dma semaphore(%run_scoped3A_75 : memref<!tpu.dma_semaphore, #tpu.memory_space<semaphore_mem>>) src(%arg12 : memref<128xf32, #tpu.memory_space<vmem>>) dst(%dma_wait3A_85 : memref<10240xf32, #tpu.memory_space<vmem_shared>>)
        tpu.yield
      }) : () -> ()
    } else {
    }
    %barrier3A_12 = arith.constant 0 : index
    tpu.barrier barrier_id(%barrier3A_12)
    %mul3A = arith.constant 640 : i32
    %mul3A_13 = arith.muli %arg1, %mul3A : i32
    "tpu.region"() ({
      %run_scoped3A = tpu.sem_alloc : memref<!tpu.dma_semaphore, #tpu.memory_space<semaphore_mem>>
      %dma_start3A = tpu.memref_slice %arg6[%arg0, %mul3A_13] : memref<2x10240xf32, #tpu.memory_space<hbm>> -> memref<1x640xf32, #tpu.memory_space<hbm>>
      %dma_start3A_14 = tpu.memref_squeeze %dma_start3A : memref<1x640xf32, #tpu.memory_space<hbm>> -> memref<640xf32, #tpu.memory_space<hbm>>
      %dma_start3A_15 = tpu.memref_slice %arg17[%mul3A_13] : memref<10240xf32, #tpu.memory_space<vmem_shared>> -> memref<640xf32, #tpu.memory_space<vmem_shared>>
      tpu.enqueue_dma source(%dma_start3A_15 : memref<640xf32, #tpu.memory_space<vmem_shared>>) target(%dma_start3A_14 : memref<640xf32, #tpu.memory_space<hbm>>) target_semaphore(%run_scoped3A : memref<!tpu.dma_semaphore, #tpu.memory_space<semaphore_mem>>)
      %dma_wait3A = tpu.memref_slice %arg6[%arg0, %mul3A_13] : memref<2x10240xf32, #tpu.memory_space<hbm>> -> memref<1x640xf32, #tpu.memory_space<hbm>>
      %dma_wait3A_16 = tpu.memref_squeeze %dma_wait3A : memref<1x640xf32, #tpu.memory_space<hbm>> -> memref<640xf32, #tpu.memory_space<hbm>>
      %dma_wait3A_17 = tpu.memref_slice %arg17[%mul3A_13] : memref<10240xf32, #tpu.memory_space<vmem_shared>> -> memref<640xf32, #tpu.memory_space<vmem_shared>>
      tpu.wait_dma2 semaphore(%run_scoped3A : memref<!tpu.dma_semaphore, #tpu.memory_space<semaphore_mem>>) src(%dma_wait3A_17 : memref<640xf32, #tpu.memory_space<vmem_shared>>) dst(%dma_wait3A_16 : memref<640xf32, #tpu.memory_space<hbm>>)
      tpu.yield
    }) : () -> ()
    return
  }
}

module attributes {stable_mosaic.version = 14 : i64} {
  func.func @_mm1_body(%arg0: i32, %arg1: memref<1024x256xf32, #tpu.memory_space<vmem>>, %arg2: memref<256x64xf32, #tpu.memory_space<vmem>>, %arg3: memref<2x1024xf32, #tpu.memory_space<vmem>>, %arg4: memref<1024x128xf32, #tpu.memory_space<vmem>>, %arg5: memref<1024x1xf32, #tpu.memory_space<vmem>>) attributes {dimension_semantics = [#tpu.dimension_semantics<arbitrary>], iteration_bounds = array<i64: 10>, scalar_prefetch = 0 : i64, scratch_operands = 0 : i64, tpu.core_type = #tpu.core_type<tc>, window_params = [{transform_indices = @transform_0, window_bounds = array<i64: 1024, 256>}, {pipeline_mode = #tpu.pipeline_mode<synchronous>, transform_indices = @transform_1, window_bounds = array<i64: 256, 64>}, {transform_indices = @transform_2, window_bounds = array<i64: 2, 1024>}, {transform_indices = @transform_3, window_bounds = array<i64: 1024, 128>}, {transform_indices = @transform_4, window_bounds = array<i64: 1024, 1>}]} {
    %get3A = arith.constant 0 : index
    %get3A_0 = arith.constant 0 : index
    %get3A_1 = vector.load %arg1[%get3A, %get3A_0] : memref<1024x256xf32, #tpu.memory_space<vmem>>, vector<1024x256xf32>
    %get3A_2 = arith.constant 0 : index
    %get3A_3 = arith.constant 0 : index
    %get3A_4 = vector.load %arg2[%get3A_2, %get3A_3] : memref<256x64xf32, #tpu.memory_space<vmem>>, vector<256x64xf32>
    %dot_general3A = arith.constant dense<0.000000e+00> : vector<1024x64xf32>
    %dot_general3A_5 = tpu.matmul %get3A_1, %get3A_4, %dot_general3A {dimension_numbers = #tpu.dot_dimension_numbers<[1], [0], [0], [1], [0, 0, 1, 1], [], []>, transpose_lhs_hint = false} : vector<1024x256xf32>, vector<256x64xf32>, vector<1024x64xf32> -> vector<1024x64xf32>
    %get3A_6 = arith.constant 0 : index
    %get3A_7 = arith.constant 0 : index
    %get3A_8 = vector.load %arg3[%get3A_6, %get3A_7] : memref<2x1024xf32, #tpu.memory_space<vmem>>, vector<1x1024xf32>
    %get3A_9 = vector.shape_cast %get3A_8 : vector<1x1024xf32> to vector<1024xf32>
    %get3A_10 = arith.constant 1 : index
    %get3A_11 = arith.constant 0 : index
    %get3A_12 = vector.load %arg3[%get3A_10, %get3A_11] : memref<2x1024xf32, #tpu.memory_space<vmem>>, vector<1x1024xf32>
    %get3A_13 = vector.shape_cast %get3A_12 : vector<1x1024xf32> to vector<1024xf32>
    %add3A = arith.addf %get3A_9, %get3A_13 : vector<1024xf32>
    %add3A_14 = arith.constant 2.000000e+00 : f32
    %add3A_15 = vector.broadcast %add3A_14 : f32 to vector<1024xf32>
    %add3A_16 = arith.addf %add3A, %add3A_15 : vector<1024xf32>
    %rsqrt3A = math.rsqrt %add3A_16 : vector<1024xf32>
    %broadcast_in_dim3A = vector.shape_cast %rsqrt3A : vector<1024xf32> to vector<1024x1xf32>
    %mul3A = vector.broadcast %broadcast_in_dim3A : vector<1024x1xf32> to vector<1024x64xf32>
    %mul3A_17 = arith.mulf %dot_general3A_5, %mul3A : vector<1024x64xf32>
    %broadcast_in_dim3A_18 = arith.constant 0.000000e+00 : f32
    %broadcast_in_dim3A_19 = vector.broadcast %broadcast_in_dim3A_18 : f32 to vector<1024x64xf32>
    %concatenate3A = tpu.concatenate %mul3A_17, %broadcast_in_dim3A_19 in 1 : vector<1024x64xf32>, vector<1024x64xf32> -> vector<1024x128xf32>
    %swap3A = arith.constant 0 : index
    %swap3A_20 = arith.constant 0 : index
    %swap3A_21 = vector.load %arg4[%swap3A, %swap3A_20] : memref<1024x128xf32, #tpu.memory_space<vmem>>, vector<1024x128xf32>
    tpu.vector_store %arg4[%swap3A, %swap3A_20], %concatenate3A {strides = array<i32>} : memref<1024x128xf32, #tpu.memory_space<vmem>>, vector<1024x128xf32>,
    %broadcast_in_dim3A_22 = vector.shape_cast %rsqrt3A : vector<1024xf32> to vector<1024x1xf32>
    %swap3A_23 = arith.constant 0 : index
    %swap3A_24 = arith.constant 0 : index
    %swap3A_25 = vector.load %arg5[%swap3A_23, %swap3A_24] : memref<1024x1xf32, #tpu.memory_space<vmem>>, vector<1024x1xf32>
    tpu.vector_store %arg5[%swap3A_23, %swap3A_24], %broadcast_in_dim3A_22 {strides = array<i32>} : memref<1024x1xf32, #tpu.memory_space<vmem>>, vector<1024x1xf32>,
    return
  }
  func.func @transform_0(%arg0: i32) -> (i32, i32) {
    %c0_i32 = arith.constant 0 : i32
    %c0_i32_0 = arith.constant 0 : i32
    return %arg0, %c0_i32 : i32, i32
  }
  func.func @transform_1(%arg0: i32) -> (i32, i32) {
    %c0_i32 = arith.constant 0 : i32
    %c0_i32_0 = arith.constant 0 : i32
    %c0_i32_1 = arith.constant 0 : i32
    return %c0_i32, %c0_i32_0 : i32, i32
  }
  func.func @transform_2(%arg0: i32) -> (i32, i32) {
    %c0_i32 = arith.constant 0 : i32
    %c0_i32_0 = arith.constant 0 : i32
    return %c0_i32, %arg0 : i32, i32
  }
  func.func @transform_3(%arg0: i32) -> (i32, i32) {
    %c0_i32 = arith.constant 0 : i32
    %c0_i32_0 = arith.constant 0 : i32
    return %arg0, %c0_i32 : i32, i32
  }
  func.func @transform_4(%arg0: i32) -> (i32, i32) {
    %c0_i32 = arith.constant 0 : i32
    %c0_i32_0 = arith.constant 0 : i32
    return %arg0, %c0_i32 : i32, i32
  }
}

module attributes {stable_mosaic.version = 14 : i64} {
  func.func @_mid_body(%arg0: i32, %arg1: memref<2x1024x128xf32, #tpu.memory_space<vmem>>, %arg2: memref<1024x128xf32, #tpu.memory_space<vmem>>, %arg3: memref<1024x1xf32, #tpu.memory_space<vmem>>, %arg4: memref<1x64xf32, #tpu.memory_space<vmem>>, %arg5: memref<1x64xf32, #tpu.memory_space<vmem>>, %arg6: memref<1024x1xf32, #tpu.memory_space<vmem>>) attributes {dimension_semantics = [#tpu.dimension_semantics<arbitrary>], iteration_bounds = array<i64: 10>, scalar_prefetch = 0 : i64, scratch_operands = 0 : i64, tpu.core_type = #tpu.core_type<tc>, window_params = [{transform_indices = @transform_0, window_bounds = array<i64: 2, 1024, 128>}, {transform_indices = @transform_1, window_bounds = array<i64: 1024, 128>}, {transform_indices = @transform_2, window_bounds = array<i64: 1024, 1>}, {pipeline_mode = #tpu.pipeline_mode<synchronous>, transform_indices = @transform_3, window_bounds = array<i64: 1, 64>}, {pipeline_mode = #tpu.pipeline_mode<synchronous>, transform_indices = @transform_4, window_bounds = array<i64: 1, 64>}, {transform_indices = @transform_5, window_bounds = array<i64: 1024, 1>}]} {
    %get3A = arith.constant 0 : index
    %get3A_0 = arith.constant 0 : index
    %get3A_1 = arith.constant 0 : index
    %get3A_2 = vector.load %arg1[%get3A, %get3A_0, %get3A_1] : memref<2x1024x128xf32, #tpu.memory_space<vmem>>, vector<1x1024x128xf32>
    %get3A_3 = vector.shape_cast %get3A_2 : vector<1x1024x128xf32> to vector<1024x128xf32>
    %slice3A = vector.extract_strided_slice %get3A_3 {offsets = [0, 0], sizes = [1024, 64], strides = [1, 1]} : vector<1024x128xf32> to vector<1024x64xf32>
    %get3A_4 = arith.constant 1 : index
    %get3A_5 = arith.constant 0 : index
    %get3A_6 = arith.constant 0 : index
    %get3A_7 = vector.load %arg1[%get3A_4, %get3A_5, %get3A_6] : memref<2x1024x128xf32, #tpu.memory_space<vmem>>, vector<1x1024x128xf32>
    %get3A_8 = vector.shape_cast %get3A_7 : vector<1x1024x128xf32> to vector<1024x128xf32>
    %slice3A_9 = vector.extract_strided_slice %get3A_8 {offsets = [0, 0], sizes = [1024, 64], strides = [1, 1]} : vector<1024x128xf32> to vector<1024x64xf32>
    %add3A = arith.addf %slice3A, %slice3A_9 : vector<1024x64xf32>
    %get3A_10 = arith.constant 0 : index
    %get3A_11 = arith.constant 0 : index
    %get3A_12 = vector.load %arg3[%get3A_10, %get3A_11] : memref<1024x1xf32, #tpu.memory_space<vmem>>, vector<1024x1xf32>
    %get3A_13 = arith.constant 0 : index
    %get3A_14 = arith.constant 0 : index
    %get3A_15 = vector.load %arg2[%get3A_13, %get3A_14] : memref<1024x128xf32, #tpu.memory_space<vmem>>, vector<1024x128xf32>
    %slice3A_16 = vector.extract_strided_slice %get3A_15 {offsets = [0, 0], sizes = [1024, 64], strides = [1, 1]} : vector<1024x128xf32> to vector<1024x64xf32>
    %mul3A = arith.constant 2.000000e+00 : f32
    %mul3A_17 = vector.broadcast %mul3A : f32 to vector<1024x64xf32>
    %mul3A_18 = arith.mulf %mul3A_17, %slice3A_16 : vector<1024x64xf32>
    %add3A_19 = arith.addf %add3A, %mul3A_18 : vector<1024x64xf32>
    %mul3A_20 = vector.broadcast %get3A_12 : vector<1024x1xf32> to vector<1024x64xf32>
    %mul3A_21 = arith.mulf %mul3A_20, %add3A_19 : vector<1024x64xf32>
    %get3A_22 = arith.constant 0 : index
    %get3A_23 = arith.constant 0 : index
    %get3A_24 = vector.load %arg4[%get3A_22, %get3A_23] : memref<1x64xf32, #tpu.memory_space<vmem>>, vector<1x64xf32>
    %add3A_25 = vector.broadcast %get3A_24 : vector<1x64xf32> to vector<1024x64xf32>
    %add3A_26 = arith.addf %mul3A_21, %add3A_25 : vector<1024x64xf32>
    %max3A = arith.constant 0.000000e+00 : f32
    %max3A_27 = vector.broadcast %max3A : f32 to vector<1024x64xf32>
    %max3A_28 = arith.maximumf %add3A_26, %max3A_27 : vector<1024x64xf32>
    %get3A_29 = arith.constant 0 : index
    %get3A_30 = arith.constant 0 : index
    %get3A_31 = vector.load %arg5[%get3A_29, %get3A_30] : memref<1x64xf32, #tpu.memory_space<vmem>>, vector<1x64xf32>
    %mul3A_32 = vector.broadcast %get3A_31 : vector<1x64xf32> to vector<1024x64xf32>
    %mul3A_33 = arith.mulf %max3A_28, %mul3A_32 : vector<1024x64xf32>
    %reduce_sum3A = arith.constant dense<0.000000e+00> : vector<1024xf32>
    %reduce_sum3A_34 = vector.multi_reduction <add>, %mul3A_33, %reduce_sum3A [1] : vector<1024x64xf32> to vector<1024xf32>
    %broadcast_in_dim3A = vector.shape_cast %reduce_sum3A_34 : vector<1024xf32> to vector<1024x1xf32>
    %mul3A_35 = arith.mulf %get3A_12, %broadcast_in_dim3A : vector<1024x1xf32>
    %swap3A = arith.constant 0 : index
    %swap3A_36 = arith.constant 0 : index
    %swap3A_37 = vector.load %arg6[%swap3A, %swap3A_36] : memref<1024x1xf32, #tpu.memory_space<vmem>>, vector<1024x1xf32>
    tpu.vector_store %arg6[%swap3A, %swap3A_36], %mul3A_35 {strides = array<i32>} : memref<1024x1xf32, #tpu.memory_space<vmem>>, vector<1024x1xf32>,
    return
  }
  func.func @transform_0(%arg0: i32) -> (i32, i32, i32) {
    %c0_i32 = arith.constant 0 : i32
    %c0_i32_0 = arith.constant 0 : i32
    %c0_i32_1 = arith.constant 0 : i32
    return %c0_i32, %arg0, %c0_i32_0 : i32, i32, i32
  }
  func.func @transform_1(%arg0: i32) -> (i32, i32) {
    %c0_i32 = arith.constant 0 : i32
    %c0_i32_0 = arith.constant 0 : i32
    return %arg0, %c0_i32 : i32, i32
  }
  func.func @transform_2(%arg0: i32) -> (i32, i32) {
    %c0_i32 = arith.constant 0 : i32
    %c0_i32_0 = arith.constant 0 : i32
    return %arg0, %c0_i32 : i32, i32
  }
  func.func @transform_3(%arg0: i32) -> (i32, i32) {
    %c0_i32 = arith.constant 0 : i32
    %c0_i32_0 = arith.constant 0 : i32
    %c0_i32_1 = arith.constant 0 : i32
    return %c0_i32, %c0_i32_0 : i32, i32
  }
  func.func @transform_4(%arg0: i32) -> (i32, i32) {
    %c0_i32 = arith.constant 0 : i32
    %c0_i32_0 = arith.constant 0 : i32
    %c0_i32_1 = arith.constant 0 : i32
    return %c0_i32, %c0_i32_0 : i32, i32
  }
  func.func @transform_5(%arg0: i32) -> (i32, i32) {
    %c0_i32 = arith.constant 0 : i32
    %c0_i32_0 = arith.constant 0 : i32
    return %arg0, %c0_i32 : i32, i32
  }
}

module attributes {stable_mosaic.version = 14 : i64} {
  func.func @_pool_body(%arg0: i32, %arg1: memref<2x1024xf32, #tpu.memory_space<vmem>>, %arg2: memref<1024x1xf32, #tpu.memory_space<vmem>>, %arg3: memref<1024x1xf32, #tpu.memory_space<vmem>>, %arg4: memref<1024x1xi32, #tpu.memory_space<vmem>>, %arg5: memref<1x1xf32, #tpu.memory_space<vmem>>, %arg6: memref<2x128xf32, #tpu.memory_space<vmem>>, %arg7: memref<128x1xf32, #tpu.memory_space<vmem>>) attributes {dimension_semantics = [#tpu.dimension_semantics<arbitrary>], iteration_bounds = array<i64: 10>, scalar_prefetch = 0 : i64, scratch_operands = 0 : i64, tpu.core_type = #tpu.core_type<tc>, window_params = [{transform_indices = @transform_0, window_bounds = array<i64: 2, 1024>}, {transform_indices = @transform_1, window_bounds = array<i64: 1024, 1>}, {transform_indices = @transform_2, window_bounds = array<i64: 1024, 1>}, {transform_indices = @transform_3, window_bounds = array<i64: 1024, 1>}, {pipeline_mode = #tpu.pipeline_mode<synchronous>, transform_indices = @transform_4, window_bounds = array<i64: 1, 1>}, {pipeline_mode = #tpu.pipeline_mode<synchronous>, transform_indices = @transform_5, window_bounds = array<i64: 2, 128>}, {pipeline_mode = #tpu.pipeline_mode<synchronous>, transform_indices = @transform_6, window_bounds = array<i64: 128, 1>}]} {
    %eq3A = arith.constant 0 : i32
    %eq3A_0 = arith.cmpi eq, %arg0, %eq3A : i32
    %convert_element_type3A = arith.extui %eq3A_0 : i1 to i32
    %cond3A = arith.constant 0 : i32
    %cond3A_1 = arith.cmpi ne, %convert_element_type3A, %cond3A : i32
    scf.if %cond3A_1 {
      %broadcast_in_dim3A_46 = arith.constant 0.000000e+00 : f32
      %broadcast_in_dim3A_47 = vector.broadcast %broadcast_in_dim3A_46 : f32 to vector<2x128xf32>
      %swap3A_48 = arith.constant 0 : index
      %swap3A_49 = arith.constant 0 : index
      %swap3A_50 = vector.load %arg6[%swap3A_48, %swap3A_49] : memref<2x128xf32, #tpu.memory_space<vmem>>, vector<2x128xf32>
      tpu.vector_store %arg6[%swap3A_48, %swap3A_49], %broadcast_in_dim3A_47 {strides = array<i32>} : memref<2x128xf32, #tpu.memory_space<vmem>>, vector<2x128xf32>,
    } else {
    }
    %get3A = arith.constant 0 : index
    %get3A_2 = arith.constant 0 : index
    %get3A_3 = vector.load %arg1[%get3A, %get3A_2] : memref<2x1024xf32, #tpu.memory_space<vmem>>, vector<1x1024xf32>
    %get3A_4 = vector.shape_cast %get3A_3 : vector<1x1024xf32> to vector<1024xf32>
    %get3A_5 = arith.constant 1 : index
    %get3A_6 = arith.constant 0 : index
    %get3A_7 = vector.load %arg1[%get3A_5, %get3A_6] : memref<2x1024xf32, #tpu.memory_space<vmem>>, vector<1x1024xf32>
    %get3A_8 = vector.shape_cast %get3A_7 : vector<1x1024xf32> to vector<1024xf32>
    %add3A = arith.addf %get3A_4, %get3A_8 : vector<1024xf32>
    %get3A_9 = arith.constant 0 : index
    %get3A_10 = arith.constant 0 : index
    %get3A_11 = vector.load %arg3[%get3A_9, %get3A_10] : memref<1024x1xf32, #tpu.memory_space<vmem>>, vector<1024x1xf32>
    %squeeze3A = vector.shape_cast %get3A_11 : vector<1024x1xf32> to vector<1024xf32>
    %get3A_12 = arith.constant 0 : index
    %get3A_13 = arith.constant 0 : index
    %get3A_14 = vector.load %arg2[%get3A_12, %get3A_13] : memref<1024x1xf32, #tpu.memory_space<vmem>>, vector<1024x1xf32>
    %squeeze3A_15 = vector.shape_cast %get3A_14 : vector<1024x1xf32> to vector<1024xf32>
    %mul3A = arith.constant 2.000000e+00 : f32
    %mul3A_16 = vector.broadcast %mul3A : f32 to vector<1024xf32>
    %mul3A_17 = arith.mulf %mul3A_16, %squeeze3A_15 : vector<1024xf32>
    %add3A_18 = arith.addf %add3A, %mul3A_17 : vector<1024xf32>
    %mul3A_19 = arith.mulf %squeeze3A, %add3A_18 : vector<1024xf32>
    %iota3A = tpu.iota {dimensions = array<i32: 1>} : vector<1024x128xi32>
    %get3A_20 = arith.constant 0 : index
    %get3A_21 = arith.constant 0 : index
    %get3A_22 = vector.load %arg4[%get3A_20, %get3A_21] : memref<1024x1xi32, #tpu.memory_space<vmem>>, vector<1024x1xi32>
    %eq3A_23 = vector.broadcast %get3A_22 : vector<1024x1xi32> to vector<1024x128xi32>
    %eq3A_24 = arith.cmpi eq, %eq3A_23, %iota3A : vector<1024x128xi32>
    %broadcast_in_dim3A = vector.shape_cast %mul3A_19 : vector<1024xf32> to vector<1024x1xf32>
    %jit3A = arith.constant 0.000000e+00 : f32
    %broadcast_in_dim3A_25 = vector.shape_cast %broadcast_in_dim3A : vector<1024x1xf32> to vector<1024x1xf32>
    %broadcast_in_dim3A_26 = vector.broadcast %broadcast_in_dim3A_25 : vector<1024x1xf32> to vector<1024x128xf32>
    %broadcast_in_dim3A_27 = vector.broadcast %jit3A : f32 to vector<1024x128xf32>
    %select_n3A = arith.select %eq3A_24, %broadcast_in_dim3A_26, %broadcast_in_dim3A_27 : vector<1024x128xi1>, vector<1024x128xf32>
    %reduce_sum3A = arith.constant dense<0.000000e+00> : vector<128xf32>
    %reduce_sum3A_28 = vector.multi_reduction <add>, %select_n3A, %reduce_sum3A [0] : vector<1024x128xf32> to vector<128xf32>
    %convert_element_type3A_29 = arith.extui %eq3A_24 : vector<1024x128xi1> to vector<1024x128xi32>
    %convert_element_type3A_30 = arith.sitofp %convert_element_type3A_29 : vector<1024x128xi32> to vector<1024x128xf32>
    %reduce_sum3A_31 = arith.constant dense<0.000000e+00> : vector<128xf32>
    %reduce_sum3A_32 = vector.multi_reduction <add>, %convert_element_type3A_30, %reduce_sum3A_31 [0] : vector<1024x128xf32> to vector<128xf32>
    %get3A_33 = arith.constant 0 : index
    %get3A_34 = arith.constant 0 : index
    %get3A_35 = vector.load %arg6[%get3A_33, %get3A_34] : memref<2x128xf32, #tpu.memory_space<vmem>>, vector<2x128xf32>
    %broadcast_in_dim3A_36 = vector.shape_cast %reduce_sum3A_28 : vector<128xf32> to vector<1x128xf32>
    %broadcast_in_dim3A_37 = vector.shape_cast %reduce_sum3A_32 : vector<128xf32> to vector<1x128xf32>
    %concatenate3A = tpu.concatenate %broadcast_in_dim3A_36, %broadcast_in_dim3A_37 in 0 : vector<1x128xf32>, vector<1x128xf32> -> vector<2x128xf32>
    %add3A_38 = arith.addf %get3A_35, %concatenate3A : vector<2x128xf32>
    %swap3A = arith.constant 0 : index
    %swap3A_39 = arith.constant 0 : index
    %swap3A_40 = vector.load %arg6[%swap3A, %swap3A_39] : memref<2x128xf32, #tpu.memory_space<vmem>>, vector<2x128xf32>
    tpu.vector_store %arg6[%swap3A, %swap3A_39], %add3A_38 {strides = array<i32>} : memref<2x128xf32, #tpu.memory_space<vmem>>, vector<2x128xf32>,
    %eq3A_41 = arith.constant 9 : i32
    %eq3A_42 = arith.cmpi eq, %arg0, %eq3A_41 : i32
    %convert_element_type3A_43 = arith.extui %eq3A_42 : i1 to i32
    %cond3A_44 = arith.constant 0 : i32
    %cond3A_45 = arith.cmpi ne, %convert_element_type3A_43, %cond3A_44 : i32
    scf.if %cond3A_45 {
      %get3A_46 = arith.constant 0 : index
      %get3A_47 = arith.constant 0 : index
      %get3A_48 = vector.load %arg6[%get3A_46, %get3A_47] : memref<2x128xf32, #tpu.memory_space<vmem>>, vector<1x128xf32>
      %get3A_49 = vector.shape_cast %get3A_48 : vector<1x128xf32> to vector<128xf32>
      %get3A_50 = arith.constant 1 : index
      %get3A_51 = arith.constant 0 : index
      %get3A_52 = vector.load %arg6[%get3A_50, %get3A_51] : memref<2x128xf32, #tpu.memory_space<vmem>>, vector<1x128xf32>
      %get3A_53 = vector.shape_cast %get3A_52 : vector<1x128xf32> to vector<128xf32>
      %get3A_54 = arith.constant 0 : index
      %get3A_55 = arith.constant 0 : index
      %get3A_56 = vector.load %arg5[%get3A_54, %get3A_55] : memref<1x1xf32, #tpu.memory_space<vmem>>, vector<1x1xf32>
      %get3A_57 = vector.extract %get3A_56[0, 0] : f32 from vector<1x1xf32>
      %mul3A_58 = vector.broadcast %get3A_57 : f32 to vector<128xf32>
      %mul3A_59 = arith.mulf %get3A_53, %mul3A_58 : vector<128xf32>
      %add3A_60 = arith.addf %get3A_49, %mul3A_59 : vector<128xf32>
      %max3A = arith.constant 1.000000e+00 : f32
      %max3A_61 = vector.broadcast %max3A : f32 to vector<128xf32>
      %max3A_62 = arith.maximumf %get3A_53, %max3A_61 : vector<128xf32>
      %div3A = arith.divf %add3A_60, %max3A_62 : vector<128xf32>
      %broadcast_in_dim3A_63 = vector.shape_cast %div3A : vector<128xf32> to vector<128x1xf32>
      %swap3A_64 = arith.constant 0 : index
      %swap3A_65 = arith.constant 0 : index
      %swap3A_66 = vector.load %arg7[%swap3A_64, %swap3A_65] : memref<128x1xf32, #tpu.memory_space<vmem>>, vector<128x1xf32>
      tpu.vector_store %arg7[%swap3A_64, %swap3A_65], %broadcast_in_dim3A_63 {strides = array<i32>} : memref<128x1xf32, #tpu.memory_space<vmem>>, vector<128x1xf32>,
    } else {
    }
    return
  }
  func.func @transform_0(%arg0: i32) -> (i32, i32) {
    %c0_i32 = arith.constant 0 : i32
    %c0_i32_0 = arith.constant 0 : i32
    return %c0_i32, %arg0 : i32, i32
  }
  func.func @transform_1(%arg0: i32) -> (i32, i32) {
    %c0_i32 = arith.constant 0 : i32
    %c0_i32_0 = arith.constant 0 : i32
    return %arg0, %c0_i32 : i32, i32
  }
  func.func @transform_2(%arg0: i32) -> (i32, i32) {
    %c0_i32 = arith.constant 0 : i32
    %c0_i32_0 = arith.constant 0 : i32
    return %arg0, %c0_i32 : i32, i32
  }
  func.func @transform_3(%arg0: i32) -> (i32, i32) {
    %c0_i32 = arith.constant 0 : i32
    %c0_i32_0 = arith.constant 0 : i32
    return %arg0, %c0_i32 : i32, i32
  }
  func.func @transform_4(%arg0: i32) -> (i32, i32) {
    %c0_i32 = arith.constant 0 : i32
    %c0_i32_0 = arith.constant 0 : i32
    %c0_i32_1 = arith.constant 0 : i32
    return %c0_i32, %c0_i32_0 : i32, i32
  }
  func.func @transform_5(%arg0: i32) -> (i32, i32) {
    %c0_i32 = arith.constant 0 : i32
    %c0_i32_0 = arith.constant 0 : i32
    %c0_i32_1 = arith.constant 0 : i32
    return %c0_i32, %c0_i32_0 : i32, i32
  }
  func.func @transform_6(%arg0: i32) -> (i32, i32) {
    %c0_i32 = arith.constant 0 : i32
    %c0_i32_0 = arith.constant 0 : i32
    %c0_i32_1 = arith.constant 0 : i32
    return %c0_i32, %c0_i32_0 : i32, i32
  }
}

</mosaic_0001>

<sc_bundles>
// kernel: kernel.11.cloned.1.call-start
scs
__scs_entry_jumppad:
0x0: {  	(pc) =	sbr.rel $0x88, $3  }
0x1: {  	(tag) =	ssettag $0x0;
	lr =	simm.s32 $0x1  }
0x2: {  	[smem:$0x3F9A] =	sst lr;
	_ =	strace $0xD0000000  }
0x3: {  	_ = 	snop  }
0x4: {  	_ = 	snop  }
0x5: {  	_ = 	snop  }
0x6: {  	_ = 	snop  }
0x7: {  	_ = 	snop  }
__scs_overlays_trampoline_lowered:
0x8: {  	[smem:$0x3FA9] =	sst s0  }
0x9: {  	[smem:$0x3FAA] =	sst s1  }
0xa: {  	[smem:$0x3FAB] =	sst s2  }
0xb: {  	[smem:$0x3FAC] =	sst s3  }
0xc: {  	[smem:$0x3FAD] =	sst s4  }
0xd: {  	[smem:$0x3FAE] =	sst s5  }
0xe: {  	[smem:$0x3FAF] =	sst s6  }
0xf: {  	[smem:$0x3FB0] =	sst s7  }
0x10: {  	[smem:$0x3FB1] =	sst s8  }
0x11: {  	[smem:$0x3FB2] =	sst s9;
	s0 =	simm.s32 @!p0 $0x0  }
0x12: {  	s1 =	sld [smem:$0x3F98];
	s0 =	simm.s32 @p0 $0x1  }
0x13: {  	[smem:$0x3FB3] =	sst s0;
	s0 =	simm.s32 @!p1 $0x0  }
0x14: {  	s2 =	sld [smem:$0x3F97];
	s0 =	simm.s32 @p1 $0x1  }
0x15: {  	[smem:$0x3FB4] =	sst s0;
	s0 =	simm.s32 @!p2 $0x0  }
0x16: {  	s3 =	sld [smem:$0x3FDB];
	s0 =	simm.s32 @p2 $0x1  }
0x17: {  	s4 =	simm.s32 $0x1BF5;
	[smem:$0x3FB6] =	sst s0  }
0x18: {  	s0 =	sld [smem:$0x3F99];
	_ =	swait.ge [sflag:s4], $0x0  }
0x19: {  	s7 =	sld [smem:$0x3F9A]  }
0x1a: {  	s8 =	sadd.s32 $0xFFFFE003, lr  }
0x1b: {  	s9 =	sadd.s32 $0xFFFFFEF7, lr;
	s5 =	simm.s32 $0xFFFFFFFF;
	p2 =	slt.u32 s8, $0xFFFFF086  }
0x1c: {  	p1 =	slt.u32 s9, $0xF7A;
	s5 =	simm.s32 @!p2 $0x0  }
0x1d: {  	s5 =	simm.s32 @p1 $0x1;
	p0 =	seq.s32 s7, s2  }
0x1e: {  	s7 =	smul.u32 @!p0 $0xF7A, s2;
	p2 =	seq.s32 @!p0 s5, $0x0  }
0x1f: {  	s9 =	smul.u32 $0xF7A, s1;
	s8 =	simm.s32 @!p0 $0x1BF5;
	p2 =	por !p2, p0  }
0x20: {  	[sflag:s8] =	ssyncset.s32 @!p0 $0xFFFFF086;
	s6 =	sadd.s32 @!p0 s3, s7;
	s7 =	simm.s32 @!p0 $0x108  }
0x21: {  	s3 =	sadd.s32 s3, s9;
	s6 =	sadd.s32 @!p0 $0x88, s6;
	s7 =	simm.s32 @p2 $0x1082  }
0x22: {  	[simem:s7], [sflag:s8] =	dma.local @!p0 [hbm:s6], $0xF7A  }
0x23: {  	s9 =	sor.u32 $0xD0000000, s2;
	s6 =	simm.s32 $0x108;
	_ =	swait.ge @!p0 [sflag:s8], $0x0  }
0x24: {  	s3 =	sadd.s32 $0x88, s3;
	s6 =	simm.s32 @!p1 $0x1082;
	[sflag:s4] =	ssyncset.s32 $0xFFFFF086  }
0x25: {  	[simem:s6], [sflag:s4] =	dma.local [hbm:s3], $0xF7A  }
0x26: {  	[smem:$0x3F9A] =	sst s1;
	(tag) =	ssettag s2;
	_ =	strace s9  }
0x27: {  	s1 =	sld [smem:$0x3FAA]  }
0x28: {  	s2 =	sld [smem:$0x3FAB]  }
0x29: {  	s4 =	sld [smem:$0x3FAD]  }
0x2a: {  	p0 =	seq.s32 s5, $0x0;
	s5 =	sld [smem:$0x3FAE]  }
0x2b: {  	s6 =	sld [smem:$0x3FAF]  }
0x2c: {  	s7 =	sld [smem:$0x3FB0]  }
0x2d: {  	s3 =	simm.s32 $0x108;
	s8 =	sld [smem:$0x3FB1]  }
0x2e: {  	s3 =	simm.s32 @!p0 $0x1082;
	s9 =	sld [smem:$0x3FB2]  }
0x2f: {  	lr =	sadd.s32 s0, s3;
	s0 =	sld [smem:$0x3FA9]  }
0x30: {  	s3 =	sld [smem:$0x3FAC]  }
0x31: {  	[smem:$0x3FB5] =	sst s10  }
0x32: {  	s10 =	sld [smem:$0x3FB3];
	_ =	sdelay $0x3  }
0x33: {  	p0 =	seq.s32 s10, $0x1;
	s10 =	sld [smem:$0x3FB5];
	_ =	sdelay $0x3  }
0x34: {  	[smem:$0x3FB5] =	sst s10  }
0x35: {  	s10 =	sld [smem:$0x3FB4];
	_ =	sdelay $0x3  }
0x36: {  	p1 =	seq.s32 s10, $0x1;
	s10 =	sld [smem:$0x3FB5];
	_ =	sdelay $0x3  }
0x37: {  	[smem:$0x3FB5] =	sst s10  }
0x38: {  	s10 =	sld [smem:$0x3FB6]  }
0x39: {  	_ = 	snop;
	(pc) =	sbr.ind lr, $3  }
0x3a: {  	_ = 	snop  }
0x3b: {  	_ = 	snop  }
0x3c: {  	p2 =	seq.s32 s10, $0x1;
	s10 =	sld [smem:$0x3FB5]  }
0x3d: {  	_ =	shalt  }
0x3e: {  	_ =	shalt  }
0x3f: {  	_ =	shalt  }
0x40: {  	_ =	shalt  }
0x41: {  	_ =	shalt  }
0x42: {  	_ =	shalt  }
0x43: {  	_ =	shalt  }
0x44: {  	_ =	shalt  }
0x45: {  	_ =	shalt  }
0x46: {  	_ =	shalt  }
0x47: {  	_ =	shalt  }
0x48: {  	_ =	shalt  }
0x49: {  	_ =	shalt  }
0x4a: {  	_ =	shalt  }
0x4b: {  	_ =	shalt  }
0x4c: {  	_ =	shalt  }
0x4d: {  	_ =	shalt  }
0x4e: {  	_ =	shalt  }
0x4f: {  	_ =	shalt  }
0x50: {  	_ =	shalt  }
0x51: {  	_ =	shalt  }
0x52: {  	_ =	shalt  }
0x53: {  	_ =	shalt  }
0x54: {  	_ =	shalt  }
0x55: {  	_ =	shalt  }
0x56: {  	_ =	shalt  }
0x57: {  	_ =	shalt  }
0x58: {  	_ =	shalt  }
0x59: {  	_ =	shalt  }
0x5a: {  	_ =	shalt  }
0x5b: {  	_ =	shalt  }
0x5c: {  	_ =	shalt  }
0x5d: {  	_ =	shalt  }
0x5e: {  	_ =	shalt  }
0x5f: {  	_ =	shalt  }
0x60: {  	_ =	shalt  }
0x61: {  	_ =	shalt  }
0x62: {  	_ =	shalt  }
0x63: {  	_ =	shalt  }
0x64: {  	_ =	shalt  }
0x65: {  	_ =	shalt  }
0x66: {  	_ =	shalt  }
0x67: {  	_ =	shalt  }
0x68: {  	_ =	shalt  }
0x69: {  	_ =	shalt  }
0x6a: {  	_ =	shalt  }
0x6b: {  	_ =	shalt  }
0x6c: {  	_ =	shalt  }
0x6d: {  	_ =	shalt  }
0x6e: {  	_ =	shalt  }
0x6f: {  	_ =	shalt  }
0x70: {  	_ =	shalt  }
0x71: {  	_ =	shalt  }
0x72: {  	_ =	shalt  }
0x73: {  	_ =	shalt  }
0x74: {  	_ =	shalt  }
0x75: {  	_ =	shalt  }
0x76: {  	_ =	shalt  }
0x77: {  	_ =	shalt  }
0x78: {  	_ =	shalt  }
0x79: {  	_ =	shalt  }
0x7a: {  	_ =	shalt  }
0x7b: {  	_ =	shalt  }
0x7c: {  	_ =	shalt  }
0x7d: {  	_ =	shalt  }
0x7e: {  	_ =	shalt  }
0x7f: {  	_ =	shalt  }
0x80: {  	_ =	shalt  }
0x81: {  	_ =	shalt  }
0x82: {  	_ =	shalt  }
0x83: {  	_ =	shalt  }
0x84: {  	_ =	shalt  }
0x85: {  	_ =	shalt  }
0x86: {  	_ =	shalt  }
0x87: {  	_ =	shalt  }
.Lfunc_end0:
.L_simem_size_0:
called_computation.1_lowered:
.L_overlay_start_0:
0x88: {  	s2 =	sld [smem:$0x3FD9]  }
0x89: {  	s3 =	sld [smem:$0x3FFE];
	_ =	sdelay $0x1  }
0x8a: {  	s1 =	srdreg.scid  }
0x8b: {  	s0 =	sand.u32 $0x1, s1  }
0x8c: {  	s16 =	sshll.u32 s0, $0xA;
	s2 =	sadd.s32 s3, s2  }
0x8d: {  	s2 =	sadd.s32 s2, s16  }
0x8e: {  	[smem:$0x3FC1] =	sst s2  }
0x8f: {  	_ = 	snop  }
0x90: {  	(tm) =	ssettm $0x1  }
0x91: {  	s17 =	sld [smem:$0x3FFB];
	_ =	sdelay $0x3  }
0x92: {  	_ =	strace s17  }
0x93: {  	s2 =	sld [smem:$0x3FFC];
	_ =	sdelay $0x3  }
0x94: {  	_ =	strace s2  }
0x95: {  	s2 =	sld [smem:$0x3FFD];
	_ =	sdelay $0x3  }
0x96: {  	_ =	strace s2  }
0x97: {  	_ =	strace $0x8FFFFFFF  }
0x98: {  	s18 =	sld [smem:$0x3FDB];
	_ =	sdelay $0x1  }
0x99: {  	s19 =	simm.s32 $_scs_section_size  }
0x9a: {  	s4 =	simm.s32 $_size__tile_overlayer_lowered;
	s5 =	simm.s32 $_tile_overlayer_lowered  }
0x9b: {  	s22 =	simm.s32 $0x1BFF;
	s21 =	sshll.u32 s5, $0x1;
	s2 =	sadd.s32 s19, s18  }
0x9c: {  	s6 =	simm.s32 $0x0;
	s20 =	sshll.u32 s4, $0x1;
	s4 =	sadd.s32 s21, s2  }
0x9d: {  	[timem:s6], [sflag:s22] =	dma.local [hbm:s4], s20  }
0x9e: {  	_ =	swait.ge [sflag:s22], s20  }
0x9f: {  	s3 =	ssub.s32 $0x0, s20;
	[sflag:s22] =	ssyncset.done $0x0  }
0xa0: {  	[sflag:s22] =	ssyncadd.s32 s3;
	_ =	sdelay $0x1  }
0xa1: {  	s23 =	simm.s32 $0x1B8B  }
0xa2: {  	_ =	swait.ge [sflag:s23], $0x1  }
0xa3: {  	[sflag:s23] =	ssyncset.done $0x0  }
0xa4: {  	s25 =	simm.s32 $0x1B8E;
	s24 =	sld [smem:$0x3FFE];
	[sflag:s23] =	ssyncadd.s32 $0xFFFFFFFF  }
0xa5: {  	s26 =	simm.s32 $execute0_lowered;
	[smem:$0x3FD2] =	sst s25  }
0xa6: {  	s4 =	sshll.u32 s26, $0x1;
	_ =	strace $0x80000049;
	[dreg:$0x1] =	wrdreg $0xFFFFFFFF  }
0xa7: {  	s28 =	simm.s32 $_size_execute0_lowered;
	s2 =	sadd.s32 s2, s4;
	[dreg:$0x0] =	wrdreg $0x0  }
0xa8: {  	s4 =	sshll.u32 s28, $0x1;
	[dreg:$0x2] =	wrdreg s2  }
0xa9: {  	[dreg:$0x3] =	wrdreg s4  }
0xaa: {  	[dreg:$0x4] =	wrdreg $0xC0  }
0xab: {  	_ =	task [dreg:s6], $0x5FFFF  }
0xac: {  	[dreg:$0x1] =	wrdreg $0xFFFFFFFF  }
0xad: {  	[dreg:$0x0] =	wrdreg $0x60  }
0xae: {  	[dreg:$0x2] =	wrdreg s24  }
0xaf: {  	[dreg:$0x3] =	wrdreg $0xA8000  }
0xb0: {  	[dreg:$0x4] =	wrdreg $0x9  }
0xb1: {  	_ =	task.clear_ibuf [dreg:s6], $0x5FFFF;
	_ =	strace $0x90000049  }
0xb2: {  	s29 =	simm.s32 $0x9;
	_ =	strace $0x8000004B  }
0xb3: {  	_ =	swait.ge [sflag:s29], $0x1  }
0xb4: {  	[sflag:s29] =	ssyncadd.s32 $0xFFFFFFFF  }
0xb5: {  	_ =	strace $0x9000004B  }
0xb6: {  	_ =	sfence  }
0xb7: {  	s30 =	sld [smem:$0x0];
	_ =	sdelay $0x2  }
0xb8: {  	s31 =	sshll.u32 s1, $0xD;
	s1 =	sshrl.u32 s1, $0x2  }
0xb9: {  	s3 =	sand.u32 $0x4000, s31;
	s1 =	sadd.s32 s1, s30  }
0xba: {  	s0 =	sor.u32 s3, s0;
	s1 =	sshll.u32 s1, $0x11  }
0xbb: {  	s0 =	sor.u32 s1, s0  }
0xbc: {  	s0 =	sadd.s32 $0x8F2B, s0  }
0xbd: {  	[sflag:s0] =	ssyncadd.remote.s32 $0x1  }
0xbe: {  	_ =	sfence.sel $0xFFFF  }
0xbf: {  	[dreg:$0x0] =	wrdreg $0xFFFFFFFF;
	(pc) =	sbr.abs _section_cstart, $3  }
0xc0: {  	[dreg:$0x1] =	wrdreg $0xFFFFFFFF  }
0xc1: {  	_ =	task.clear_ibuf [dreg:s6], $0x2FFFF;
	_ =	strace $0x9FFFFFFF  }
0xc2: {  	(tm) =	ssettm $0x7FFFFFFF  }
0xc3: {  	_ =	shalt  }
tec
execute0_lowered:
.L_overlay_start_1:
0x0: {  	(tag) =	ssettag $0x1  }
0x1: {  	s0 =	rddreg [dreg:$0x0]  }
0x2: {  	s2 =	rddreg [dreg:$0x1];
	s3 =	simm.s32 $0x0;
	s10 =	stileid.u32  }
0x3: {  	s1 =	srdreg.scid;
	s16 =	simm.s32 $0x3;
	s17 =	simm.s32 $0x1400  }
0x4: {  	s18 =	simm.s32 $0x80;
	s19 =	simm.s32 $0x2800;
	s20 =	simm.s32 $0x6800  }
0x5: {  	s21 =	simm.s32 $0x1;
	s23 =	simm.s32 $0x2;
	s31 =	simm.s32 $0x1600  }
0x6: {  	s22 =	simm.s32 $0x380;
	s24 =	simm.s32 $0x2700;
	s5 =	smul.u32 $0x14000, s10  }
0x7: {  	[smem:$0x7FF] =	sst s3;
	s1 =	sand.u32 $0x1, s1;
	s25 =	smul.u32 $0x50000, s10  }
0x8: {  	s11 =	sadd.s32 $0x34A00, s0;
	s12 =	sadd.s32 $0x7000, s0;
	s28 =	smul.u32 $0x2400, s10  }
0x9: {  	s4 =	sadd.s32 $0x39A00, s0;
	s29 =	sshll.u32 s10, $0x6;
	s9 =	smul.u32 $0x480, s10  }
0xa: {  	s10 =	sshll.u32 s10, $0x7;
	_ =	strace $0x8000004A;
	s6 =	smul.u32 $0x140000, s1  }
0xb: {  	s8 =	ssub.s32 $0x2, s1;
	p0 =	seq.s32 s1, $0x1;
	s13 =	sor.u32 $0x4800, s10  }
0xc: {  	s7 =	sshrl.u32 s5, $0x3;
	s26 =	sshrl.u32 s8, $0x1;
	s30 =	sshrl.u32 s28, $0x3  }
0xd: {  	s5 =	sadd.s32 s5, s6;
	s7 =	sadd.s32 s7, s0;
	s6 =	sshrl.u32 s25, $0x2  }
0xe: {  	s14 =	ssub.s32 s8, s26;
	s1 =	sadd.s32 $0x280, s30;
	s8 =	sadd.s32 s12, s9  }
0xf: {  	s25 =	simm.s32 $0x2780;
	s26 =	simm.s32 $0x0;
	s5 =	sshrl.u32 s5, $0x3  }
.Ltmp0:
0x10: {  	s15 =	sadd.s32 s6, s2;
	s6 =	sor.u32 $0x1C03, s29;
	(pc) =	sbr.rel .LBB2_1-.Ltmp0, $4  }
0x11: {  	s10 =	sadd.s32 s12, s1;
	s12 =	sadd.s32 s12, s13;
	s14 =	smax.u32 s14, $0x1  }
0x12: {  	s0 =	sadd.s32 s5, s0;
	s5 =	sadd.s32 $0x61A00, s7;
	s7 =	sadd.s32 s11, s9  }
0x13: {  	s9 =	sadd.s32 s11, s1;
	s11 =	sadd.s32 s11, s13;
	s15 =	sshrl.u32 s15, $0x3  }
0x14: {  	s1 =	simm.s32 $0x1680;
	s13 =	sadd.s32 $0x89A00, s0;
	s0 =	simm.s32 $0x300  }
.LBB2_7:
0x15: {  	[tilespmem:s3], [sflag:$0x3] =	stream.linear.gather [hbm4b:s11+s3], $0x400, $0x38;
	[tilespmem:$0x1E800] =	vst v63  }
0x16: {  	_ =	swait.ge [sflag:s16], $0x400  }
0x17: {  	[sflag:s16] =	ssyncset.done $0x0  }
0x18: {  	[sflag:s16] =	ssyncadd.s32 $0xFFFFFC00  }
0x19: {  	[tilespmem:s17], [sflag:$0x3] =	stream.linear.gather [hbm4b:s12+s3], $0x400, $0x38;
	[tilespmem:$0x1E800] =	vst v63  }
0x1a: {  	_ =	swait.ge [sflag:s16], $0x400  }
0x1b: {  	[sflag:s16] =	ssyncset.done $0x0  }
0x1c: {  	[sflag:s16] =	ssyncadd.s32 $0xFFFFFC00  }
0x1d: {  	[tilespmem:s19], [sflag:$0x1] =	stream.indirect.gather [hbm4b:s4+s18], $0x80, s3, s18, $0xb8;
	[tilespmem:$0x1E800] =	vst v63  }
0x1e: {  	_ = 	snop  }
0x1f: {  	[tilespmem:s20], [sflag:$0x2] =	stream.indirect.gather [hbm4b:s4+s18], $0x80, s18, s18, $0xb8;
	[tilespmem:$0x1E800] =	vst v63  }
0x20: {  	_ =	swait.ge [sflag:s21], $0x4000  }
0x21: {  	[sflag:s21] =	ssyncset.done $0x0  }
0x22: {  	[sflag:s21] =	ssyncadd.s32 $0xFFFFC000  }
0x23: {  	[spmem:s2] =	stream.indirect.scatter.add.f32 [tilespmem:s19], [sflag:$0x3], $0x80, s17, s18, $0xb8;
	[tilespmem:$0x1E800] =	vst v63  }
0x24: {  	_ =	swait.ge [sflag:s16], $0x4000  }
0x25: {  	[sflag:s16] =	ssyncset.done $0x0  }
0x26: {  	s28 =	simm.s32 $0x100;
	[sflag:s16] =	ssyncadd.s32 $0xFFFFC000  }
0x27: {  	[tilespmem:s19], [sflag:$0x1] =	stream.indirect.gather [hbm4b:s4+s18], $0x80, s28, s18, $0xb8;
	[tilespmem:$0x1E800] =	vst v63  }
0x28: {  	_ =	swait.ge [sflag:s23], $0x4000  }
0x29: {  	[sflag:s23] =	ssyncset.done $0x0  }
0x2a: {  	s28 =	simm.s32 $0x1480;
	[sflag:s23] =	ssyncadd.s32 $0xFFFFC000  }
0x2b: {  	[spmem:s2] =	stream.indirect.scatter.add.f32 [tilespmem:s20], [sflag:$0x3], $0x80, s28, s18, $0xb8;
	[tilespmem:$0x1E800] =	vst v63  }
0x2c: {  	_ =	swait.ge [sflag:s16], $0x4000  }
0x2d: {  	[sflag:s16] =	ssyncset.done $0x0  }
0x2e: {  	s28 =	simm.s32 $0x180;
	[sflag:s16] =	ssyncadd.s32 $0xFFFFC000  }
0x2f: {  	[tilespmem:s20], [sflag:$0x2] =	stream.indirect.gather [hbm4b:s4+s18], $0x80, s28, s18, $0xb8;
	[tilespmem:$0x1E800] =	vst v63  }
0x30: {  	_ =	swait.ge [sflag:s21], $0x4000  }
0x31: {  	[sflag:s21] =	ssyncset.done $0x0  }
0x32: {  	s28 =	simm.s32 $0x1500;
	[sflag:s21] =	ssyncadd.s32 $0xFFFFC000  }
0x33: {  	[spmem:s2] =	stream.indirect.scatter.add.f32 [tilespmem:s19], [sflag:$0x3], $0x80, s28, s18, $0xb8;
	[tilespmem:$0x1E800] =	vst v63  }
0x34: {  	_ =	swait.ge [sflag:s16], $0x4000  }
0x35: {  	[sflag:s16] =	ssyncset.done $0x0  }
0x36: {  	s28 =	simm.s32 $0x200;
	[sflag:s16] =	ssyncadd.s32 $0xFFFFC000  }
0x37: {  	[tilespmem:s19], [sflag:$0x1] =	stream.indirect.gather [hbm4b:s4+s18], $0x80, s28, s18, $0xb8;
	[tilespmem:$0x1E800] =	vst v63  }
0x38: {  	_ =	swait.ge [sflag:s23], $0x4000  }
0x39: {  	[sflag:s23] =	ssyncset.done $0x0  }
0x3a: {  	s28 =	simm.s32 $0x1580;
	[sflag:s23] =	ssyncadd.s32 $0xFFFFC000  }
0x3b: {  	[spmem:s2] =	stream.indirect.scatter.add.f32 [tilespmem:s20], [sflag:$0x3], $0x80, s28, s18, $0xb8;
	[tilespmem:$0x1E800] =	vst v63  }
0x3c: {  	_ =	swait.ge [sflag:s16], $0x4000  }
0x3d: {  	[sflag:s16] =	ssyncset.done $0x0  }
0x3e: {  	s28 =	simm.s32 $0x280;
	[sflag:s16] =	ssyncadd.s32 $0xFFFFC000  }
0x3f: {  	[tilespmem:s20], [sflag:$0x2] =	stream.indirect.gather [hbm4b:s4+s18], $0x80, s28, s18, $0xb8;
	[tilespmem:$0x1E800] =	vst v63  }
0x40: {  	_ =	swait.ge [sflag:s21], $0x4000  }
0x41: {  	[sflag:s21] =	ssyncset.done $0x0  }
0x42: {  	[sflag:s21] =	ssyncadd.s32 $0xFFFFC000  }
0x43: {  	[spmem:s2] =	stream.indirect.scatter.add.f32 [tilespmem:s19], [sflag:$0x3], $0x80, s31, s18, $0xb8;
	[tilespmem:$0x1E800] =	vst v63  }
0x44: {  	_ =	swait.ge [sflag:s16], $0x4000  }
0x45: {  	[sflag:s16] =	ssyncset.done $0x0  }
0x46: {  	[sflag:s16] =	ssyncadd.s32 $0xFFFFC000  }
0x47: {  	[tilespmem:s19], [sflag:$0x1] =	stream.indirect.gather [hbm4b:s4+s18], $0x80, s0, s18, $0xb8;
	[tilespmem:$0x1E800] =	vst v63  }
0x48: {  	_ =	swait.ge [sflag:s23], $0x4000  }
0x49: {  	[sflag:s23] =	ssyncset.done $0x0  }
0x4a: {  	[sflag:s23] =	ssyncadd.s32 $0xFFFFC000  }
0x4b: {  	[spmem:s2] =	stream.indirect.scatter.add.f32 [tilespmem:s20], [sflag:$0x3], $0x80, s1, s18, $0xb8;
	[tilespmem:$0x1E800] =	vst v63  }
0x4c: {  	_ =	swait.ge [sflag:s16], $0x4000  }
0x4d: {  	[sflag:s16] =	ssyncset.done $0x0  }
0x4e: {  	s29 =	simm.s32 $0x1700;
	s28 =	simm.s32 $0x1780;
	[sflag:s16] =	ssyncadd.s32 $0xFFFFC000  }
0x4f: {  	[tilespmem:s20], [sflag:$0x2] =	stream.indirect.gather [hbm4b:s4+s18], $0x80, s22, s18, $0xb8;
	[tilespmem:$0x1E800] =	vst v63  }
.LBB2_8:
0x50: {  	_ =	swait.ge [sflag:s21], $0x4000  }
0x51: {  	[sflag:s21] =	ssyncset.done $0x0  }
0x52: {  	[sflag:s21] =	ssyncadd.s32 $0xFFFFC000  }
0x53: {  	[spmem:s2] =	stream.indirect.scatter.add.f32 [tilespmem:s19], [sflag:$0x3], $0x80, s29, s18, $0xb8;
	[tilespmem:$0x1E800] =	vst v63  }
0x54: {  	_ =	swait.ge [sflag:s16], $0x4000  }
0x55: {  	[sflag:s16] =	ssyncset.done $0x0  }
0x56: {  	[sflag:s16] =	ssyncadd.s32 $0xFFFFC000  }
0x57: {  	_ =	swait.ge [sflag:s23], $0x4000  }
0x58: {  	[sflag:s23] =	ssyncset.done $0x0  }
0x59: {  	[sflag:s23] =	ssyncadd.s32 $0xFFFFC000  }
0x5a: {  	[spmem:s2] =	stream.indirect.scatter.add.f32 [tilespmem:s20], [sflag:$0x3], $0x80, s28, s18, $0xb8;
	[tilespmem:$0x1E800] =	vst v63  }
0x5b: {  	_ =	swait.ge [sflag:s16], $0x4000  }
0x5c: {  	s26 =	sadd.s32 $0x1, s26;
	[sflag:s16] =	ssyncset.done $0x0  }
0x5d: {  	p1 =	sne.s32 s26, s14;
	[sflag:s16] =	ssyncadd.s32 $0xFFFFC000  }
.Ltmp1:
0x5e: {  	[bflag:$0x0] =	sbarrier.arrive $0xFFFF;
	(pc) =	sbr.rel @!p1 .LBB2_9-.Ltmp1, $4  }
0x5f: {  	[hbm:s13], [sflag:s6] =	dma.local [spmem:s15], $0x2800  }
0x60: {  	_ =	swait.ge [sflag:s16], $0x2800  }
0x61: {  	[sflag:s16] =	ssyncset.done $0x0  }
0x62: {  	[sflag:s16] =	ssyncadd.s32 $0xFFFFD800  }
.LBB2_1:
0x63: {  	[spmem:s15], [sflag:s6] =	dma.local [hbm:s5], $0x2800  }
.Ltmp2:
0x64: {  	_ =	swait.ge [sflag:s16], $0x2800;
	(pc) =	sbr.rel @p0 .LBB2_7-.Ltmp2, $3  }
0x65: {  	[sflag:s16] =	ssyncset.done $0x0  }
0x66: {  	[sflag:s16] =	ssyncadd.s32 $0xFFFFD800  }
0x67: {  	[bflag:$0x0] =	sbarrier.arrive $0xFFFF;
	_ =	sdelay $0x1  }
0x68: {  	s28 =	simm.s32 $0x0  }
0x69: {  	[tilespmem:s28], [sflag:$0x3] =	stream.linear.gather [hbm4b:s7+s28], $0x1400, $0x38;
	[tilespmem:$0x1E800] =	vst v63  }
0x6a: {  	_ =	swait.ge [sflag:s16], $0x1400  }
0x6b: {  	[sflag:s16] =	ssyncset.done $0x0  }
0x6c: {  	[sflag:s16] =	ssyncadd.s32 $0xFFFFEC00  }
0x6d: {  	[tilespmem:s17], [sflag:$0x3] =	stream.linear.gather [hbm4b:s8+s28], $0x1400, $0x38;
	[tilespmem:$0x1E800] =	vst v63  }
0x6e: {  	_ =	swait.ge [sflag:s16], $0x1400  }
0x6f: {  	[sflag:s16] =	ssyncset.done $0x0  }
0x70: {  	[sflag:s16] =	ssyncadd.s32 $0xFFFFEC00  }
0x71: {  	[tilespmem:s19], [sflag:$0x1] =	stream.indirect.gather [hbm4b:s4+s18], $0x80, s28, s18, $0xb8;
	[tilespmem:$0x1E800] =	vst v63  }
0x72: {  	_ = 	snop  }
0x73: {  	[tilespmem:s20], [sflag:$0x2] =	stream.indirect.gather [hbm4b:s4+s18], $0x80, s18, s18, $0xb8;
	[tilespmem:$0x1E800] =	vst v63  }
0x74: {  	_ =	swait.ge [sflag:s21], $0x4000  }
0x75: {  	[sflag:s21] =	ssyncset.done $0x0  }
0x76: {  	s28 =	simm.s32 $0x1400;
	[sflag:s21] =	ssyncadd.s32 $0xFFFFC000  }
0x77: {  	[spmem:s2] =	stream.indirect.scatter.add.f32 [tilespmem:s19], [sflag:$0x3], $0x80, s28, s18, $0xb8;
	[tilespmem:$0x1E800] =	vst v63  }
0x78: {  	_ =	swait.ge [sflag:s16], $0x4000  }
0x79: {  	[sflag:s16] =	ssyncset.done $0x0  }
0x7a: {  	s28 =	simm.s32 $0x100;
	[sflag:s16] =	ssyncadd.s32 $0xFFFFC000  }
0x7b: {  	[tilespmem:s19], [sflag:$0x1] =	stream.indirect.gather [hbm4b:s4+s18], $0x80, s28, s18, $0xb8;
	[tilespmem:$0x1E800] =	vst v63  }
0x7c: {  	_ =	swait.ge [sflag:s23], $0x4000  }
0x7d: {  	[sflag:s23] =	ssyncset.done $0x0  }
0x7e: {  	s28 =	simm.s32 $0x1480;
	[sflag:s23] =	ssyncadd.s32 $0xFFFFC000  }
0x7f: {  	[spmem:s2] =	stream.indirect.scatter.add.f32 [tilespmem:s20], [sflag:$0x3], $0x80, s28, s18, $0xb8;
	[tilespmem:$0x1E800] =	vst v63  }
0x80: {  	_ =	swait.ge [sflag:s16], $0x4000  }
0x81: {  	[sflag:s16] =	ssyncset.done $0x0  }
0x82: {  	s29 =	simm.s32 $0x180;
	s28 =	simm.s32 $0x400;
	[sflag:s16] =	ssyncadd.s32 $0xFFFFC000  }
.LBB2_3:
0x83: {  	[tilespmem:s20], [sflag:$0x2] =	stream.indirect.gather [hbm4b:s4+s18], $0x80, s29, s18, $0xb8;
	[tilespmem:$0x1E800] =	vst v63  }
0x84: {  	s29 =	smov.u32 s28  }
0x85: {  	p1 =	sne.s32 s28, $0x4800;
	s28 =	sadd.s32 $0x400, s28;
	_ =	swait.ge [sflag:s21], $0x4000  }
0x86: {  	s29 =	sshra.s32 s29, $0x2;
	[sflag:s21] =	ssyncset.done $0x0  }
0x87: {  	s30 =	sadd.s32 $0x1400, s29;
	[sflag:s21] =	ssyncadd.s32 $0xFFFFC000  }
0x88: {  	[spmem:s2] =	stream.indirect.scatter.add.f32 [tilespmem:s19], [sflag:$0x3], $0x80, s30, s18, $0xb8;
	[tilespmem:$0x1E800] =	vst v63  }
0x89: {  	_ =	swait.ge [sflag:s16], $0x4000  }
0x8a: {  	[sflag:s16] =	ssyncset.done $0x0  }
0x8b: {  	s30 =	sadd.s32 $0x100, s29;
	[sflag:s16] =	ssyncadd.s32 $0xFFFFC000  }
0x8c: {  	[tilespmem:s19], [sflag:$0x1] =	stream.indirect.gather [hbm4b:s4+s18], $0x80, s30, s18, $0xb8;
	[tilespmem:$0x1E800] =	vst v63  }
0x8d: {  	_ =	swait.ge [sflag:s23], $0x4000  }
0x8e: {  	[sflag:s23] =	ssyncset.done $0x0  }
.Ltmp3:
0x8f: {  	s30 =	sadd.s32 $0x1480, s29;
	[sflag:s23] =	ssyncadd.s32 $0xFFFFC000;
	(pc) =	sbr.rel @p1 .LBB2_3-.Ltmp3, $4  }
0x90: {  	[spmem:s2] =	stream.indirect.scatter.add.f32 [tilespmem:s20], [sflag:$0x3], $0x80, s30, s18, $0xb8;
	[tilespmem:$0x1E800] =	vst v63  }
0x91: {  	_ =	swait.ge [sflag:s16], $0x4000  }
0x92: {  	[sflag:s16] =	ssyncset.done $0x0  }
0x93: {  	s29 =	sadd.s32 $0x180, s29;
	[sflag:s16] =	ssyncadd.s32 $0xFFFFC000  }
0x94: {  	[tilespmem:s20], [sflag:$0x2] =	stream.indirect.gather [hbm4b:s4+s18], $0x80, s29, s18, $0xb8;
	[tilespmem:$0x1E800] =	vst v63  }
0x95: {  	_ =	swait.ge [sflag:s21], $0x4000  }
0x96: {  	[sflag:s21] =	ssyncset.done $0x0  }
0x97: {  	[sflag:s21] =	ssyncadd.s32 $0xFFFFC000  }
0x98: {  	[spmem:s2] =	stream.indirect.scatter.add.f32 [tilespmem:s19], [sflag:$0x3], $0x80, s24, s18, $0xb8;
	[tilespmem:$0x1E800] =	vst v63  }
0x99: {  	_ =	swait.ge [sflag:s16], $0x4000  }
0x9a: {  	[sflag:s16] =	ssyncset.done $0x0  }
0x9b: {  	[sflag:s16] =	ssyncadd.s32 $0xFFFFC000  }
0x9c: {  	_ =	swait.ge [sflag:s23], $0x4000  }
0x9d: {  	[sflag:s23] =	ssyncset.done $0x0  }
0x9e: {  	[sflag:s23] =	ssyncadd.s32 $0xFFFFC000  }
0x9f: {  	[spmem:s2] =	stream.indirect.scatter.add.f32 [tilespmem:s20], [sflag:$0x3], $0x80, s25, s18, $0xb8;
	[tilespmem:$0x1E800] =	vst v63  }
0xa0: {  	_ =	swait.ge [sflag:s16], $0x4000  }
0xa1: {  	[sflag:s16] =	ssyncset.done $0x0  }
0xa2: {  	s28 =	simm.s32 $0x0;
	[sflag:s16] =	ssyncadd.s32 $0xFFFFC000  }
0xa3: {  	[tilespmem:s28], [sflag:$0x3] =	stream.linear.gather [hbm4b:s9+s28], $0x1000, $0x38;
	[tilespmem:$0x1E800] =	vst v63  }
0xa4: {  	_ =	swait.ge [sflag:s16], $0x1000  }
0xa5: {  	[sflag:s16] =	ssyncset.done $0x0  }
0xa6: {  	[sflag:s16] =	ssyncadd.s32 $0xFFFFF000  }
0xa7: {  	[tilespmem:s17], [sflag:$0x3] =	stream.linear.gather [hbm4b:s10+s28], $0x1000, $0x38;
	[tilespmem:$0x1E800] =	vst v63  }
0xa8: {  	_ =	swait.ge [sflag:s16], $0x1000  }
0xa9: {  	[sflag:s16] =	ssyncset.done $0x0  }
0xaa: {  	[sflag:s16] =	ssyncadd.s32 $0xFFFFF000  }
0xab: {  	[tilespmem:s19], [sflag:$0x1] =	stream.indirect.gather [hbm4b:s4+s18], $0x80, s28, s18, $0xb8;
	[tilespmem:$0x1E800] =	vst v63  }
0xac: {  	_ = 	snop  }
0xad: {  	[tilespmem:s20], [sflag:$0x2] =	stream.indirect.gather [hbm4b:s4+s18], $0x80, s18, s18, $0xb8;
	[tilespmem:$0x1E800] =	vst v63  }
0xae: {  	_ =	swait.ge [sflag:s21], $0x4000  }
0xaf: {  	[sflag:s21] =	ssyncset.done $0x0  }
0xb0: {  	s28 =	simm.s32 $0x1400;
	[sflag:s21] =	ssyncadd.s32 $0xFFFFC000  }
0xb1: {  	[spmem:s2] =	stream.indirect.scatter.add.f32 [tilespmem:s19], [sflag:$0x3], $0x80, s28, s18, $0xb8;
	[tilespmem:$0x1E800] =	vst v63  }
0xb2: {  	_ =	swait.ge [sflag:s16], $0x4000  }
0xb3: {  	[sflag:s16] =	ssyncset.done $0x0  }
0xb4: {  	s28 =	simm.s32 $0x100;
	[sflag:s16] =	ssyncadd.s32 $0xFFFFC000  }
0xb5: {  	[tilespmem:s19], [sflag:$0x1] =	stream.indirect.gather [hbm4b:s4+s18], $0x80, s28, s18, $0xb8;
	[tilespmem:$0x1E800] =	vst v63  }
0xb6: {  	_ =	swait.ge [sflag:s23], $0x4000  }
0xb7: {  	p1 =	por $0x0, $0x0;
	[sflag:s23] =	ssyncset.done $0x0  }
.Ltmp4:
0xb8: {  	s28 =	simm.s32 $0x1480;
	[sflag:s23] =	ssyncadd.s32 $0xFFFFC000;
	(pc) =	sbr.rel @p1 .LBB2_6-.Ltmp4, $4  }
0xb9: {  	[spmem:s2] =	stream.indirect.scatter.add.f32 [tilespmem:s20], [sflag:$0x3], $0x80, s28, s18, $0xb8;
	[tilespmem:$0x1E800] =	vst v63  }
0xba: {  	_ =	swait.ge [sflag:s16], $0x4000  }
0xbb: {  	[sflag:s16] =	ssyncset.done $0x0  }
0xbc: {  	s29 =	simm.s32 $0x180;
	s28 =	simm.s32 $0x400;
	[sflag:s16] =	ssyncadd.s32 $0xFFFFC000  }
.LBB2_5:
0xbd: {  	[tilespmem:s20], [sflag:$0x2] =	stream.indirect.gather [hbm4b:s4+s18], $0x80, s29, s18, $0xb8;
	[tilespmem:$0x1E800] =	vst v63  }
0xbe: {  	s29 =	smov.u32 s28  }
0xbf: {  	p1 =	seq.s32 s28, $0x3800;
	s28 =	sadd.s32 $0x400, s28;
	_ =	swait.ge [sflag:s21], $0x4000  }
0xc0: {  	s29 =	sshra.s32 s29, $0x2;
	[sflag:s21] =	ssyncset.done $0x0  }
0xc1: {  	s30 =	sadd.s32 $0x1400, s29;
	[sflag:s21] =	ssyncadd.s32 $0xFFFFC000  }
0xc2: {  	[spmem:s2] =	stream.indirect.scatter.add.f32 [tilespmem:s19], [sflag:$0x3], $0x80, s30, s18, $0xb8;
	[tilespmem:$0x1E800] =	vst v63  }
0xc3: {  	_ =	swait.ge [sflag:s16], $0x4000  }
0xc4: {  	[sflag:s16] =	ssyncset.done $0x0  }
0xc5: {  	s30 =	sadd.s32 $0x100, s29;
	[sflag:s16] =	ssyncadd.s32 $0xFFFFC000  }
0xc6: {  	[tilespmem:s19], [sflag:$0x1] =	stream.indirect.gather [hbm4b:s4+s18], $0x80, s30, s18, $0xb8;
	[tilespmem:$0x1E800] =	vst v63  }
0xc7: {  	_ =	swait.ge [sflag:s23], $0x4000  }
0xc8: {  	[sflag:s23] =	ssyncset.done $0x0  }
.Ltmp5:
0xc9: {  	s30 =	sadd.s32 $0x1480, s29;
	[sflag:s23] =	ssyncadd.s32 $0xFFFFC000;
	(pc) =	sbr.rel @!p1 .LBB2_5-.Ltmp5, $4  }
0xca: {  	[spmem:s2] =	stream.indirect.scatter.add.f32 [tilespmem:s20], [sflag:$0x3], $0x80, s30, s18, $0xb8;
	[tilespmem:$0x1E800] =	vst v63  }
0xcb: {  	_ =	swait.ge [sflag:s16], $0x4000  }
0xcc: {  	[sflag:s16] =	ssyncset.done $0x0  }
0xcd: {  	s29 =	sadd.s32 $0x180, s29;
	[sflag:s16] =	ssyncadd.s32 $0xFFFFC000  }
.LBB2_6:
.Ltmp6:
0xce: {  	(pc) =	sbr.rel .LBB2_8-.Ltmp6, $3  }
0xcf: {  	_ =	sdelay $0x1  }
0xd0: {  	[tilespmem:s20], [sflag:$0x2] =	stream.indirect.gather [hbm4b:s4+s18], $0x80, s29, s18, $0xb8;
	[tilespmem:$0x1E800] =	vst v63  }
0xd1: {  	s28 =	simm.s32 $0x2380;
	s29 =	simm.s32 $0x2300  }
.LBB2_9:
0xd2: {  	_ =	sfence.sel $0x180000  }
0xd3: {  	[bflag:$0x0] =	sbarrier.arrive $0xFFFF  }
0xd4: {  	_ =	strace $0x9000004A  }
0xd5: {  	s0 =	stileid.u32;
	[bflag:$0x2] =	sbarrier.arrive $0xFFFF  }
0xd6: {  	p0 =	sne.s32 s0, $0x0;
	s0 =	rddreg [dreg:$0x2]  }
0xd7: {  	s0 =	sadd.s32 @!p0 $0x100000, s0  }
0xd8: {  	[sflag:s0] =	ssyncadd.tile.s32 @!p0 $0x1;
	_ =	shalt  }
.Lfunc_end2:
_tile_overlayer_lowered:
.L_overlay_start_2:
0xd9: {  	(tag) =	ssettag $0x2  }
0xda: {  	s0 =	rddreg [dreg:$0x0];
	s2 =	stileid.u32  }
0xdb: {  	s1 =	rddreg [dreg:$0x1];
	p0 =	sne.s32 s2, $0x0  }
0xdc: {  	s3 =	rddreg [dreg:$0x2];
	[bflag:$0x3] =	sbarrier.arrive $0xFFFF;
	s2 =	simm.s32 @!p0 $0x1C03  }
0xdd: {  	[timem:s3], [sflag:s2] =	dma.local @!p0 [hbm:s0], s1  }
0xde: {  	s0 =	simm.s32 @!p0 $0x3  }
0xdf: {  	_ =	swait.ge @!p0 [sflag:s0], s1  }
0xe0: {  	s1 =	ssub.s32 @!p0 $0x0, s1;
	[sflag:s0] =	ssyncset.done @!p0 $0x0  }
0xe1: {  	[sflag:s0] =	ssyncadd.s32 @!p0 s1  }
0xe2: {  	[bflag:$0x3] =	sbarrier.arrive $0xFFFF  }
0xe3: {  	_ =	shalt  }

// kernel: kernel.14.cloned.1.call-start
scs
__scs_entry_jumppad:
0x0: {  	(pc) =	sbr.rel $0x88, $3  }
0x1: {  	(tag) =	ssettag $0x0;
	lr =	simm.s32 $0x1  }
0x2: {  	[smem:$0x3F9A] =	sst lr;
	_ =	strace $0xD0000000  }
0x3: {  	_ = 	snop  }
0x4: {  	_ = 	snop  }
0x5: {  	_ = 	snop  }
0x6: {  	_ = 	snop  }
0x7: {  	_ = 	snop  }
__scs_overlays_trampoline_lowered:
0x8: {  	[smem:$0x3FA9] =	sst s0  }
0x9: {  	[smem:$0x3FAA] =	sst s1  }
0xa: {  	[smem:$0x3FAB] =	sst s2  }
0xb: {  	[smem:$0x3FAC] =	sst s3  }
0xc: {  	[smem:$0x3FAD] =	sst s4  }
0xd: {  	[smem:$0x3FAE] =	sst s5  }
0xe: {  	[smem:$0x3FAF] =	sst s6  }
0xf: {  	[smem:$0x3FB0] =	sst s7  }
0x10: {  	[smem:$0x3FB1] =	sst s8  }
0x11: {  	[smem:$0x3FB2] =	sst s9;
	s0 =	simm.s32 @!p0 $0x0  }
0x12: {  	s1 =	sld [smem:$0x3F98];
	s0 =	simm.s32 @p0 $0x1  }
0x13: {  	[smem:$0x3FB3] =	sst s0;
	s0 =	simm.s32 @!p1 $0x0  }
0x14: {  	s2 =	sld [smem:$0x3F97];
	s0 =	simm.s32 @p1 $0x1  }
0x15: {  	[smem:$0x3FB4] =	sst s0;
	s0 =	simm.s32 @!p2 $0x0  }
0x16: {  	s3 =	sld [smem:$0x3FDB];
	s0 =	simm.s32 @p2 $0x1  }
0x17: {  	s4 =	simm.s32 $0x1BF5;
	[smem:$0x3FB6] =	sst s0  }
0x18: {  	s0 =	sld [smem:$0x3F99];
	_ =	swait.ge [sflag:s4], $0x0  }
0x19: {  	s7 =	sld [smem:$0x3F9A]  }
0x1a: {  	s8 =	sadd.s32 $0xFFFFE003, lr  }
0x1b: {  	s9 =	sadd.s32 $0xFFFFFEF7, lr;
	s5 =	simm.s32 $0xFFFFFFFF;
	p2 =	slt.u32 s8, $0xFFFFF086  }
0x1c: {  	p1 =	slt.u32 s9, $0xF7A;
	s5 =	simm.s32 @!p2 $0x0  }
0x1d: {  	s5 =	simm.s32 @p1 $0x1;
	p0 =	seq.s32 s7, s2  }
0x1e: {  	s7 =	smul.u32 @!p0 $0xF7A, s2;
	p2 =	seq.s32 @!p0 s5, $0x0  }
0x1f: {  	s9 =	smul.u32 $0xF7A, s1;
	s8 =	simm.s32 @!p0 $0x1BF5;
	p2 =	por !p2, p0  }
0x20: {  	[sflag:s8] =	ssyncset.s32 @!p0 $0xFFFFF086;
	s6 =	sadd.s32 @!p0 s3, s7;
	s7 =	simm.s32 @!p0 $0x108  }
0x21: {  	s3 =	sadd.s32 s3, s9;
	s6 =	sadd.s32 @!p0 $0x88, s6;
	s7 =	simm.s32 @p2 $0x1082  }
0x22: {  	[simem:s7], [sflag:s8] =	dma.local @!p0 [hbm:s6], $0xF7A  }
0x23: {  	s9 =	sor.u32 $0xD0000000, s2;
	s6 =	simm.s32 $0x108;
	_ =	swait.ge @!p0 [sflag:s8], $0x0  }
0x24: {  	s3 =	sadd.s32 $0x88, s3;
	s6 =	simm.s32 @!p1 $0x1082;
	[sflag:s4] =	ssyncset.s32 $0xFFFFF086  }
0x25: {  	[simem:s6], [sflag:s4] =	dma.local [hbm:s3], $0xF7A  }
0x26: {  	[smem:$0x3F9A] =	sst s1;
	(tag) =	ssettag s2;
	_ =	strace s9  }
0x27: {  	s1 =	sld [smem:$0x3FAA]  }
0x28: {  	s2 =	sld [smem:$0x3FAB]  }
0x29: {  	s4 =	sld [smem:$0x3FAD]  }
0x2a: {  	p0 =	seq.s32 s5, $0x0;
	s5 =	sld [smem:$0x3FAE]  }
0x2b: {  	s6 =	sld [smem:$0x3FAF]  }
0x2c: {  	s7 =	sld [smem:$0x3FB0]  }
0x2d: {  	s3 =	simm.s32 $0x108;
	s8 =	sld [smem:$0x3FB1]  }
0x2e: {  	s3 =	simm.s32 @!p0 $0x1082;
	s9 =	sld [smem:$0x3FB2]  }
0x2f: {  	lr =	sadd.s32 s0, s3;
	s0 =	sld [smem:$0x3FA9]  }
0x30: {  	s3 =	sld [smem:$0x3FAC]  }
0x31: {  	[smem:$0x3FB5] =	sst s10  }
0x32: {  	s10 =	sld [smem:$0x3FB3];
	_ =	sdelay $0x3  }
0x33: {  	p0 =	seq.s32 s10, $0x1;
	s10 =	sld [smem:$0x3FB5];
	_ =	sdelay $0x3  }
0x34: {  	[smem:$0x3FB5] =	sst s10  }
0x35: {  	s10 =	sld [smem:$0x3FB4];
	_ =	sdelay $0x3  }
0x36: {  	p1 =	seq.s32 s10, $0x1;
	s10 =	sld [smem:$0x3FB5];
	_ =	sdelay $0x3  }
0x37: {  	[smem:$0x3FB5] =	sst s10  }
0x38: {  	s10 =	sld [smem:$0x3FB6]  }
0x39: {  	_ = 	snop;
	(pc) =	sbr.ind lr, $3  }
0x3a: {  	_ = 	snop  }
0x3b: {  	_ = 	snop  }
0x3c: {  	p2 =	seq.s32 s10, $0x1;
	s10 =	sld [smem:$0x3FB5]  }
0x3d: {  	_ =	shalt  }
0x3e: {  	_ =	shalt  }
0x3f: {  	_ =	shalt  }
0x40: {  	_ =	shalt  }
0x41: {  	_ =	shalt  }
0x42: {  	_ =	shalt  }
0x43: {  	_ =	shalt  }
0x44: {  	_ =	shalt  }
0x45: {  	_ =	shalt  }
0x46: {  	_ =	shalt  }
0x47: {  	_ =	shalt  }
0x48: {  	_ =	shalt  }
0x49: {  	_ =	shalt  }
0x4a: {  	_ =	shalt  }
0x4b: {  	_ =	shalt  }
0x4c: {  	_ =	shalt  }
0x4d: {  	_ =	shalt  }
0x4e: {  	_ =	shalt  }
0x4f: {  	_ =	shalt  }
0x50: {  	_ =	shalt  }
0x51: {  	_ =	shalt  }
0x52: {  	_ =	shalt  }
0x53: {  	_ =	shalt  }
0x54: {  	_ =	shalt  }
0x55: {  	_ =	shalt  }
0x56: {  	_ =	shalt  }
0x57: {  	_ =	shalt  }
0x58: {  	_ =	shalt  }
0x59: {  	_ =	shalt  }
0x5a: {  	_ =	shalt  }
0x5b: {  	_ =	shalt  }
0x5c: {  	_ =	shalt  }
0x5d: {  	_ =	shalt  }
0x5e: {  	_ =	shalt  }
0x5f: {  	_ =	shalt  }
0x60: {  	_ =	shalt  }
0x61: {  	_ =	shalt  }
0x62: {  	_ =	shalt  }
0x63: {  	_ =	shalt  }
0x64: {  	_ =	shalt  }
0x65: {  	_ =	shalt  }
0x66: {  	_ =	shalt  }
0x67: {  	_ =	shalt  }
0x68: {  	_ =	shalt  }
0x69: {  	_ =	shalt  }
0x6a: {  	_ =	shalt  }
0x6b: {  	_ =	shalt  }
0x6c: {  	_ =	shalt  }
0x6d: {  	_ =	shalt  }
0x6e: {  	_ =	shalt  }
0x6f: {  	_ =	shalt  }
0x70: {  	_ =	shalt  }
0x71: {  	_ =	shalt  }
0x72: {  	_ =	shalt  }
0x73: {  	_ =	shalt  }
0x74: {  	_ =	shalt  }
0x75: {  	_ =	shalt  }
0x76: {  	_ =	shalt  }
0x77: {  	_ =	shalt  }
0x78: {  	_ =	shalt  }
0x79: {  	_ =	shalt  }
0x7a: {  	_ =	shalt  }
0x7b: {  	_ =	shalt  }
0x7c: {  	_ =	shalt  }
0x7d: {  	_ =	shalt  }
0x7e: {  	_ =	shalt  }
0x7f: {  	_ =	shalt  }
0x80: {  	_ =	shalt  }
0x81: {  	_ =	shalt  }
0x82: {  	_ =	shalt  }
0x83: {  	_ =	shalt  }
0x84: {  	_ =	shalt  }
0x85: {  	_ =	shalt  }
0x86: {  	_ =	shalt  }
0x87: {  	_ =	shalt  }
.Lfunc_end0:
.L_simem_size_0:
called_computation.2_lowered:
.L_overlay_start_0:
0x88: {  	s2 =	sld [smem:$0x3FD9]  }
0x89: {  	s3 =	sld [smem:$0x3FFE];
	_ =	sdelay $0x1  }
0x8a: {  	s1 =	srdreg.scid  }
0x8b: {  	s0 =	sand.u32 $0x1, s1  }
0x8c: {  	s16 =	sshll.u32 s0, $0xA;
	s2 =	sadd.s32 s3, s2  }
0x8d: {  	s2 =	sadd.s32 s2, s16  }
0x8e: {  	[smem:$0x3FC1] =	sst s2  }
0x8f: {  	_ = 	snop  }
0x90: {  	(tm) =	ssettm $0x1  }
0x91: {  	s17 =	sld [smem:$0x3FFB];
	_ =	sdelay $0x3  }
0x92: {  	_ =	strace s17  }
0x93: {  	s2 =	sld [smem:$0x3FFC];
	_ =	sdelay $0x3  }
0x94: {  	_ =	strace s2  }
0x95: {  	s2 =	sld [smem:$0x3FFD];
	_ =	sdelay $0x3  }
0x96: {  	_ =	strace s2  }
0x97: {  	_ =	strace $0x8FFFFFFF  }
0x98: {  	s18 =	sld [smem:$0x3FDB];
	_ =	sdelay $0x1  }
0x99: {  	s19 =	simm.s32 $_scs_section_size  }
0x9a: {  	s4 =	simm.s32 $_size__tile_overlayer_lowered;
	s5 =	simm.s32 $_tile_overlayer_lowered  }
0x9b: {  	s22 =	simm.s32 $0x1BFF;
	s21 =	sshll.u32 s5, $0x1;
	s2 =	sadd.s32 s19, s18  }
0x9c: {  	s6 =	simm.s32 $0x0;
	s20 =	sshll.u32 s4, $0x1;
	s4 =	sadd.s32 s21, s2  }
0x9d: {  	[timem:s6], [sflag:s22] =	dma.local [hbm:s4], s20  }
0x9e: {  	_ =	swait.ge [sflag:s22], s20  }
0x9f: {  	s3 =	ssub.s32 $0x0, s20;
	[sflag:s22] =	ssyncset.done $0x0  }
0xa0: {  	[sflag:s22] =	ssyncadd.s32 s3;
	_ =	sdelay $0x1  }
0xa1: {  	s23 =	simm.s32 $0x1B8B  }
0xa2: {  	_ =	swait.ge [sflag:s23], $0x1  }
0xa3: {  	[sflag:s23] =	ssyncset.done $0x0  }
0xa4: {  	s25 =	simm.s32 $0x1B8E;
	s24 =	sld [smem:$0x3FFE];
	[sflag:s23] =	ssyncadd.s32 $0xFFFFFFFF  }
0xa5: {  	s26 =	simm.s32 $execute0_lowered;
	[smem:$0x3FD2] =	sst s25  }
0xa6: {  	s4 =	sshll.u32 s26, $0x1;
	_ =	strace $0x8000004C;
	[dreg:$0x1] =	wrdreg $0xFFFFFFFF  }
0xa7: {  	s28 =	simm.s32 $_size_execute0_lowered;
	s2 =	sadd.s32 s2, s4;
	[dreg:$0x0] =	wrdreg $0x0  }
0xa8: {  	s4 =	sshll.u32 s28, $0x1;
	[dreg:$0x2] =	wrdreg s2  }
0xa9: {  	[dreg:$0x3] =	wrdreg s4  }
0xaa: {  	[dreg:$0x4] =	wrdreg $0xC0  }
0xab: {  	_ =	task [dreg:s6], $0x5FFFF  }
0xac: {  	[dreg:$0x1] =	wrdreg $0xFFFFFFFF  }
0xad: {  	[dreg:$0x0] =	wrdreg $0x60  }
0xae: {  	[dreg:$0x2] =	wrdreg s24  }
0xaf: {  	[dreg:$0x3] =	wrdreg $0x32000  }
0xb0: {  	[dreg:$0x4] =	wrdreg $0x9  }
0xb1: {  	_ =	task.clear_ibuf [dreg:s6], $0x5FFFF;
	_ =	strace $0x9000004C  }
0xb2: {  	s29 =	simm.s32 $0x9;
	_ =	strace $0x8000004E  }
0xb3: {  	_ =	swait.ge [sflag:s29], $0x1  }
0xb4: {  	[sflag:s29] =	ssyncadd.s32 $0xFFFFFFFF  }
0xb5: {  	_ =	strace $0x9000004E  }
0xb6: {  	_ =	sfence  }
0xb7: {  	s30 =	sld [smem:$0x0];
	_ =	sdelay $0x2  }
0xb8: {  	s31 =	sshll.u32 s1, $0xD;
	s1 =	sshrl.u32 s1, $0x2  }
0xb9: {  	s3 =	sand.u32 $0x4000, s31;
	s1 =	sadd.s32 s1, s30  }
0xba: {  	s0 =	sor.u32 s3, s0;
	s1 =	sshll.u32 s1, $0x11  }
0xbb: {  	s0 =	sor.u32 s1, s0  }
0xbc: {  	s0 =	sadd.s32 $0x8F2B, s0  }
0xbd: {  	[sflag:s0] =	ssyncadd.remote.s32 $0x1  }
0xbe: {  	_ =	sfence.sel $0xFFFF  }
0xbf: {  	[dreg:$0x0] =	wrdreg $0xFFFFFFFF;
	(pc) =	sbr.abs _section_cstart, $3  }
0xc0: {  	[dreg:$0x1] =	wrdreg $0xFFFFFFFF  }
0xc1: {  	_ =	task.clear_ibuf [dreg:s6], $0x2FFFF;
	_ =	strace $0x9FFFFFFF  }
0xc2: {  	(tm) =	ssettm $0x7FFFFFFF  }
0xc3: {  	_ =	shalt  }
tec
execute0_lowered:
.L_overlay_start_1:
0x0: {  	(tag) =	ssettag $0x1  }
0x1: {  	s0 =	rddreg [dreg:$0x0]  }
0x2: {  	s1 =	rddreg [dreg:$0x1]  }
0x3: {  	s2 =	simm.s32 $0x0;
	s4 =	srdreg.scid;
	s3 =	stileid.u32  }
0x4: {  	s13 =	simm.s32 $0x5;
	s14 =	simm.s32 $0x1800;
	s15 =	simm.s32 $0x80  }
0x5: {  	s16 =	simm.s32 $0x3000;
	s17 =	simm.s32 $0x3080;
	s18 =	simm.s32 $0x100  }
0x6: {  	s19 =	simm.s32 $0x3100;
	s20 =	simm.s32 $0x180;
	s21 =	simm.s32 $0x3180  }
0x7: {  	s22 =	simm.s32 $0x1;
	s23 =	simm.s32 $0x2;
	s28 =	simm.s32 $0x20  }
0x8: {  	s29 =	simm.s32 $0x10;
	[smem:$0x7FF] =	sst s2;
	s6 =	sand.u32 $0x1, s4  }
0x9: {  	s5 =	smul.u32 $0x500, s3;
	s8 =	sadd.s32 $0x34A00, s0;
	s9 =	sadd.s32 $0x7000, s0  }
0xa: {  	s4 =	sadd.s32 $0x34000, s0;
	s24 =	smul.u32 $0x300, s3;
	s25 =	sshll.u32 s3, $0x9  }
0xb: {  	s26 =	smul.u32 $0xA00, s3;
	p1 =	sne.s32 s3, $0x0;
	_ =	strace $0x8000004D  }
0xc: {  	s7 =	sshll.u32 s6, $0x7;
	s10 =	ssub.s32 $0x2, s6;
	p0 =	seq.s32 s6, $0x1  }
0xd: {  	s6 =	sadd.s32 $0x3000, s25;
	s7 =	sor.u32 s7, s5;
	s5 =	sadd.s32 $0xC000, s0  }
0xe: {  	s11 =	sshrl.u32 s10, $0x1;
	s12 =	sadd.s32 s8, s24;
	s8 =	sadd.s32 s8, s6  }
.Ltmp0:
0xf: {  	s30 =	sshrl.u32 s26, $0x2;
	s26 =	simm.s32 $0x4;
	(pc) =	sbr.rel .LBB2_1-.Ltmp0, $4  }
0x10: {  	s7 =	sshrl.u32 s7, $0x3;
	s11 =	ssub.s32 s10, s11;
	[dreg:$0x3] =	wrdreg s12  }
0x11: {  	s31 =	sadd.s32 s30, s1;
	s12 =	sshrl.u32 @!p1 s1, $0x3;
	s0 =	sadd.s32 s7, s0  }
0x12: {  	s7 =	sadd.s32 s9, s24;
	s9 =	sadd.s32 s9, s6;
	s11 =	smax.u32 s11, $0x1  }
0x13: {  	s24 =	simm.s32 $0x3;
	s25 =	sshrl.u32 s31, $0x3;
	s10 =	sadd.s32 $0x2000, s0  }
.LBB2_4:
0x14: {  	[tilespmem:s21], [sflag:$0x4] =	stream.indirect.gather [hbm4b:s4+s15], $0x1, s0, s15, $0xb8;
	[tilespmem:$0x3480] =	vst v63  }
0x15: {  	s30 =	simm.s32 $0x2F80  }
0x16: {  	s31 =	simm.s32 $0x2F00;
	s0 =	simm.s32 $0x2E80;
	s6 =	simm.s32 $0x2E00  }
.LBB2_8:
0x17: {  	_ =	swait.ge [sflag:s22], $0x80  }
0x18: {  	[sflag:s22] =	ssyncset.done $0x0  }
0x19: {  	[sflag:s22] =	ssyncadd.s32 $0xFFFFFF80  }
0x1a: {  	[spmem:s1] =	stream.indirect.scatter.add.f32 [tilespmem:s16], [sflag:$0x5], $0x1, s6, s15, $0xb8;
	[tilespmem:$0x3480] =	vst v63  }
0x1b: {  	_ =	swait.ge [sflag:s13], $0x80  }
0x1c: {  	[sflag:s13] =	ssyncset.done $0x0  }
0x1d: {  	[sflag:s13] =	ssyncadd.s32 $0xFFFFFF80  }
0x1e: {  	_ =	swait.ge [sflag:s23], $0x80  }
0x1f: {  	[sflag:s23] =	ssyncset.done $0x0  }
0x20: {  	[sflag:s23] =	ssyncadd.s32 $0xFFFFFF80  }
0x21: {  	[spmem:s1] =	stream.indirect.scatter.add.f32 [tilespmem:s17], [sflag:$0x5], $0x1, s0, s15, $0xb8;
	[tilespmem:$0x3480] =	vst v63  }
0x22: {  	_ =	swait.ge [sflag:s13], $0x80  }
0x23: {  	[sflag:s13] =	ssyncset.done $0x0  }
0x24: {  	[sflag:s13] =	ssyncadd.s32 $0xFFFFFF80  }
0x25: {  	_ =	swait.ge [sflag:s24], $0x80  }
0x26: {  	[sflag:s24] =	ssyncset.done $0x0  }
0x27: {  	[sflag:s24] =	ssyncadd.s32 $0xFFFFFF80  }
0x28: {  	[spmem:s1] =	stream.indirect.scatter.add.f32 [tilespmem:s19], [sflag:$0x5], $0x1, s31, s15, $0xb8;
	[tilespmem:$0x3480] =	vst v63  }
0x29: {  	_ =	swait.ge [sflag:s13], $0x80  }
0x2a: {  	[sflag:s13] =	ssyncset.done $0x0  }
0x2b: {  	[sflag:s13] =	ssyncadd.s32 $0xFFFFFF80  }
0x2c: {  	_ =	swait.ge [sflag:s26], $0x80  }
0x2d: {  	[sflag:s26] =	ssyncset.done $0x0  }
0x2e: {  	[sflag:s26] =	ssyncadd.s32 $0xFFFFFF80  }
0x2f: {  	[spmem:s1] =	stream.indirect.scatter.add.f32 [tilespmem:s21], [sflag:$0x5], $0x1, s30, s15, $0xb8;
	[tilespmem:$0x3480] =	vst v63  }
0x30: {  	_ =	swait.ge [sflag:s13], $0x80  }
0x31: {  	s2 =	sadd.s32 $0x1, s2;
	[sflag:s13] =	ssyncset.done $0x0  }
0x32: {  	p2 =	sne.s32 s2, s11;
	s31 =	sshll.u32 s3, $0x6;
	[sflag:s13] =	ssyncadd.s32 $0xFFFFFF80  }
.Ltmp1:
0x33: {  	s0 =	sor.u32 $0x1C05, s31;
	[bflag:$0x0] =	sbarrier.arrive $0xFFFF;
	(pc) =	sbr.rel @!p2 .LBB2_9-.Ltmp1, $4  }
0x34: {  	[hbm:s10@s28], [sflag:s0] =	dma.strided [spmem:s25@s29], $0x50, s22, $0x10   }
0x35: {  	_ =	swait.ge [sflag:s13], $0x50  }
0x36: {  	[sflag:s13] =	ssyncset.done $0x0  }
0x37: {  	[sflag:s13] =	ssyncadd.s32 $0xFFFFFFB0  }
.LBB2_1:
0x38: {  	s0 =	simm.s32 @!p1 $0x1C05  }
0x39: {  	[spmem:s12], [sflag:s0] =	dma.local @!p1 [hbm:s5], $0x500  }
0x3a: {  	s0 =	simm.s32 @!p1 $0x5  }
.Ltmp2:
0x3b: {  	_ =	swait.ge @!p1 [sflag:s0], $0x500;
	(pc) =	sbr.rel @!p0 .LBB2_2-.Ltmp2, $4  }
0x3c: {  	[sflag:s0] =	ssyncset.done @!p1 $0x0  }
0x3d: {  	[sflag:s0] =	ssyncadd.s32 @!p1 $0xFFFFFB00  }
0x3e: {  	[bflag:$0x0] =	sbarrier.arrive $0xFFFF  }
0x3f: {  	s0 =	simm.s32 $0x0  }
0x40: {  	[tilespmem:s0], [sflag:$0x5] =	stream.linear.gather [hbm4b:s8+s0], $0x1000, $0x38;
	[tilespmem:$0x3480] =	vst v63  }
0x41: {  	_ =	swait.ge [sflag:s13], $0x1000  }
0x42: {  	[sflag:s13] =	ssyncset.done $0x0  }
0x43: {  	[sflag:s13] =	ssyncadd.s32 $0xFFFFF000  }
0x44: {  	[tilespmem:s14], [sflag:$0x5] =	stream.linear.gather [hbm4b:s9+s0], $0x1000, $0x38;
	[tilespmem:$0x3480] =	vst v63  }
0x45: {  	_ =	swait.ge [sflag:s13], $0x1000  }
0x46: {  	[sflag:s13] =	ssyncset.done $0x0  }
0x47: {  	[sflag:s13] =	ssyncadd.s32 $0xFFFFF000  }
0x48: {  	[tilespmem:s16], [sflag:$0x1] =	stream.indirect.gather [hbm4b:s4+s15], $0x1, s0, s15, $0xb8;
	[tilespmem:$0x3480] =	vst v63  }
0x49: {  	_ = 	snop  }
0x4a: {  	[tilespmem:s17], [sflag:$0x2] =	stream.indirect.gather [hbm4b:s4+s15], $0x1, s15, s15, $0xb8;
	[tilespmem:$0x3480] =	vst v63  }
0x4b: {  	_ = 	snop  }
0x4c: {  	[tilespmem:s19], [sflag:$0x3] =	stream.indirect.gather [hbm4b:s4+s15], $0x1, s18, s15, $0xb8;
	[tilespmem:$0x3480] =	vst v63  }
0x4d: {  	_ = 	snop  }
0x4e: {  	[tilespmem:s21], [sflag:$0x4] =	stream.indirect.gather [hbm4b:s4+s15], $0x1, s20, s15, $0xb8;
	[tilespmem:$0x3480] =	vst v63  }
0x4f: {  	_ =	swait.ge [sflag:s22], $0x80  }
0x50: {  	[sflag:s22] =	ssyncset.done $0x0  }
0x51: {  	s31 =	simm.s32 $0x1800;
	[sflag:s22] =	ssyncadd.s32 $0xFFFFFF80  }
0x52: {  	[spmem:s1] =	stream.indirect.scatter.add.f32 [tilespmem:s16], [sflag:$0x5], $0x1, s31, s15, $0xb8;
	[tilespmem:$0x3480] =	vst v63  }
0x53: {  	_ =	swait.ge [sflag:s13], $0x80  }
0x54: {  	[sflag:s13] =	ssyncset.done $0x0  }
0x55: {  	s6 =	simm.s32 $0x200;
	[sflag:s13] =	ssyncadd.s32 $0xFFFFFF80  }
0x56: {  	[tilespmem:s16], [sflag:$0x1] =	stream.indirect.gather [hbm4b:s4+s15], $0x1, s6, s15, $0xb8;
	[tilespmem:$0x3480] =	vst v63  }
0x57: {  	_ =	swait.ge [sflag:s23], $0x80  }
0x58: {  	[sflag:s23] =	ssyncset.done $0x0  }
0x59: {  	s31 =	simm.s32 $0x1880;
	[sflag:s23] =	ssyncadd.s32 $0xFFFFFF80  }
0x5a: {  	[spmem:s1] =	stream.indirect.scatter.add.f32 [tilespmem:s17], [sflag:$0x5], $0x1, s31, s15, $0xb8;
	[tilespmem:$0x3480] =	vst v63  }
0x5b: {  	_ =	swait.ge [sflag:s13], $0x80  }
0x5c: {  	[sflag:s13] =	ssyncset.done $0x0  }
0x5d: {  	s6 =	simm.s32 $0x280;
	[sflag:s13] =	ssyncadd.s32 $0xFFFFFF80  }
0x5e: {  	[tilespmem:s17], [sflag:$0x2] =	stream.indirect.gather [hbm4b:s4+s15], $0x1, s6, s15, $0xb8;
	[tilespmem:$0x3480] =	vst v63  }
0x5f: {  	_ =	swait.ge [sflag:s24], $0x80  }
0x60: {  	[sflag:s24] =	ssyncset.done $0x0  }
0x61: {  	s31 =	simm.s32 $0x1900;
	[sflag:s24] =	ssyncadd.s32 $0xFFFFFF80  }
0x62: {  	[spmem:s1] =	stream.indirect.scatter.add.f32 [tilespmem:s19], [sflag:$0x5], $0x1, s31, s15, $0xb8;
	[tilespmem:$0x3480] =	vst v63  }
0x63: {  	_ =	swait.ge [sflag:s13], $0x80  }
0x64: {  	[sflag:s13] =	ssyncset.done $0x0  }
0x65: {  	s6 =	simm.s32 $0x300;
	[sflag:s13] =	ssyncadd.s32 $0xFFFFFF80  }
0x66: {  	[tilespmem:s19], [sflag:$0x3] =	stream.indirect.gather [hbm4b:s4+s15], $0x1, s6, s15, $0xb8;
	[tilespmem:$0x3480] =	vst v63  }
0x67: {  	_ =	swait.ge [sflag:s26], $0x80  }
0x68: {  	[sflag:s26] =	ssyncset.done $0x0  }
0x69: {  	s31 =	simm.s32 $0x1980;
	[sflag:s26] =	ssyncadd.s32 $0xFFFFFF80  }
0x6a: {  	[spmem:s1] =	stream.indirect.scatter.add.f32 [tilespmem:s21], [sflag:$0x5], $0x1, s31, s15, $0xb8;
	[tilespmem:$0x3480] =	vst v63  }
0x6b: {  	_ =	swait.ge [sflag:s13], $0x80  }
0x6c: {  	[sflag:s13] =	ssyncset.done $0x0  }
0x6d: {  	s30 =	simm.s32 $0x800;
	s0 =	simm.s32 $0x380;
	[sflag:s13] =	ssyncadd.s32 $0xFFFFFF80  }
.LBB2_6:
0x6e: {  	[tilespmem:s21], [sflag:$0x4] =	stream.indirect.gather [hbm4b:s4+s15], $0x1, s0, s15, $0xb8;
	[tilespmem:$0x3480] =	vst v63  }
0x6f: {  	s0 =	smov.u32 s30  }
0x70: {  	p2 =	sne.s32 s30, $0x3000;
	s30 =	sadd.s32 $0x800, s30;
	_ =	swait.ge [sflag:s22], $0x80  }
0x71: {  	s31 =	sshra.s32 s0, $0x2;
	[sflag:s22] =	ssyncset.done $0x0  }
0x72: {  	s0 =	sadd.s32 $0x1800, s31;
	[sflag:s22] =	ssyncadd.s32 $0xFFFFFF80  }
0x73: {  	[spmem:s1] =	stream.indirect.scatter.add.f32 [tilespmem:s16], [sflag:$0x5], $0x1, s0, s15, $0xb8;
	[tilespmem:$0x3480] =	vst v63  }
0x74: {  	_ =	swait.ge [sflag:s13], $0x80  }
0x75: {  	[sflag:s13] =	ssyncset.done $0x0  }
0x76: {  	s0 =	sadd.s32 $0x200, s31;
	[sflag:s13] =	ssyncadd.s32 $0xFFFFFF80  }
0x77: {  	[tilespmem:s16], [sflag:$0x1] =	stream.indirect.gather [hbm4b:s4+s15], $0x1, s0, s15, $0xb8;
	[tilespmem:$0x3480] =	vst v63  }
0x78: {  	_ =	swait.ge [sflag:s23], $0x80  }
0x79: {  	[sflag:s23] =	ssyncset.done $0x0  }
0x7a: {  	s0 =	sadd.s32 $0x1880, s31;
	[sflag:s23] =	ssyncadd.s32 $0xFFFFFF80  }
0x7b: {  	[spmem:s1] =	stream.indirect.scatter.add.f32 [tilespmem:s17], [sflag:$0x5], $0x1, s0, s15, $0xb8;
	[tilespmem:$0x3480] =	vst v63  }
0x7c: {  	_ =	swait.ge [sflag:s13], $0x80  }
0x7d: {  	[sflag:s13] =	ssyncset.done $0x0  }
0x7e: {  	s0 =	sadd.s32 $0x280, s31;
	[sflag:s13] =	ssyncadd.s32 $0xFFFFFF80  }
0x7f: {  	[tilespmem:s17], [sflag:$0x2] =	stream.indirect.gather [hbm4b:s4+s15], $0x1, s0, s15, $0xb8;
	[tilespmem:$0x3480] =	vst v63  }
0x80: {  	_ =	swait.ge [sflag:s24], $0x80  }
0x81: {  	[sflag:s24] =	ssyncset.done $0x0  }
0x82: {  	s0 =	sadd.s32 $0x1900, s31;
	[sflag:s24] =	ssyncadd.s32 $0xFFFFFF80  }
0x83: {  	[spmem:s1] =	stream.indirect.scatter.add.f32 [tilespmem:s19], [sflag:$0x5], $0x1, s0, s15, $0xb8;
	[tilespmem:$0x3480] =	vst v63  }
0x84: {  	_ =	swait.ge [sflag:s13], $0x80  }
0x85: {  	[sflag:s13] =	ssyncset.done $0x0  }
0x86: {  	s0 =	sadd.s32 $0x300, s31;
	[sflag:s13] =	ssyncadd.s32 $0xFFFFFF80  }
0x87: {  	[tilespmem:s19], [sflag:$0x3] =	stream.indirect.gather [hbm4b:s4+s15], $0x1, s0, s15, $0xb8;
	[tilespmem:$0x3480] =	vst v63  }
0x88: {  	_ =	swait.ge [sflag:s26], $0x80  }
0x89: {  	[sflag:s26] =	ssyncset.done $0x0  }
.Ltmp3:
0x8a: {  	s0 =	sadd.s32 $0x1980, s31;
	[sflag:s26] =	ssyncadd.s32 $0xFFFFFF80;
	(pc) =	sbr.rel @p2 .LBB2_6-.Ltmp3, $4  }
0x8b: {  	[spmem:s1] =	stream.indirect.scatter.add.f32 [tilespmem:s21], [sflag:$0x5], $0x1, s0, s15, $0xb8;
	[tilespmem:$0x3480] =	vst v63  }
0x8c: {  	_ =	swait.ge [sflag:s13], $0x80  }
0x8d: {  	[sflag:s13] =	ssyncset.done $0x0  }
0x8e: {  	s0 =	sadd.s32 $0x380, s31;
	[sflag:s13] =	ssyncadd.s32 $0xFFFFFF80  }
.Ltmp4:
0x8f: {  	(pc) =	sbr.rel .LBB2_8-.Ltmp4, $4  }
0x90: {  	_ = 	snop  }
0x91: {  	[tilespmem:s21], [sflag:$0x4] =	stream.indirect.gather [hbm4b:s4+s15], $0x1, s0, s15, $0xb8;
	[tilespmem:$0x3480] =	vst v63  }
0x92: {  	s30 =	simm.s32 $0x2780  }
0x93: {  	s31 =	simm.s32 $0x2700;
	s0 =	simm.s32 $0x2680;
	s6 =	simm.s32 $0x2600  }
.LBB2_2:
0x94: {  	s6 =	rddreg [dreg:$0x3]  }
0x95: {  	[tilespmem:s0], [sflag:$0x5] =	stream.linear.gather [hbm4b:s6+s0], $0x1800, $0x38;
	[tilespmem:$0x3480] =	vst v63  }
0x96: {  	_ =	swait.ge [sflag:s13], $0x1800  }
0x97: {  	[sflag:s13] =	ssyncset.done $0x0  }
0x98: {  	[sflag:s13] =	ssyncadd.s32 $0xFFFFE800  }
0x99: {  	[tilespmem:s14], [sflag:$0x5] =	stream.linear.gather [hbm4b:s7+s0], $0x1800, $0x38;
	[tilespmem:$0x3480] =	vst v63  }
0x9a: {  	_ =	swait.ge [sflag:s13], $0x1800  }
0x9b: {  	[sflag:s13] =	ssyncset.done $0x0  }
0x9c: {  	[sflag:s13] =	ssyncadd.s32 $0xFFFFE800  }
0x9d: {  	[tilespmem:s16], [sflag:$0x1] =	stream.indirect.gather [hbm4b:s4+s15], $0x1, s0, s15, $0xb8;
	[tilespmem:$0x3480] =	vst v63  }
0x9e: {  	_ = 	snop  }
0x9f: {  	[tilespmem:s17], [sflag:$0x2] =	stream.indirect.gather [hbm4b:s4+s15], $0x1, s15, s15, $0xb8;
	[tilespmem:$0x3480] =	vst v63  }
0xa0: {  	_ = 	snop  }
0xa1: {  	[tilespmem:s19], [sflag:$0x3] =	stream.indirect.gather [hbm4b:s4+s15], $0x1, s18, s15, $0xb8;
	[tilespmem:$0x3480] =	vst v63  }
0xa2: {  	_ = 	snop  }
0xa3: {  	[tilespmem:s21], [sflag:$0x4] =	stream.indirect.gather [hbm4b:s4+s15], $0x1, s20, s15, $0xb8;
	[tilespmem:$0x3480] =	vst v63  }
0xa4: {  	_ =	swait.ge [sflag:s22], $0x80  }
0xa5: {  	[sflag:s22] =	ssyncset.done $0x0  }
0xa6: {  	s31 =	simm.s32 $0x1800;
	[sflag:s22] =	ssyncadd.s32 $0xFFFFFF80  }
0xa7: {  	[spmem:s1] =	stream.indirect.scatter.add.f32 [tilespmem:s16], [sflag:$0x5], $0x1, s31, s15, $0xb8;
	[tilespmem:$0x3480] =	vst v63  }
0xa8: {  	_ =	swait.ge [sflag:s13], $0x80  }
0xa9: {  	[sflag:s13] =	ssyncset.done $0x0  }
0xaa: {  	s6 =	simm.s32 $0x200;
	[sflag:s13] =	ssyncadd.s32 $0xFFFFFF80  }
0xab: {  	[tilespmem:s16], [sflag:$0x1] =	stream.indirect.gather [hbm4b:s4+s15], $0x1, s6, s15, $0xb8;
	[tilespmem:$0x3480] =	vst v63  }
0xac: {  	_ =	swait.ge [sflag:s23], $0x80  }
0xad: {  	[sflag:s23] =	ssyncset.done $0x0  }
0xae: {  	s31 =	simm.s32 $0x1880;
	[sflag:s23] =	ssyncadd.s32 $0xFFFFFF80  }
0xaf: {  	[spmem:s1] =	stream.indirect.scatter.add.f32 [tilespmem:s17], [sflag:$0x5], $0x1, s31, s15, $0xb8;
	[tilespmem:$0x3480] =	vst v63  }
0xb0: {  	_ =	swait.ge [sflag:s13], $0x80  }
0xb1: {  	[sflag:s13] =	ssyncset.done $0x0  }
0xb2: {  	s6 =	simm.s32 $0x280;
	[sflag:s13] =	ssyncadd.s32 $0xFFFFFF80  }
0xb3: {  	[tilespmem:s17], [sflag:$0x2] =	stream.indirect.gather [hbm4b:s4+s15], $0x1, s6, s15, $0xb8;
	[tilespmem:$0x3480] =	vst v63  }
0xb4: {  	_ =	swait.ge [sflag:s24], $0x80  }
0xb5: {  	[sflag:s24] =	ssyncset.done $0x0  }
0xb6: {  	s31 =	simm.s32 $0x1900;
	[sflag:s24] =	ssyncadd.s32 $0xFFFFFF80  }
0xb7: {  	[spmem:s1] =	stream.indirect.scatter.add.f32 [tilespmem:s19], [sflag:$0x5], $0x1, s31, s15, $0xb8;
	[tilespmem:$0x3480] =	vst v63  }
0xb8: {  	_ =	swait.ge [sflag:s13], $0x80  }
0xb9: {  	[sflag:s13] =	ssyncset.done $0x0  }
0xba: {  	s6 =	simm.s32 $0x300;
	[sflag:s13] =	ssyncadd.s32 $0xFFFFFF80  }
0xbb: {  	[tilespmem:s19], [sflag:$0x3] =	stream.indirect.gather [hbm4b:s4+s15], $0x1, s6, s15, $0xb8;
	[tilespmem:$0x3480] =	vst v63  }
0xbc: {  	_ =	swait.ge [sflag:s26], $0x80  }
0xbd: {  	p2 =	por $0x0, $0x0;
	[sflag:s26] =	ssyncset.done $0x0  }
.Ltmp5:
0xbe: {  	s31 =	simm.s32 $0x1980;
	[sflag:s26] =	ssyncadd.s32 $0xFFFFFF80;
	(pc) =	sbr.rel @p2 .LBB2_4-.Ltmp5, $4  }
0xbf: {  	[spmem:s1] =	stream.indirect.scatter.add.f32 [tilespmem:s21], [sflag:$0x5], $0x1, s31, s15, $0xb8;
	[tilespmem:$0x3480] =	vst v63  }
0xc0: {  	_ =	swait.ge [sflag:s13], $0x80  }
0xc1: {  	[sflag:s13] =	ssyncset.done $0x0  }
0xc2: {  	s30 =	simm.s32 $0x800;
	s0 =	simm.s32 $0x380;
	[sflag:s13] =	ssyncadd.s32 $0xFFFFFF80  }
.LBB2_3:
0xc3: {  	[tilespmem:s21], [sflag:$0x4] =	stream.indirect.gather [hbm4b:s4+s15], $0x1, s0, s15, $0xb8;
	[tilespmem:$0x3480] =	vst v63  }
0xc4: {  	s0 =	smov.u32 s30  }
0xc5: {  	p2 =	seq.s32 s30, $0x5000;
	s30 =	sadd.s32 $0x800, s30;
	_ =	swait.ge [sflag:s22], $0x80  }
0xc6: {  	s31 =	sshra.s32 s0, $0x2;
	[sflag:s22] =	ssyncset.done $0x0  }
0xc7: {  	s0 =	sadd.s32 $0x1800, s31;
	[sflag:s22] =	ssyncadd.s32 $0xFFFFFF80  }
0xc8: {  	[spmem:s1] =	stream.indirect.scatter.add.f32 [tilespmem:s16], [sflag:$0x5], $0x1, s0, s15, $0xb8;
	[tilespmem:$0x3480] =	vst v63  }
0xc9: {  	_ =	swait.ge [sflag:s13], $0x80  }
0xca: {  	[sflag:s13] =	ssyncset.done $0x0  }
0xcb: {  	s0 =	sadd.s32 $0x200, s31;
	[sflag:s13] =	ssyncadd.s32 $0xFFFFFF80  }
0xcc: {  	[tilespmem:s16], [sflag:$0x1] =	stream.indirect.gather [hbm4b:s4+s15], $0x1, s0, s15, $0xb8;
	[tilespmem:$0x3480] =	vst v63  }
0xcd: {  	_ =	swait.ge [sflag:s23], $0x80  }
0xce: {  	[sflag:s23] =	ssyncset.done $0x0  }
0xcf: {  	s0 =	sadd.s32 $0x1880, s31;
	[sflag:s23] =	ssyncadd.s32 $0xFFFFFF80  }
0xd0: {  	[spmem:s1] =	stream.indirect.scatter.add.f32 [tilespmem:s17], [sflag:$0x5], $0x1, s0, s15, $0xb8;
	[tilespmem:$0x3480] =	vst v63  }
0xd1: {  	_ =	swait.ge [sflag:s13], $0x80  }
0xd2: {  	[sflag:s13] =	ssyncset.done $0x0  }
0xd3: {  	s0 =	sadd.s32 $0x280, s31;
	[sflag:s13] =	ssyncadd.s32 $0xFFFFFF80  }
0xd4: {  	[tilespmem:s17], [sflag:$0x2] =	stream.indirect.gather [hbm4b:s4+s15], $0x1, s0, s15, $0xb8;
	[tilespmem:$0x3480] =	vst v63  }
0xd5: {  	_ =	swait.ge [sflag:s24], $0x80  }
0xd6: {  	[sflag:s24] =	ssyncset.done $0x0  }
0xd7: {  	s0 =	sadd.s32 $0x1900, s31;
	[sflag:s24] =	ssyncadd.s32 $0xFFFFFF80  }
0xd8: {  	[spmem:s1] =	stream.indirect.scatter.add.f32 [tilespmem:s19], [sflag:$0x5], $0x1, s0, s15, $0xb8;
	[tilespmem:$0x3480] =	vst v63  }
0xd9: {  	_ =	swait.ge [sflag:s13], $0x80  }
0xda: {  	[sflag:s13] =	ssyncset.done $0x0  }
0xdb: {  	s0 =	sadd.s32 $0x300, s31;
	[sflag:s13] =	ssyncadd.s32 $0xFFFFFF80  }
0xdc: {  	[tilespmem:s19], [sflag:$0x3] =	stream.indirect.gather [hbm4b:s4+s15], $0x1, s0, s15, $0xb8;
	[tilespmem:$0x3480] =	vst v63  }
0xdd: {  	_ =	swait.ge [sflag:s26], $0x80  }
0xde: {  	[sflag:s26] =	ssyncset.done $0x0  }
.Ltmp6:
0xdf: {  	s0 =	sadd.s32 $0x1980, s31;
	[sflag:s26] =	ssyncadd.s32 $0xFFFFFF80;
	(pc) =	sbr.rel @!p2 .LBB2_3-.Ltmp6, $4  }
0xe0: {  	[spmem:s1] =	stream.indirect.scatter.add.f32 [tilespmem:s21], [sflag:$0x5], $0x1, s0, s15, $0xb8;
	[tilespmem:$0x3480] =	vst v63  }
0xe1: {  	_ =	swait.ge [sflag:s13], $0x80  }
0xe2: {  	[sflag:s13] =	ssyncset.done $0x0  }
0xe3: {  	s0 =	sadd.s32 $0x380, s31;
	[sflag:s13] =	ssyncadd.s32 $0xFFFFFF80  }
.Ltmp7:
0xe4: {  	_ = 	snop;
	(pc) =	sbr.rel .LBB2_4-.Ltmp7, $1  }
0xe5: {  	_ =	sdelay $0x3  }
.LBB2_9:
0xe6: {  	_ =	sfence.sel $0x180000  }
0xe7: {  	[bflag:$0x0] =	sbarrier.arrive $0xFFFF  }
0xe8: {  	_ =	strace $0x9000004D  }
0xe9: {  	[bflag:$0x2] =	sbarrier.arrive $0xFFFF  }
0xea: {  	s0 =	rddreg [dreg:$0x2]  }
0xeb: {  	s0 =	sadd.s32 @!p1 $0x100000, s0  }
0xec: {  	[sflag:s0] =	ssyncadd.tile.s32 @!p1 $0x1;
	_ =	shalt  }
.Lfunc_end2:
_tile_overlayer_lowered:
.L_overlay_start_2:
0xed: {  	(tag) =	ssettag $0x2  }
0xee: {  	s0 =	rddreg [dreg:$0x0];
	s2 =	stileid.u32  }
0xef: {  	s1 =	rddreg [dreg:$0x1];
	p0 =	sne.s32 s2, $0x0  }
0xf0: {  	s3 =	rddreg [dreg:$0x2];
	[bflag:$0x3] =	sbarrier.arrive $0xFFFF;
	s2 =	simm.s32 @!p0 $0x1C05  }
0xf1: {  	[timem:s3], [sflag:s2] =	dma.local @!p0 [hbm:s0], s1  }
0xf2: {  	s0 =	simm.s32 @!p0 $0x5  }
0xf3: {  	_ =	swait.ge @!p0 [sflag:s0], s1  }
0xf4: {  	s1 =	ssub.s32 @!p0 $0x0, s1;
	[sflag:s0] =	ssyncset.done @!p0 $0x0  }
0xf5: {  	[sflag:s0] =	ssyncadd.s32 @!p0 s1  }
0xf6: {  	[bflag:$0x3] =	sbarrier.arrive $0xFFFF  }
0xf7: {  	_ =	shalt  }

// kernel: kernel.8.cloned.1.call-start
scs
__scs_entry_jumppad:
0x0: {  	(pc) =	sbr.rel $0x88, $3  }
0x1: {  	(tag) =	ssettag $0x0;
	lr =	simm.s32 $0x1  }
0x2: {  	[smem:$0x3F9A] =	sst lr;
	_ =	strace $0xD0000000  }
0x3: {  	_ = 	snop  }
0x4: {  	_ = 	snop  }
0x5: {  	_ = 	snop  }
0x6: {  	_ = 	snop  }
0x7: {  	_ = 	snop  }
__scs_overlays_trampoline_lowered:
0x8: {  	[smem:$0x3FA9] =	sst s0  }
0x9: {  	[smem:$0x3FAA] =	sst s1  }
0xa: {  	[smem:$0x3FAB] =	sst s2  }
0xb: {  	[smem:$0x3FAC] =	sst s3  }
0xc: {  	[smem:$0x3FAD] =	sst s4  }
0xd: {  	[smem:$0x3FAE] =	sst s5  }
0xe: {  	[smem:$0x3FAF] =	sst s6  }
0xf: {  	[smem:$0x3FB0] =	sst s7  }
0x10: {  	[smem:$0x3FB1] =	sst s8  }
0x11: {  	[smem:$0x3FB2] =	sst s9;
	s0 =	simm.s32 @!p0 $0x0  }
0x12: {  	s1 =	sld [smem:$0x3F98];
	s0 =	simm.s32 @p0 $0x1  }
0x13: {  	[smem:$0x3FB3] =	sst s0;
	s0 =	simm.s32 @!p1 $0x0  }
0x14: {  	s2 =	sld [smem:$0x3F97];
	s0 =	simm.s32 @p1 $0x1  }
0x15: {  	[smem:$0x3FB4] =	sst s0;
	s0 =	simm.s32 @!p2 $0x0  }
0x16: {  	s3 =	sld [smem:$0x3FDB];
	s0 =	simm.s32 @p2 $0x1  }
0x17: {  	s4 =	simm.s32 $0x1BF5;
	[smem:$0x3FB6] =	sst s0  }
0x18: {  	s0 =	sld [smem:$0x3F99];
	_ =	swait.ge [sflag:s4], $0x0  }
0x19: {  	s7 =	sld [smem:$0x3F9A]  }
0x1a: {  	s8 =	sadd.s32 $0xFFFFE003, lr  }
0x1b: {  	s9 =	sadd.s32 $0xFFFFFEF7, lr;
	s5 =	simm.s32 $0xFFFFFFFF;
	p2 =	slt.u32 s8, $0xFFFFF086  }
0x1c: {  	p1 =	slt.u32 s9, $0xF7A;
	s5 =	simm.s32 @!p2 $0x0  }
0x1d: {  	s5 =	simm.s32 @p1 $0x1;
	p0 =	seq.s32 s7, s2  }
0x1e: {  	s7 =	smul.u32 @!p0 $0xF7A, s2;
	p2 =	seq.s32 @!p0 s5, $0x0  }
0x1f: {  	s9 =	smul.u32 $0xF7A, s1;
	s8 =	simm.s32 @!p0 $0x1BF5;
	p2 =	por !p2, p0  }
0x20: {  	[sflag:s8] =	ssyncset.s32 @!p0 $0xFFFFF086;
	s6 =	sadd.s32 @!p0 s3, s7;
	s7 =	simm.s32 @!p0 $0x108  }
0x21: {  	s3 =	sadd.s32 s3, s9;
	s6 =	sadd.s32 @!p0 $0x88, s6;
	s7 =	simm.s32 @p2 $0x1082  }
0x22: {  	[simem:s7], [sflag:s8] =	dma.local @!p0 [hbm:s6], $0xF7A  }
0x23: {  	s9 =	sor.u32 $0xD0000000, s2;
	s6 =	simm.s32 $0x108;
	_ =	swait.ge @!p0 [sflag:s8], $0x0  }
0x24: {  	s3 =	sadd.s32 $0x88, s3;
	s6 =	simm.s32 @!p1 $0x1082;
	[sflag:s4] =	ssyncset.s32 $0xFFFFF086  }
0x25: {  	[simem:s6], [sflag:s4] =	dma.local [hbm:s3], $0xF7A  }
0x26: {  	[smem:$0x3F9A] =	sst s1;
	(tag) =	ssettag s2;
	_ =	strace s9  }
0x27: {  	s1 =	sld [smem:$0x3FAA]  }
0x28: {  	s2 =	sld [smem:$0x3FAB]  }
0x29: {  	s4 =	sld [smem:$0x3FAD]  }
0x2a: {  	p0 =	seq.s32 s5, $0x0;
	s5 =	sld [smem:$0x3FAE]  }
0x2b: {  	s6 =	sld [smem:$0x3FAF]  }
0x2c: {  	s7 =	sld [smem:$0x3FB0]  }
0x2d: {  	s3 =	simm.s32 $0x108;
	s8 =	sld [smem:$0x3FB1]  }
0x2e: {  	s3 =	simm.s32 @!p0 $0x1082;
	s9 =	sld [smem:$0x3FB2]  }
0x2f: {  	lr =	sadd.s32 s0, s3;
	s0 =	sld [smem:$0x3FA9]  }
0x30: {  	s3 =	sld [smem:$0x3FAC]  }
0x31: {  	[smem:$0x3FB5] =	sst s10  }
0x32: {  	s10 =	sld [smem:$0x3FB3];
	_ =	sdelay $0x3  }
0x33: {  	p0 =	seq.s32 s10, $0x1;
	s10 =	sld [smem:$0x3FB5];
	_ =	sdelay $0x3  }
0x34: {  	[smem:$0x3FB5] =	sst s10  }
0x35: {  	s10 =	sld [smem:$0x3FB4];
	_ =	sdelay $0x3  }
0x36: {  	p1 =	seq.s32 s10, $0x1;
	s10 =	sld [smem:$0x3FB5];
	_ =	sdelay $0x3  }
0x37: {  	[smem:$0x3FB5] =	sst s10  }
0x38: {  	s10 =	sld [smem:$0x3FB6]  }
0x39: {  	_ = 	snop;
	(pc) =	sbr.ind lr, $3  }
0x3a: {  	_ = 	snop  }
0x3b: {  	_ = 	snop  }
0x3c: {  	p2 =	seq.s32 s10, $0x1;
	s10 =	sld [smem:$0x3FB5]  }
0x3d: {  	_ =	shalt  }
0x3e: {  	_ =	shalt  }
0x3f: {  	_ =	shalt  }
0x40: {  	_ =	shalt  }
0x41: {  	_ =	shalt  }
0x42: {  	_ =	shalt  }
0x43: {  	_ =	shalt  }
0x44: {  	_ =	shalt  }
0x45: {  	_ =	shalt  }
0x46: {  	_ =	shalt  }
0x47: {  	_ =	shalt  }
0x48: {  	_ =	shalt  }
0x49: {  	_ =	shalt  }
0x4a: {  	_ =	shalt  }
0x4b: {  	_ =	shalt  }
0x4c: {  	_ =	shalt  }
0x4d: {  	_ =	shalt  }
0x4e: {  	_ =	shalt  }
0x4f: {  	_ =	shalt  }
0x50: {  	_ =	shalt  }
0x51: {  	_ =	shalt  }
0x52: {  	_ =	shalt  }
0x53: {  	_ =	shalt  }
0x54: {  	_ =	shalt  }
0x55: {  	_ =	shalt  }
0x56: {  	_ =	shalt  }
0x57: {  	_ =	shalt  }
0x58: {  	_ =	shalt  }
0x59: {  	_ =	shalt  }
0x5a: {  	_ =	shalt  }
0x5b: {  	_ =	shalt  }
0x5c: {  	_ =	shalt  }
0x5d: {  	_ =	shalt  }
0x5e: {  	_ =	shalt  }
0x5f: {  	_ =	shalt  }
0x60: {  	_ =	shalt  }
0x61: {  	_ =	shalt  }
0x62: {  	_ =	shalt  }
0x63: {  	_ =	shalt  }
0x64: {  	_ =	shalt  }
0x65: {  	_ =	shalt  }
0x66: {  	_ =	shalt  }
0x67: {  	_ =	shalt  }
0x68: {  	_ =	shalt  }
0x69: {  	_ =	shalt  }
0x6a: {  	_ =	shalt  }
0x6b: {  	_ =	shalt  }
0x6c: {  	_ =	shalt  }
0x6d: {  	_ =	shalt  }
0x6e: {  	_ =	shalt  }
0x6f: {  	_ =	shalt  }
0x70: {  	_ =	shalt  }
0x71: {  	_ =	shalt  }
0x72: {  	_ =	shalt  }
0x73: {  	_ =	shalt  }
0x74: {  	_ =	shalt  }
0x75: {  	_ =	shalt  }
0x76: {  	_ =	shalt  }
0x77: {  	_ =	shalt  }
0x78: {  	_ =	shalt  }
0x79: {  	_ =	shalt  }
0x7a: {  	_ =	shalt  }
0x7b: {  	_ =	shalt  }
0x7c: {  	_ =	shalt  }
0x7d: {  	_ =	shalt  }
0x7e: {  	_ =	shalt  }
0x7f: {  	_ =	shalt  }
0x80: {  	_ =	shalt  }
0x81: {  	_ =	shalt  }
0x82: {  	_ =	shalt  }
0x83: {  	_ =	shalt  }
0x84: {  	_ =	shalt  }
0x85: {  	_ =	shalt  }
0x86: {  	_ =	shalt  }
0x87: {  	_ =	shalt  }
.Lfunc_end0:
.L_simem_size_0:
called_computation_lowered:
.L_overlay_start_0:
0x88: {  	s2 =	sld [smem:$0x3FD9]  }
0x89: {  	s3 =	sld [smem:$0x3FFE];
	_ =	sdelay $0x1  }
0x8a: {  	s1 =	srdreg.scid  }
0x8b: {  	s0 =	sand.u32 $0x1, s1  }
0x8c: {  	s17 =	sshll.u32 s0, $0xA;
	s2 =	sadd.s32 s3, s2  }
0x8d: {  	s2 =	sadd.s32 s2, s17  }
0x8e: {  	[smem:$0x3FC1] =	sst s2  }
0x8f: {  	_ = 	snop  }
0x90: {  	s2 =	sld [smem:$0x3FD0];
	(tm) =	ssettm $0x1  }
0x91: {  	s18 =	sld [smem:$0x3FFB];
	_ =	sdelay $0x3  }
0x92: {  	_ =	strace s18  }
0x93: {  	s3 =	sld [smem:$0x3FFC];
	_ =	sdelay $0x3  }
0x94: {  	_ =	strace s3  }
0x95: {  	s3 =	sld [smem:$0x3FFD];
	_ =	sdelay $0x3  }
0x96: {  	_ =	strace s3  }
0x97: {  	_ =	strace $0x8FFFFFFF  }
0x98: {  	s19 =	sld [smem:$0x3FDB];
	_ =	sdelay $0x1  }
0x99: {  	s4 =	simm.s32 $_scs_section_size  }
0x9a: {  	s5 =	simm.s32 $_size__tile_overlayer_lowered;
	s6 =	simm.s32 $_tile_overlayer_lowered  }
0x9b: {  	s22 =	simm.s32 $0x1BFF;
	s21 =	sshll.u32 s6, $0x1;
	s3 =	sadd.s32 s4, s19  }
0x9c: {  	s7 =	simm.s32 $0x0;
	s20 =	sshll.u32 s5, $0x1;
	s5 =	sadd.s32 s21, s3  }
0x9d: {  	[timem:s7], [sflag:s22] =	dma.local [hbm:s5], s20  }
0x9e: {  	_ =	swait.ge [sflag:s22], s20  }
0x9f: {  	s4 =	ssub.s32 $0x0, s20;
	[sflag:s22] =	ssyncset.done $0x0  }
0xa0: {  	[sflag:s22] =	ssyncadd.s32 s4;
	_ =	sdelay $0x1  }
0xa1: {  	s23 =	simm.s32 $0x1B8B  }
0xa2: {  	_ =	swait.ge [sflag:s23], $0x1  }
0xa3: {  	[sflag:s23] =	ssyncset.done $0x0  }
0xa4: {  	s25 =	simm.s32 $0x1B8E;
	s24 =	sld [smem:$0x3FFE];
	[sflag:s23] =	ssyncadd.s32 $0xFFFFFFFF  }
0xa5: {  	s26 =	simm.s32 $execute0_lowered;
	[smem:$0x3FD2] =	sst s25  }
0xa6: {  	s5 =	sshll.u32 s26, $0x1;
	_ =	strace $0x80000046;
	[dreg:$0x1] =	wrdreg $0xFFFFFFFF  }
0xa7: {  	s28 =	simm.s32 $_size_execute0_lowered;
	s3 =	sadd.s32 s3, s5;
	[dreg:$0x0] =	wrdreg $0x0  }
0xa8: {  	s5 =	sshll.u32 s28, $0x1;
	[dreg:$0x2] =	wrdreg s3  }
0xa9: {  	[dreg:$0x3] =	wrdreg s5  }
0xaa: {  	[dreg:$0x4] =	wrdreg $0xC0  }
0xab: {  	_ =	task [dreg:s7], $0x5FFFF  }
0xac: {  	[dreg:$0x1] =	wrdreg $0xFFFFFFFF  }
0xad: {  	[dreg:$0x0] =	wrdreg $0x60  }
0xae: {  	[dreg:$0x2] =	wrdreg s24  }
0xaf: {  	[dreg:$0x3] =	wrdreg s2  }
0xb0: {  	[dreg:$0x4] =	wrdreg $0x14800  }
0xb1: {  	[dreg:$0x5] =	wrdreg $0x9  }
0xb2: {  	_ =	task.clear_ibuf [dreg:s7], $0x6FFFF;
	_ =	strace $0x90000046  }
0xb3: {  	s29 =	simm.s32 $0x9;
	_ =	strace $0x80000048  }
0xb4: {  	_ =	swait.ge [sflag:s29], $0x1  }
0xb5: {  	[sflag:s29] =	ssyncadd.s32 $0xFFFFFFFF  }
0xb6: {  	_ =	strace $0x90000048  }
0xb7: {  	_ =	sfence  }
0xb8: {  	s30 =	sld [smem:$0x0];
	_ =	sdelay $0x2  }
0xb9: {  	s31 =	sshll.u32 s1, $0xD;
	s1 =	sshrl.u32 s1, $0x2  }
0xba: {  	s3 =	sand.u32 $0x4000, s31;
	s1 =	sadd.s32 s1, s30  }
0xbb: {  	s0 =	sor.u32 s3, s0;
	s1 =	sshll.u32 s1, $0x11  }
0xbc: {  	s0 =	sor.u32 s1, s0  }
0xbd: {  	s0 =	sadd.s32 $0x8F2B, s0  }
0xbe: {  	[sflag:s0] =	ssyncadd.remote.s32 $0x1  }
0xbf: {  	_ =	sfence.sel $0xFFFF  }
0xc0: {  	[dreg:$0x0] =	wrdreg $0xFFFFFFFF;
	(pc) =	sbr.abs _section_cstart, $3  }
0xc1: {  	[dreg:$0x1] =	wrdreg $0xFFFFFFFF  }
0xc2: {  	_ =	task.clear_ibuf [dreg:s7], $0x2FFFF;
	_ =	strace $0x9FFFFFFF  }
0xc3: {  	(tm) =	ssettm $0x7FFFFFFF  }
tec
execute0_lowered:
.L_overlay_start_1:
0x0: {  	(tag) =	ssettag $0x1  }
0x1: {  	s5 =	rddreg [dreg:$0x0];
	s0 =	srdreg.scid  }
0x2: {  	s11 =	stileid.u32;
	s1 =	rddreg [dreg:$0x1]  }
0x3: {  	s2 =	rddreg [dreg:$0x2];
	s3 =	simm.s32 $0x0;
	s14 =	simm.s32 $0x20  }
0x4: {  	s15 =	simm.s32 $0x10;
	s16 =	simm.s32 $0x0;
	s4 =	sand.u32 $0x1, s0  }
0x5: {  	s30 =	sshll.u32 s11, $0x1;
	s0 =	rddreg [dreg:$0x3];
	s7 =	smul.u32 $0x500, s11  }
0x6: {  	[smem:$0x7FF] =	sst s3;
	s9 =	smul.u32 $0xA00, s11;
	p0 =	sne.s32 s11, $0x0  }
0x7: {  	s12 =	sshll.u32 s11, $0x6;
	s11 =	simm.s32 $0x80;
	s6 =	sor.u32 s4, s30  }
0x8: {  	_ =	strace $0x80000047;
	s8 =	sshll.u32 s4, $0x7;
	s31 =	ssub.s32 $0x2, s4  }
0x9: {  	s4 =	sadd.s32 $0xC000, s5;
	s12 =	sor.u32 $0x1C01, s12;
	s6 =	smul.u32 $0x280, s6  }
0xa: {  	s7 =	sor.u32 s8, s7;
	s10 =	sshrl.u32 s31, $0x1;
	s9 =	sshrl.u32 s9, $0x2  }
0xb: {  	s7 =	sshrl.u32 s7, $0x3;
	s8 =	ssub.s32 s31, s10;
	s13 =	sadd.s32 s9, s2  }
0xc: {  	s9 =	simm.s32 $0x1400;
	s10 =	sshrl.u32 @!p0 s2, $0x3;
	s6 =	sadd.s32 s6, s5  }
0xd: {  	s7 =	sadd.s32 s7, s5;
	s13 =	sshrl.u32 s13, $0x3;
	s5 =	sadd.s32 $0x2000, s6  }
0xe: {  	s6 =	sadd.s32 $0x34000, s7;
	s7 =	smax.u32 s8, $0x1;
	s8 =	simm.s32 $0x1  }
.LBB2_1:
0xf: {  	[tilespmem:s3], [sflag:$0x1] =	stream.linear.gather [hbm4b:s5+s3], $0x1400, $0x38;
	[tilespmem:$0x1700] =	vst v63  }
0x10: {  	_ =	swait.ge [sflag:s8], $0x1400  }
0x11: {  	[sflag:s8] =	ssyncset.done $0x0  }
0x12: {  	[sflag:s8] =	ssyncadd.s32 $0xFFFFEC00  }
0x13: {  	[tilespmem:s9], [sflag:$0x1] =	stream.linear.gather [hbm4b:s1+s3], $0x80, $0x38;
	[tilespmem:$0x1700] =	vst v63  }
0x14: {  	_ =	swait.ge [sflag:s8], $0x80  }
0x15: {  	[sflag:s8] =	ssyncset.done $0x0  }
0x16: {  	s17 =	simm.s32 @!p0 $0x1C01;
	[sflag:s8] =	ssyncadd.s32 $0xFFFFFF80  }
0x17: {  	[spmem:s10], [sflag:s17] =	dma.local @!p0 [hbm:s4], $0x500  }
0x18: {  	s17 =	simm.s32 @!p0 $0x1  }
0x19: {  	_ =	swait.ge @!p0 [sflag:s17], $0x500  }
0x1a: {  	[sflag:s17] =	ssyncset.done @!p0 $0x0  }
0x1b: {  	[sflag:s17] =	ssyncadd.s32 @!p0 $0xFFFFFB00  }
0x1c: {  	s31 =	simm.s32 $0x0;
	[bflag:$0x0] =	sbarrier.arrive $0xFFFF  }
0x1d: {  	[spmem:s2] =	stream.indirect.scatter.add.f32 [tilespmem:s9], [sflag:$0x1], $0x1, s31, s11, $0xb8;
	[tilespmem:$0x1700] =	vst v63  }
0x1e: {  	_ =	swait.ge [sflag:s8], $0x80  }
0x1f: {  	s17 =	simm.s32 $0x200;
	[sflag:s8] =	ssyncset.done $0x0  }
.LBB2_2:
0x20: {  	s18 =	sshra.s32 s17, $0x2;
	[sflag:s8] =	ssyncadd.s32 $0xFFFFFF80;
	p1 =	sne.s32 s17, $0x4E00  }
0x21: {  	[spmem:s2] =	stream.indirect.scatter.add.f32 [tilespmem:s9], [sflag:$0x1], $0x1, s18, s11, $0xb8;
	[tilespmem:$0x1700] =	vst v63  }
.Ltmp0:
0x22: {  	_ = 	snop;
	(pc) =	sbr.rel @p1 .LBB2_2-.Ltmp0, $4  }
0x23: {  	_ = 	snop  }
0x24: {  	s17 =	sadd.s32 $0x200, s17  }
0x25: {  	_ =	swait.ge [sflag:s8], $0x80  }
0x26: {  	[sflag:s8] =	ssyncset.done $0x0  }
0x27: {  	s16 =	sadd.s32 $0x1, s16  }
0x28: {  	[sflag:s8] =	ssyncadd.s32 $0xFFFFFF80;
	p1 =	sne.s32 s16, s7  }
.Ltmp1:
0x29: {  	[bflag:$0x0] =	sbarrier.arrive $0xFFFF;
	(pc) =	sbr.rel @p1 .LBB2_1-.Ltmp1, $4  }
0x2a: {  	[hbm:s6@s14], [sflag:s12] =	dma.strided [spmem:s13@s15], $0x50, s8, $0x10   }
0x2b: {  	_ =	swait.ge [sflag:s8], $0x50  }
0x2c: {  	[sflag:s8] =	ssyncset.done $0x0  }
0x2d: {  	[sflag:s8] =	ssyncadd.s32 $0xFFFFFFB0  }
0x2e: {  	_ =	sfence.sel $0x180000  }
0x2f: {  	[bflag:$0x0] =	sbarrier.arrive $0xFFFF  }
0x30: {  	_ =	strace $0x90000047  }
0x31: {  	s0 =	sadd.s32 @!p0 $0x100000, s0;
	[bflag:$0x2] =	sbarrier.arrive $0xFFFF  }
0x32: {  	[sflag:s0] =	ssyncadd.tile.s32 @!p0 $0x1;
	_ =	shalt  }
.Lfunc_end2:
_tile_overlayer_lowered:
.L_overlay_start_2:
0x33: {  	(tag) =	ssettag $0x2  }
0x34: {  	s0 =	rddreg [dreg:$0x0];
	s2 =	stileid.u32  }
0x35: {  	s1 =	rddreg [dreg:$0x1];
	p0 =	sne.s32 s2, $0x0  }
0x36: {  	s3 =	rddreg [dreg:$0x2];
	[bflag:$0x3] =	sbarrier.arrive $0xFFFF;
	s2 =	simm.s32 @!p0 $0x1C01  }
0x37: {  	[timem:s3], [sflag:s2] =	dma.local @!p0 [hbm:s0], s1  }
0x38: {  	s0 =	simm.s32 @!p0 $0x1  }
0x39: {  	_ =	swait.ge @!p0 [sflag:s0], s1  }
0x3a: {  	s1 =	ssub.s32 @!p0 $0x0, s1;
	[sflag:s0] =	ssyncset.done @!p0 $0x0  }
0x3b: {  	[sflag:s0] =	ssyncadd.s32 @!p0 s1  }
0x3c: {  	[bflag:$0x3] =	sbarrier.arrive $0xFFFF  }
0x3d: {  	_ =	shalt  }

</sc_bundles>
